<compile_context>
chip_gen: v7x
topology: tpu7x:2x2x1
jax: 0.10.2.dev20260603
libtpu: 0.0.44.dev20260713+nightly
codegen_flags: <defaults>
</compile_context>

<pallas_src>
import functools

import jax
import jax.numpy as jnp
from jax import lax
from jax.experimental import pallas as pl
from jax.experimental.pallas import tpu as pltpu
from jax.experimental.pallas import tpu_sc as plsc

N = 10000
E = 320000
D = 128
NC, NS = 2, 16
NW = NC * NS
CHUNK = 64
NBUF = 4
SG = 32
NSEG = 5
CPT = SG * NSEG
E_PAD = NW * CPT * CHUNK
CH_DEG = 128
CPT_DEG = 80
RPT = 632
ACC_ROWS = NS * RPT
DUMP = N
NDUMP = ACC_ROWS - N
ZR = RPT // 4
DEG_W = 8
BLK = 400



def _make_sc_scatter():
    mesh = plsc.VectorSubcoreMesh(core_axis_name="c", subcore_axis_name="s")

    @functools.partial(
        pl.kernel,
        mesh=mesh,
        out_type=jax.ShapeDtypeStruct((NC, ACC_ROWS, D), jnp.float32),
        scratch_types=[
            pltpu.VMEM((SG, CHUNK), jnp.int32),
            pltpu.VMEM((SG, CHUNK), jnp.int32),
        ] + [pltpu.VMEM((CHUNK, D), jnp.float32)] * NBUF
          + [pltpu.SemaphoreType.DMA] * NBUF + [
            pltpu.VMEM_SHARED((ACC_ROWS, D), jnp.float32),
        ],
    )
    def sc_scatter(g_hbm, src_hbm, dst_hbm, zrows_hbm, out_hbm,
                   src_v, dst_v, *rest):
        rows = rest[:NBUF]
        sems = rest[NBUF:2 * NBUF]
        acc = rest[2 * NBUF]
        c = lax.axis_index("c")
        s = lax.axis_index("s")
        wid = c * NS + s
        base = s * RPT
        pltpu.sync_copy(zrows_hbm, acc.at[pl.ds(base, RPT)])
        plsc.subcore_barrier()

        def seg_body(seg, carry):
            pltpu.sync_copy(src_hbm.at[wid, seg], src_v)
            pltpu.sync_copy(dst_hbm.at[wid, seg], dst_v)
            for b in range(NBUF - 1):
                pltpu.async_copy(g_hbm.at[src_v.at[b]], rows[b], sems[b])

            def body(jj, carry2):
                for b in range(NBUF):
                    j = jj * NBUF + b
                    nxt = j + NBUF - 1
                    bn = (b + NBUF - 1) % NBUF

                    @pl.when(nxt < SG)
                    def _():
                        pltpu.async_copy(g_hbm.at[src_v.at[nxt]], rows[bn], sems[bn])

                    pltpu.make_async_copy(g_hbm.at[src_v.at[j]], rows[b], sems[b]).wait()
                    pltpu.sync_copy(rows[b], acc.at[dst_v.at[j]], add=True)
                return carry2

            lax.fori_loop(0, SG // NBUF, body, 0)
            return carry

        lax.fori_loop(0, NSEG, seg_body, 0)
        plsc.subcore_barrier()
        pltpu.sync_copy(acc.at[pl.ds(base, RPT)], out_hbm.at[c, pl.ds(base, RPT)])

    return sc_scatter


def _make_sc_degree():
    mesh = plsc.VectorSubcoreMesh(core_axis_name="c", subcore_axis_name="s")

    @functools.partial(
        pl.kernel,
        mesh=mesh,
        out_type=jax.ShapeDtypeStruct((NC, ACC_ROWS, D), jnp.float32),
        scratch_types=[
            pltpu.VMEM((CPT_DEG, CH_DEG), jnp.int32),
            pltpu.VMEM((CH_DEG, D), jnp.float32),
            pltpu.VMEM_SHARED((ACC_ROWS, D), jnp.float32),
        ],
    )
    def sc_degree(dst_hbm, ones_hbm, zrows_hbm, out_hbm, dst_v, ones_v, acc):
        c = lax.axis_index("c")
        s = lax.axis_index("s")
        wid = c * NS + s
        pltpu.sync_copy(dst_hbm.at[wid], dst_v)
        pltpu.sync_copy(ones_hbm, ones_v)
        base = s * RPT
        pltpu.sync_copy(zrows_hbm, acc.at[pl.ds(base, RPT)])
        plsc.subcore_barrier()

        def body(j, carry):
            pltpu.sync_copy(ones_v, acc.at[dst_v.at[j]], add=True)
            return carry

        lax.fori_loop(0, CPT_DEG, body, 0)
        plsc.subcore_barrier()
        pltpu.sync_copy(acc.at[pl.ds(base, RPT)], out_hbm.at[c, pl.ds(base, RPT)])

    return sc_degree


_sc_scatter = _make_sc_scatter()
_sc_degree = _make_sc_degree()



def _row_spec():
    return pl.BlockSpec((BLK, D), lambda i: (i, 0))


def _deg_spec():
    return pl.BlockSpec((BLK, DEG_W), lambda i: (i, 0))


def _full_spec(shape):
    return pl.BlockSpec(shape, lambda i: (0,) * len(shape))


def _dinv(dp0_ref, dp1_ref):
    deg = dp0_ref[:, 0:1] + dp1_ref[:, 0:1] + 1.0
    return lax.rsqrt(deg)


def _tc_matmul_body(x, w, xw_out):
    xw_out[...] = jnp.dot(x[...], w[...], preferred_element_type=jnp.float32)


def _tc_scale_body(dp0, dp1, xw, g_out):
    g_out[...] = _dinv(dp0, dp1) * xw[...]


def _tc_mid_body(dp0, dp1, s0, s1, g, b, w, g_out):
    dinv = _dinv(dp0, dp1)
    h = dinv * (s0[...] + s1[...] + g[...]) + b[...]
    h = jax.nn.gelu(h)
    g_out[...] = dinv * jnp.dot(h, w[...], preferred_element_type=jnp.float32)


def _tc_last_body(dp0, dp1, s0, s1, g, b, out):
    out[...] = _dinv(dp0, dp1) * (s0[...] + s1[...] + g[...]) + b[...]


_GRID = (N // BLK,)
_OUT = jax.ShapeDtypeStruct((N, D), jnp.float32)

_tc_matmul = pl.pallas_call(
    _tc_matmul_body,
    grid=_GRID,
    in_specs=[_row_spec(), _full_spec((D, D))],
    out_specs=_row_spec(),
    out_shape=_OUT,
)

_tc_scale = pl.pallas_call(
    _tc_scale_body,
    grid=_GRID,
    in_specs=[_deg_spec(), _deg_spec(), _row_spec()],
    out_specs=_row_spec(),
    out_shape=_OUT,
)

_tc_mid = pl.pallas_call(
    _tc_mid_body,
    grid=_GRID,
    in_specs=[_deg_spec(), _deg_spec(), _row_spec(), _row_spec(), _row_spec(),
              _full_spec((1, D)), _full_spec((D, D))],
    out_specs=_row_spec(),
    out_shape=_OUT,
)

_tc_last = pl.pallas_call(
    _tc_last_body,
    grid=_GRID,
    in_specs=[_deg_spec(), _deg_spec(), _row_spec(), _row_spec(), _row_spec(),
              _full_spec((1, D))],
    out_specs=_row_spec(),
    out_shape=_OUT,
)



def kernel(x, edge_index, W1, b1, W2, b2, W3, b3):
    src = edge_index[0]
    dst = edge_index[1]
    pad = E_PAD - E
    pad_ar = jnp.arange(pad, dtype=jnp.int32)
    pad_dst = DUMP + pad_ar % NDUMP
    pad_src = pad_ar % N
    src4 = jnp.concatenate([src, pad_src]).reshape(NW, NSEG, SG, CHUNK)
    dst_p = jnp.concatenate([dst, pad_dst])
    dst4 = dst_p.reshape(NW, NSEG, SG, CHUNK)
    dst3 = dst_p.reshape(NW, CPT_DEG, CH_DEG)
    zrows = jnp.zeros((RPT, D), jnp.float32)
    ones_rows = jnp.ones((CH_DEG, D), jnp.float32)

    degp = _sc_degree(dst3, ones_rows, zrows)
    xw1 = _tc_matmul(x, W1)
    dp0 = degp[0, :N, :DEG_W]
    dp1 = degp[1, :N, :DEG_W]
    b1r, b2r, b3r = (b.reshape(1, D) for b in (b1, b2, b3))

    g1 = _tc_scale(dp0, dp1, xw1)
    S1 = _sc_scatter(g1, src4, dst4, zrows)
    g2 = _tc_mid(dp0, dp1, S1[0, :N], S1[1, :N], g1, b1r, W2)
    S2 = _sc_scatter(g2, src4, dst4, zrows)
    g3 = _tc_mid(dp0, dp1, S2[0, :N], S2[1, :N], g2, b2r, W3)
    S3 = _sc_scatter(g3, src4, dst4, zrows)
    return _tc_last(dp0, dp1, S3[0, :N], S3[1, :N], g3, b3r)

# --- scband reference (transcript-rebuilt; emitter-appended) ---
"""Pipeline reference for scband-gcn-capacity-20289425507112 (READ-ONLY COPY).

The authoritative reference and input builder live on the scoring server;
editing this copy changes nothing except your own understanding.
"""

import jax, jax.numpy as jnp
import numpy as np

N_NODES = 10000
N_EDGES = 320000
D_IN = 128
D_HID = 128
D_OUT = 128


def gcn_conv(x, edge_index, W, b):
    # Faithful PyG GCNConv: add self-loops, symmetric normalization D^-1/2 (A+I) D^-1/2 X W + b
    N = x.shape[0]
    loop = jnp.arange(N, dtype=edge_index.dtype)
    src = jnp.concatenate([edge_index[0], loop])
    dst = jnp.concatenate([edge_index[1], loop])
    deg = jnp.zeros((N,), dtype=x.dtype).at[dst].add(1.0)
    dinv = jnp.where(deg > 0, jax.lax.rsqrt(deg), 0.0)
    norm = dinv[src] * dinv[dst]
    h = x @ W
    msg = h[src] * norm[:, None]
    out = jax.ops.segment_sum(msg, dst, num_segments=N)
    return out + b


def setup_inputs(seed: int = 0) -> dict:
    key = jax.random.key(seed)
    ks = jax.random.split(key, 8)
    x = jax.random.normal(ks[0], (N_NODES, D_IN), dtype=jnp.float32)
    edge_index = jax.random.randint(ks[1], (2, N_EDGES), 0, N_NODES, dtype=jnp.int32)
    s1 = 1.0 / np.sqrt(D_IN)
    s2 = 1.0 / np.sqrt(D_HID)
    W1 = jax.random.normal(ks[2], (D_IN, D_HID), dtype=jnp.float32) * s1
    b1 = jnp.zeros((D_HID,), dtype=jnp.float32)
    W2 = jax.random.normal(ks[3], (D_HID, D_HID), dtype=jnp.float32) * s2
    b2 = jnp.zeros((D_HID,), dtype=jnp.float32)
    W3 = jax.random.normal(ks[4], (D_HID, D_OUT), dtype=jnp.float32) * s2
    b3 = jnp.zeros((D_OUT,), dtype=jnp.float32)
    return {"x": x, "edge_index": edge_index, "W1": W1, "b1": b1, "W2": W2, "b2": b2, "W3": W3, "b3": b3}


def reference(x, edge_index, W1, b1, W2, b2, W3, b3):
    h = jax.nn.gelu(gcn_conv(x, edge_index, W1, b1))
    h = jax.nn.gelu(gcn_conv(h, edge_index, W2, b2))
    return gcn_conv(h, edge_index, W3, b3)

if __name__ == "__main__":
    import jax
    _d = setup_inputs()
    print(jax.jit(kernel)(*tuple(_d.values())))

</pallas_src>

<mosaic_0001>
#map = affine_map<(d0, d1) -> (0, 0)>
#map1 = affine_map<(d0, d1) -> (0, 0, 0, 0)>
#map2 = affine_map<(d0, d1) -> (0, 0, 0)>
module attributes {stable_mosaic.version = 14 : i64} {
  func.func @sc_scatter(%arg0: i32, %arg1: i32, %arg2: memref<10000x128xf32, #tpu.memory_space<hbm>>, %arg3: memref<32x5x32x64xi32, #tpu.memory_space<hbm>>, %arg4: memref<32x5x32x64xi32, #tpu.memory_space<hbm>>, %arg5: memref<632x128xf32, #tpu.memory_space<hbm>>, %arg6: memref<2x10112x128xf32, #tpu.memory_space<hbm>>, %arg7: memref<32x64xi32, #tpu.memory_space<vmem>>, %arg8: memref<32x64xi32, #tpu.memory_space<vmem>>, %arg9: memref<64x128xf32, #tpu.memory_space<vmem>>, %arg10: memref<64x128xf32, #tpu.memory_space<vmem>>, %arg11: memref<64x128xf32, #tpu.memory_space<vmem>>, %arg12: memref<64x128xf32, #tpu.memory_space<vmem>>, %arg13: memref<!tpu.dma_semaphore, #tpu.memory_space<semaphore_mem>>, %arg14: memref<!tpu.dma_semaphore, #tpu.memory_space<semaphore_mem>>, %arg15: memref<!tpu.dma_semaphore, #tpu.memory_space<semaphore_mem>>, %arg16: memref<!tpu.dma_semaphore, #tpu.memory_space<semaphore_mem>>, %arg17: memref<10112x128xf32, #tpu.memory_space<vmem_shared>>) attributes {dimension_semantics = [#tpu.dimension_semantics<core_parallel>, #tpu.dimension_semantics<subcore_parallel>], iteration_bounds = array<i64: 2, 16>, scalar_prefetch = 0 : i64, scratch_operands = 11 : i64, tpu.core_type = #tpu.core_type<sc_vector_subcore>, window_params = [{transform_indices = #map}, {transform_indices = #map1}, {transform_indices = #map1}, {transform_indices = #map}, {transform_indices = #map2}]} {
    %mul3A = arith.constant 16 : i32
    %mul3A_0 = arith.muli %arg0, %mul3A : i32
    %add3A = arith.addi %mul3A_0, %arg1 : i32
    %mul3A_1 = arith.constant 632 : i32
    %mul3A_2 = arith.muli %arg1, %mul3A_1 : i32
    "tpu.region"() ({
      %run_scoped3A = tpu.sem_alloc : memref<!tpu.dma_semaphore, #tpu.memory_space<semaphore_mem>>
      %dma_start3A = arith.constant 0 : i32
      %dma_start3A_9 = tpu.memref_slice %arg17[%mul3A_2, %dma_start3A] : memref<10112x128xf32, #tpu.memory_space<vmem_shared>> -> memref<632x128xf32, #tpu.memory_space<vmem_shared>>
      tpu.enqueue_dma source(%arg5 : memref<632x128xf32, #tpu.memory_space<hbm>>) target(%dma_start3A_9 : memref<632x128xf32, #tpu.memory_space<vmem_shared>>) target_semaphore(%run_scoped3A : memref<!tpu.dma_semaphore, #tpu.memory_space<semaphore_mem>>)
      %dma_wait3A = arith.constant 0 : i32
      %dma_wait3A_10 = tpu.memref_slice %arg17[%mul3A_2, %dma_wait3A] : memref<10112x128xf32, #tpu.memory_space<vmem_shared>> -> memref<632x128xf32, #tpu.memory_space<vmem_shared>>
      tpu.wait_dma2 semaphore(%run_scoped3A : memref<!tpu.dma_semaphore, #tpu.memory_space<semaphore_mem>>) src(%arg5 : memref<632x128xf32, #tpu.memory_space<hbm>>) dst(%dma_wait3A_10 : memref<632x128xf32, #tpu.memory_space<vmem_shared>>)
      tpu.yield
    }) : () -> ()
    %barrier3A = arith.constant 0 : index
    tpu.barrier barrier_id(%barrier3A)
    %scan3A = arith.constant 0 : i32
    %scan3A_3 = arith.constant 0 : i32
    %scan3A_4 = arith.constant 5 : i32
    %scan3A_5 = arith.addi %scan3A_3, %scan3A_4 : i32
    %scan3A_6 = arith.constant 1 : i32
    scf.for %scan3A_9 = %scan3A_3 to %scan3A_5 step %scan3A_6  : i32 {
      "tpu.region"() ({
        %run_scoped3A = tpu.sem_alloc : memref<!tpu.dma_semaphore, #tpu.memory_space<semaphore_mem>>
        %dma_start3A_36 = arith.constant 0 : i32
        %dma_start3A_37 = arith.constant 0 : i32
        %dma_start3A_38 = tpu.memref_slice %arg3[%add3A, %scan3A_9, %dma_start3A_36, %dma_start3A_37] : memref<32x5x32x64xi32, #tpu.memory_space<hbm>> -> memref<1x1x32x64xi32, #tpu.memory_space<hbm>>
        %dma_start3A_39 = tpu.memref_squeeze %dma_start3A_38 : memref<1x1x32x64xi32, #tpu.memory_space<hbm>> -> memref<32x64xi32, #tpu.memory_space<hbm>>
        %dma_start3A_40 = arith.constant 0 : i32
        %dma_start3A_41 = arith.constant 0 : i32
        %dma_start3A_42 = tpu.memref_slice %arg3[%add3A, %scan3A_9, %dma_start3A_40, %dma_start3A_41] : memref<32x5x32x64xi32, #tpu.memory_space<hbm>> -> memref<1x1x32x64xi32, #tpu.memory_space<hbm>>
        %dma_start3A_43 = tpu.memref_squeeze %dma_start3A_42 : memref<1x1x32x64xi32, #tpu.memory_space<hbm>> -> memref<32x64xi32, #tpu.memory_space<hbm>>
        tpu.enqueue_dma source(%dma_start3A_43 : memref<32x64xi32, #tpu.memory_space<hbm>>) target(%arg7 : memref<32x64xi32, #tpu.memory_space<vmem>>) target_semaphore(%run_scoped3A : memref<!tpu.dma_semaphore, #tpu.memory_space<semaphore_mem>>)
        %dma_wait3A = arith.constant 0 : i32
        %dma_wait3A_44 = arith.constant 0 : i32
        %dma_wait3A_45 = tpu.memref_slice %arg3[%add3A, %scan3A_9, %dma_wait3A, %dma_wait3A_44] : memref<32x5x32x64xi32, #tpu.memory_space<hbm>> -> memref<1x1x32x64xi32, #tpu.memory_space<hbm>>
        %dma_wait3A_46 = tpu.memref_squeeze %dma_wait3A_45 : memref<1x1x32x64xi32, #tpu.memory_space<hbm>> -> memref<32x64xi32, #tpu.memory_space<hbm>>
        %dma_wait3A_47 = arith.constant 0 : i32
        %dma_wait3A_48 = arith.constant 0 : i32
        %dma_wait3A_49 = tpu.memref_slice %arg3[%add3A, %scan3A_9, %dma_wait3A_47, %dma_wait3A_48] : memref<32x5x32x64xi32, #tpu.memory_space<hbm>> -> memref<1x1x32x64xi32, #tpu.memory_space<hbm>>
        %dma_wait3A_50 = tpu.memref_squeeze %dma_wait3A_49 : memref<1x1x32x64xi32, #tpu.memory_space<hbm>> -> memref<32x64xi32, #tpu.memory_space<hbm>>
        tpu.wait_dma2 semaphore(%run_scoped3A : memref<!tpu.dma_semaphore, #tpu.memory_space<semaphore_mem>>) src(%dma_wait3A_50 : memref<32x64xi32, #tpu.memory_space<hbm>>) dst(%arg7 : memref<32x64xi32, #tpu.memory_space<vmem>>)
        tpu.yield
      }) : () -> ()
      "tpu.region"() ({
        %run_scoped3A = tpu.sem_alloc : memref<!tpu.dma_semaphore, #tpu.memory_space<semaphore_mem>>
        %dma_start3A_36 = arith.constant 0 : i32
        %dma_start3A_37 = arith.constant 0 : i32
        %dma_start3A_38 = tpu.memref_slice %arg4[%add3A, %scan3A_9, %dma_start3A_36, %dma_start3A_37] : memref<32x5x32x64xi32, #tpu.memory_space<hbm>> -> memref<1x1x32x64xi32, #tpu.memory_space<hbm>>
        %dma_start3A_39 = tpu.memref_squeeze %dma_start3A_38 : memref<1x1x32x64xi32, #tpu.memory_space<hbm>> -> memref<32x64xi32, #tpu.memory_space<hbm>>
        %dma_start3A_40 = arith.constant 0 : i32
        %dma_start3A_41 = arith.constant 0 : i32
        %dma_start3A_42 = tpu.memref_slice %arg4[%add3A, %scan3A_9, %dma_start3A_40, %dma_start3A_41] : memref<32x5x32x64xi32, #tpu.memory_space<hbm>> -> memref<1x1x32x64xi32, #tpu.memory_space<hbm>>
        %dma_start3A_43 = tpu.memref_squeeze %dma_start3A_42 : memref<1x1x32x64xi32, #tpu.memory_space<hbm>> -> memref<32x64xi32, #tpu.memory_space<hbm>>
        tpu.enqueue_dma source(%dma_start3A_43 : memref<32x64xi32, #tpu.memory_space<hbm>>) target(%arg8 : memref<32x64xi32, #tpu.memory_space<vmem>>) target_semaphore(%run_scoped3A : memref<!tpu.dma_semaphore, #tpu.memory_space<semaphore_mem>>)
        %dma_wait3A = arith.constant 0 : i32
        %dma_wait3A_44 = arith.constant 0 : i32
        %dma_wait3A_45 = tpu.memref_slice %arg4[%add3A, %scan3A_9, %dma_wait3A, %dma_wait3A_44] : memref<32x5x32x64xi32, #tpu.memory_space<hbm>> -> memref<1x1x32x64xi32, #tpu.memory_space<hbm>>
        %dma_wait3A_46 = tpu.memref_squeeze %dma_wait3A_45 : memref<1x1x32x64xi32, #tpu.memory_space<hbm>> -> memref<32x64xi32, #tpu.memory_space<hbm>>
        %dma_wait3A_47 = arith.constant 0 : i32
        %dma_wait3A_48 = arith.constant 0 : i32
        %dma_wait3A_49 = tpu.memref_slice %arg4[%add3A, %scan3A_9, %dma_wait3A_47, %dma_wait3A_48] : memref<32x5x32x64xi32, #tpu.memory_space<hbm>> -> memref<1x1x32x64xi32, #tpu.memory_space<hbm>>
        %dma_wait3A_50 = tpu.memref_squeeze %dma_wait3A_49 : memref<1x1x32x64xi32, #tpu.memory_space<hbm>> -> memref<32x64xi32, #tpu.memory_space<hbm>>
        tpu.wait_dma2 semaphore(%run_scoped3A : memref<!tpu.dma_semaphore, #tpu.memory_space<semaphore_mem>>) src(%dma_wait3A_50 : memref<32x64xi32, #tpu.memory_space<hbm>>) dst(%arg8 : memref<32x64xi32, #tpu.memory_space<vmem>>)
        tpu.yield
      }) : () -> ()
      %dma_start3A = arith.constant 0 : i32
      %dma_start3A_10 = arith.constant 0 : i32
      %dma_start3A_11 = tpu.memref_slice %arg7[%dma_start3A, %dma_start3A_10] : memref<32x64xi32, #tpu.memory_space<vmem>> -> memref<1x64xi32, #tpu.memory_space<vmem>>
      %dma_start3A_12 = tpu.memref_squeeze %dma_start3A_11 : memref<1x64xi32, #tpu.memory_space<vmem>> -> memref<64xi32, #tpu.memory_space<vmem>>
      %dma_start3A_13 = arith.constant 0 : i32
      %dma_start3A_14 = arith.constant 0 : i32
      %dma_start3A_15 = tpu.memref_slice %arg2[%dma_start3A_13, %dma_start3A_14] : memref<10000x128xf32, #tpu.memory_space<hbm>> -> memref<10000x128xf32, #tpu.memory_space<hbm>>
      tpu.enqueue_indirect_dma source(%dma_start3A_15 : memref<10000x128xf32, #tpu.memory_space<hbm>>) target(%arg9 : memref<64x128xf32, #tpu.memory_space<vmem>>) offsets(%dma_start3A_12 : memref<64xi32, #tpu.memory_space<vmem>>) semaphore(%arg13 : memref<!tpu.dma_semaphore, #tpu.memory_space<semaphore_mem>>)
      %dma_start3A_16 = arith.constant 1 : i32
      %dma_start3A_17 = arith.constant 0 : i32
      %dma_start3A_18 = tpu.memref_slice %arg7[%dma_start3A_16, %dma_start3A_17] : memref<32x64xi32, #tpu.memory_space<vmem>> -> memref<1x64xi32, #tpu.memory_space<vmem>>
      %dma_start3A_19 = tpu.memref_squeeze %dma_start3A_18 : memref<1x64xi32, #tpu.memory_space<vmem>> -> memref<64xi32, #tpu.memory_space<vmem>>
      %dma_start3A_20 = arith.constant 0 : i32
      %dma_start3A_21 = arith.constant 0 : i32
      %dma_start3A_22 = tpu.memref_slice %arg2[%dma_start3A_20, %dma_start3A_21] : memref<10000x128xf32, #tpu.memory_space<hbm>> -> memref<10000x128xf32, #tpu.memory_space<hbm>>
      tpu.enqueue_indirect_dma source(%dma_start3A_22 : memref<10000x128xf32, #tpu.memory_space<hbm>>) target(%arg10 : memref<64x128xf32, #tpu.memory_space<vmem>>) offsets(%dma_start3A_19 : memref<64xi32, #tpu.memory_space<vmem>>) semaphore(%arg14 : memref<!tpu.dma_semaphore, #tpu.memory_space<semaphore_mem>>)
      %dma_start3A_23 = arith.constant 2 : i32
      %dma_start3A_24 = arith.constant 0 : i32
      %dma_start3A_25 = tpu.memref_slice %arg7[%dma_start3A_23, %dma_start3A_24] : memref<32x64xi32, #tpu.memory_space<vmem>> -> memref<1x64xi32, #tpu.memory_space<vmem>>
      %dma_start3A_26 = tpu.memref_squeeze %dma_start3A_25 : memref<1x64xi32, #tpu.memory_space<vmem>> -> memref<64xi32, #tpu.memory_space<vmem>>
      %dma_start3A_27 = arith.constant 0 : i32
      %dma_start3A_28 = arith.constant 0 : i32
      %dma_start3A_29 = tpu.memref_slice %arg2[%dma_start3A_27, %dma_start3A_28] : memref<10000x128xf32, #tpu.memory_space<hbm>> -> memref<10000x128xf32, #tpu.memory_space<hbm>>
      tpu.enqueue_indirect_dma source(%dma_start3A_29 : memref<10000x128xf32, #tpu.memory_space<hbm>>) target(%arg11 : memref<64x128xf32, #tpu.memory_space<vmem>>) offsets(%dma_start3A_26 : memref<64xi32, #tpu.memory_space<vmem>>) semaphore(%arg15 : memref<!tpu.dma_semaphore, #tpu.memory_space<semaphore_mem>>)
      %scan3A_30 = arith.constant 0 : i32
      %scan3A_31 = arith.constant 0 : i32
      %scan3A_32 = arith.constant 8 : i32
      %scan3A_33 = arith.addi %scan3A_31, %scan3A_32 : i32
      %scan3A_34 = arith.constant 1 : i32
      scf.for %scan3A_36 = %scan3A_31 to %scan3A_33 step %scan3A_34  : i32 {
        %mul3A_37 = arith.constant 4 : i32
        %mul3A_38 = arith.muli %scan3A_36, %mul3A_37 : i32
        %add3A_39 = arith.constant 0 : i32
        %add3A_40 = arith.addi %mul3A_38, %add3A_39 : i32
        %add3A_41 = arith.constant 4 : i32
        %add3A_42 = arith.addi %add3A_40, %add3A_41 : i32
        %sub3A = arith.constant 1 : i32
        %sub3A_43 = arith.subi %add3A_42, %sub3A : i32
        %lt3A = arith.constant 32 : i32
        %lt3A_44 = arith.cmpi slt, %sub3A_43, %lt3A : i32
        %convert_element_type3A = arith.extui %lt3A_44 : i1 to i32
        %cond3A = arith.constant 0 : i32
        %cond3A_45 = arith.cmpi ne, %convert_element_type3A, %cond3A : i32
        scf.if %cond3A_45 {
          %dma_start3A_108 = arith.constant 0 : i32
          %dma_start3A_109 = tpu.memref_slice %arg7[%sub3A_43, %dma_start3A_108] : memref<32x64xi32, #tpu.memory_space<vmem>> -> memref<1x64xi32, #tpu.memory_space<vmem>>
          %dma_start3A_110 = tpu.memref_squeeze %dma_start3A_109 : memref<1x64xi32, #tpu.memory_space<vmem>> -> memref<64xi32, #tpu.memory_space<vmem>>
          %dma_start3A_111 = arith.constant 0 : i32
          %dma_start3A_112 = arith.constant 0 : i32
          %dma_start3A_113 = tpu.memref_slice %arg2[%dma_start3A_111, %dma_start3A_112] : memref<10000x128xf32, #tpu.memory_space<hbm>> -> memref<10000x128xf32, #tpu.memory_space<hbm>>
          tpu.enqueue_indirect_dma source(%dma_start3A_113 : memref<10000x128xf32, #tpu.memory_space<hbm>>) target(%arg12 : memref<64x128xf32, #tpu.memory_space<vmem>>) offsets(%dma_start3A_110 : memref<64xi32, #tpu.memory_space<vmem>>) semaphore(%arg16 : memref<!tpu.dma_semaphore, #tpu.memory_space<semaphore_mem>>)
        } else {
        }
        %dma_wait3A = arith.constant 0 : i32
        %dma_wait3A_46 = tpu.memref_slice %arg7[%add3A_40, %dma_wait3A] : memref<32x64xi32, #tpu.memory_space<vmem>> -> memref<1x64xi32, #tpu.memory_space<vmem>>
        %dma_wait3A_47 = tpu.memref_squeeze %dma_wait3A_46 : memref<1x64xi32, #tpu.memory_space<vmem>> -> memref<64xi32, #tpu.memory_space<vmem>>
        %dma_wait3A_48 = arith.constant 0 : i32
        %dma_wait3A_49 = arith.constant 0 : i32
        %dma_wait3A_50 = tpu.memref_slice %arg2[%dma_wait3A_48, %dma_wait3A_49] : memref<10000x128xf32, #tpu.memory_space<hbm>> -> memref<10000x128xf32, #tpu.memory_space<hbm>>
        tpu.wait_indirect_dma semaphore(%arg13 : memref<!tpu.dma_semaphore, #tpu.memory_space<semaphore_mem>>) src(%dma_wait3A_50 : memref<10000x128xf32, #tpu.memory_space<hbm>>) dst(%arg9 : memref<64x128xf32, #tpu.memory_space<vmem>>)
        "tpu.region"() ({
          %run_scoped3A = tpu.sem_alloc : memref<!tpu.dma_semaphore, #tpu.memory_space<semaphore_mem>>
          %dma_start3A_108 = arith.constant 0 : i32
          %dma_start3A_109 = tpu.memref_slice %arg8[%add3A_40, %dma_start3A_108] : memref<32x64xi32, #tpu.memory_space<vmem>> -> memref<1x64xi32, #tpu.memory_space<vmem>>
          %dma_start3A_110 = tpu.memref_squeeze %dma_start3A_109 : memref<1x64xi32, #tpu.memory_space<vmem>> -> memref<64xi32, #tpu.memory_space<vmem>>
          %dma_start3A_111 = arith.constant 0 : i32
          %dma_start3A_112 = arith.constant 0 : i32
          %dma_start3A_113 = tpu.memref_slice %arg17[%dma_start3A_111, %dma_start3A_112] : memref<10112x128xf32, #tpu.memory_space<vmem_shared>> -> memref<10112x128xf32, #tpu.memory_space<vmem_shared>>
          tpu.enqueue_indirect_dma source(%arg9 : memref<64x128xf32, #tpu.memory_space<vmem>>) target(%dma_start3A_113 : memref<10112x128xf32, #tpu.memory_space<vmem_shared>>) offsets(%dma_start3A_110 : memref<64xi32, #tpu.memory_space<vmem>>) semaphore(%run_scoped3A : memref<!tpu.dma_semaphore, #tpu.memory_space<semaphore_mem>>) {add = true}
          %dma_wait3A_114 = arith.constant 0 : i32
          %dma_wait3A_115 = tpu.memref_slice %arg8[%add3A_40, %dma_wait3A_114] : memref<32x64xi32, #tpu.memory_space<vmem>> -> memref<1x64xi32, #tpu.memory_space<vmem>>
          %dma_wait3A_116 = tpu.memref_squeeze %dma_wait3A_115 : memref<1x64xi32, #tpu.memory_space<vmem>> -> memref<64xi32, #tpu.memory_space<vmem>>
          %dma_wait3A_117 = arith.constant 0 : i32
          %dma_wait3A_118 = arith.constant 0 : i32
          %dma_wait3A_119 = tpu.memref_slice %arg17[%dma_wait3A_117, %dma_wait3A_118] : memref<10112x128xf32, #tpu.memory_space<vmem_shared>> -> memref<10112x128xf32, #tpu.memory_space<vmem_shared>>
          tpu.wait_indirect_dma semaphore(%run_scoped3A : memref<!tpu.dma_semaphore, #tpu.memory_space<semaphore_mem>>) src(%arg9 : memref<64x128xf32, #tpu.memory_space<vmem>>) dst(%dma_wait3A_119 : memref<10112x128xf32, #tpu.memory_space<vmem_shared>>)
          tpu.yield
        }) : () -> ()
        %mul3A_51 = arith.constant 4 : i32
        %mul3A_52 = arith.muli %scan3A_36, %mul3A_51 : i32
        %add3A_53 = arith.constant 1 : i32
        %add3A_54 = arith.addi %mul3A_52, %add3A_53 : i32
        %add3A_55 = arith.constant 4 : i32
        %add3A_56 = arith.addi %add3A_54, %add3A_55 : i32
        %sub3A_57 = arith.constant 1 : i32
        %sub3A_58 = arith.subi %add3A_56, %sub3A_57 : i32
        %lt3A_59 = arith.constant 32 : i32
        %lt3A_60 = arith.cmpi slt, %sub3A_58, %lt3A_59 : i32
        %convert_element_type3A_61 = arith.extui %lt3A_60 : i1 to i32
        %cond3A_62 = arith.constant 0 : i32
        %cond3A_63 = arith.cmpi ne, %convert_element_type3A_61, %cond3A_62 : i32
        scf.if %cond3A_63 {
          %dma_start3A_108 = arith.constant 0 : i32
          %dma_start3A_109 = tpu.memref_slice %arg7[%sub3A_58, %dma_start3A_108] : memref<32x64xi32, #tpu.memory_space<vmem>> -> memref<1x64xi32, #tpu.memory_space<vmem>>
          %dma_start3A_110 = tpu.memref_squeeze %dma_start3A_109 : memref<1x64xi32, #tpu.memory_space<vmem>> -> memref<64xi32, #tpu.memory_space<vmem>>
          %dma_start3A_111 = arith.constant 0 : i32
          %dma_start3A_112 = arith.constant 0 : i32
          %dma_start3A_113 = tpu.memref_slice %arg2[%dma_start3A_111, %dma_start3A_112] : memref<10000x128xf32, #tpu.memory_space<hbm>> -> memref<10000x128xf32, #tpu.memory_space<hbm>>
          tpu.enqueue_indirect_dma source(%dma_start3A_113 : memref<10000x128xf32, #tpu.memory_space<hbm>>) target(%arg9 : memref<64x128xf32, #tpu.memory_space<vmem>>) offsets(%dma_start3A_110 : memref<64xi32, #tpu.memory_space<vmem>>) semaphore(%arg13 : memref<!tpu.dma_semaphore, #tpu.memory_space<semaphore_mem>>)
        } else {
        }
        %dma_wait3A_64 = arith.constant 0 : i32
        %dma_wait3A_65 = tpu.memref_slice %arg7[%add3A_54, %dma_wait3A_64] : memref<32x64xi32, #tpu.memory_space<vmem>> -> memref<1x64xi32, #tpu.memory_space<vmem>>
        %dma_wait3A_66 = tpu.memref_squeeze %dma_wait3A_65 : memref<1x64xi32, #tpu.memory_space<vmem>> -> memref<64xi32, #tpu.memory_space<vmem>>
        %dma_wait3A_67 = arith.constant 0 : i32
        %dma_wait3A_68 = arith.constant 0 : i32
        %dma_wait3A_69 = tpu.memref_slice %arg2[%dma_wait3A_67, %dma_wait3A_68] : memref<10000x128xf32, #tpu.memory_space<hbm>> -> memref<10000x128xf32, #tpu.memory_space<hbm>>
        tpu.wait_indirect_dma semaphore(%arg14 : memref<!tpu.dma_semaphore, #tpu.memory_space<semaphore_mem>>) src(%dma_wait3A_69 : memref<10000x128xf32, #tpu.memory_space<hbm>>) dst(%arg10 : memref<64x128xf32, #tpu.memory_space<vmem>>)
        "tpu.region"() ({
          %run_scoped3A = tpu.sem_alloc : memref<!tpu.dma_semaphore, #tpu.memory_space<semaphore_mem>>
          %dma_start3A_108 = arith.constant 0 : i32
          %dma_start3A_109 = tpu.memref_slice %arg8[%add3A_54, %dma_start3A_108] : memref<32x64xi32, #tpu.memory_space<vmem>> -> memref<1x64xi32, #tpu.memory_space<vmem>>
          %dma_start3A_110 = tpu.memref_squeeze %dma_start3A_109 : memref<1x64xi32, #tpu.memory_space<vmem>> -> memref<64xi32, #tpu.memory_space<vmem>>
          %dma_start3A_111 = arith.constant 0 : i32
          %dma_start3A_112 = arith.constant 0 : i32
          %dma_start3A_113 = tpu.memref_slice %arg17[%dma_start3A_111, %dma_start3A_112] : memref<10112x128xf32, #tpu.memory_space<vmem_shared>> -> memref<10112x128xf32, #tpu.memory_space<vmem_shared>>
          tpu.enqueue_indirect_dma source(%arg10 : memref<64x128xf32, #tpu.memory_space<vmem>>) target(%dma_start3A_113 : memref<10112x128xf32, #tpu.memory_space<vmem_shared>>) offsets(%dma_start3A_110 : memref<64xi32, #tpu.memory_space<vmem>>) semaphore(%run_scoped3A : memref<!tpu.dma_semaphore, #tpu.memory_space<semaphore_mem>>) {add = true}
          %dma_wait3A_114 = arith.constant 0 : i32
          %dma_wait3A_115 = tpu.memref_slice %arg8[%add3A_54, %dma_wait3A_114] : memref<32x64xi32, #tpu.memory_space<vmem>> -> memref<1x64xi32, #tpu.memory_space<vmem>>
          %dma_wait3A_116 = tpu.memref_squeeze %dma_wait3A_115 : memref<1x64xi32, #tpu.memory_space<vmem>> -> memref<64xi32, #tpu.memory_space<vmem>>
          %dma_wait3A_117 = arith.constant 0 : i32
          %dma_wait3A_118 = arith.constant 0 : i32
          %dma_wait3A_119 = tpu.memref_slice %arg17[%dma_wait3A_117, %dma_wait3A_118] : memref<10112x128xf32, #tpu.memory_space<vmem_shared>> -> memref<10112x128xf32, #tpu.memory_space<vmem_shared>>
          tpu.wait_indirect_dma semaphore(%run_scoped3A : memref<!tpu.dma_semaphore, #tpu.memory_space<semaphore_mem>>) src(%arg10 : memref<64x128xf32, #tpu.memory_space<vmem>>) dst(%dma_wait3A_119 : memref<10112x128xf32, #tpu.memory_space<vmem_shared>>)
          tpu.yield
        }) : () -> ()
        %mul3A_70 = arith.constant 4 : i32
        %mul3A_71 = arith.muli %scan3A_36, %mul3A_70 : i32
        %add3A_72 = arith.constant 2 : i32
        %add3A_73 = arith.addi %mul3A_71, %add3A_72 : i32
        %add3A_74 = arith.constant 4 : i32
        %add3A_75 = arith.addi %add3A_73, %add3A_74 : i32
        %sub3A_76 = arith.constant 1 : i32
        %sub3A_77 = arith.subi %add3A_75, %sub3A_76 : i32
        %lt3A_78 = arith.constant 32 : i32
        %lt3A_79 = arith.cmpi slt, %sub3A_77, %lt3A_78 : i32
        %convert_element_type3A_80 = arith.extui %lt3A_79 : i1 to i32
        %cond3A_81 = arith.constant 0 : i32
        %cond3A_82 = arith.cmpi ne, %convert_element_type3A_80, %cond3A_81 : i32
        scf.if %cond3A_82 {
          %dma_start3A_108 = arith.constant 0 : i32
          %dma_start3A_109 = tpu.memref_slice %arg7[%sub3A_77, %dma_start3A_108] : memref<32x64xi32, #tpu.memory_space<vmem>> -> memref<1x64xi32, #tpu.memory_space<vmem>>
          %dma_start3A_110 = tpu.memref_squeeze %dma_start3A_109 : memref<1x64xi32, #tpu.memory_space<vmem>> -> memref<64xi32, #tpu.memory_space<vmem>>
          %dma_start3A_111 = arith.constant 0 : i32
          %dma_start3A_112 = arith.constant 0 : i32
          %dma_start3A_113 = tpu.memref_slice %arg2[%dma_start3A_111, %dma_start3A_112] : memref<10000x128xf32, #tpu.memory_space<hbm>> -> memref<10000x128xf32, #tpu.memory_space<hbm>>
          tpu.enqueue_indirect_dma source(%dma_start3A_113 : memref<10000x128xf32, #tpu.memory_space<hbm>>) target(%arg10 : memref<64x128xf32, #tpu.memory_space<vmem>>) offsets(%dma_start3A_110 : memref<64xi32, #tpu.memory_space<vmem>>) semaphore(%arg14 : memref<!tpu.dma_semaphore, #tpu.memory_space<semaphore_mem>>)
        } else {
        }
        %dma_wait3A_83 = arith.constant 0 : i32
        %dma_wait3A_84 = tpu.memref_slice %arg7[%add3A_73, %dma_wait3A_83] : memref<32x64xi32, #tpu.memory_space<vmem>> -> memref<1x64xi32, #tpu.memory_space<vmem>>
        %dma_wait3A_85 = tpu.memref_squeeze %dma_wait3A_84 : memref<1x64xi32, #tpu.memory_space<vmem>> -> memref<64xi32, #tpu.memory_space<vmem>>
        %dma_wait3A_86 = arith.constant 0 : i32
        %dma_wait3A_87 = arith.constant 0 : i32
        %dma_wait3A_88 = tpu.memref_slice %arg2[%dma_wait3A_86, %dma_wait3A_87] : memref<10000x128xf32, #tpu.memory_space<hbm>> -> memref<10000x128xf32, #tpu.memory_space<hbm>>
        tpu.wait_indirect_dma semaphore(%arg15 : memref<!tpu.dma_semaphore, #tpu.memory_space<semaphore_mem>>) src(%dma_wait3A_88 : memref<10000x128xf32, #tpu.memory_space<hbm>>) dst(%arg11 : memref<64x128xf32, #tpu.memory_space<vmem>>)
        "tpu.region"() ({
          %run_scoped3A = tpu.sem_alloc : memref<!tpu.dma_semaphore, #tpu.memory_space<semaphore_mem>>
          %dma_start3A_108 = arith.constant 0 : i32
          %dma_start3A_109 = tpu.memref_slice %arg8[%add3A_73, %dma_start3A_108] : memref<32x64xi32, #tpu.memory_space<vmem>> -> memref<1x64xi32, #tpu.memory_space<vmem>>
          %dma_start3A_110 = tpu.memref_squeeze %dma_start3A_109 : memref<1x64xi32, #tpu.memory_space<vmem>> -> memref<64xi32, #tpu.memory_space<vmem>>
          %dma_start3A_111 = arith.constant 0 : i32
          %dma_start3A_112 = arith.constant 0 : i32
          %dma_start3A_113 = tpu.memref_slice %arg17[%dma_start3A_111, %dma_start3A_112] : memref<10112x128xf32, #tpu.memory_space<vmem_shared>> -> memref<10112x128xf32, #tpu.memory_space<vmem_shared>>
          tpu.enqueue_indirect_dma source(%arg11 : memref<64x128xf32, #tpu.memory_space<vmem>>) target(%dma_start3A_113 : memref<10112x128xf32, #tpu.memory_space<vmem_shared>>) offsets(%dma_start3A_110 : memref<64xi32, #tpu.memory_space<vmem>>) semaphore(%run_scoped3A : memref<!tpu.dma_semaphore, #tpu.memory_space<semaphore_mem>>) {add = true}
          %dma_wait3A_114 = arith.constant 0 : i32
          %dma_wait3A_115 = tpu.memref_slice %arg8[%add3A_73, %dma_wait3A_114] : memref<32x64xi32, #tpu.memory_space<vmem>> -> memref<1x64xi32, #tpu.memory_space<vmem>>
          %dma_wait3A_116 = tpu.memref_squeeze %dma_wait3A_115 : memref<1x64xi32, #tpu.memory_space<vmem>> -> memref<64xi32, #tpu.memory_space<vmem>>
          %dma_wait3A_117 = arith.constant 0 : i32
          %dma_wait3A_118 = arith.constant 0 : i32
          %dma_wait3A_119 = tpu.memref_slice %arg17[%dma_wait3A_117, %dma_wait3A_118] : memref<10112x128xf32, #tpu.memory_space<vmem_shared>> -> memref<10112x128xf32, #tpu.memory_space<vmem_shared>>
          tpu.wait_indirect_dma semaphore(%run_scoped3A : memref<!tpu.dma_semaphore, #tpu.memory_space<semaphore_mem>>) src(%arg11 : memref<64x128xf32, #tpu.memory_space<vmem>>) dst(%dma_wait3A_119 : memref<10112x128xf32, #tpu.memory_space<vmem_shared>>)
          tpu.yield
        }) : () -> ()
        %mul3A_89 = arith.constant 4 : i32
        %mul3A_90 = arith.muli %scan3A_36, %mul3A_89 : i32
        %add3A_91 = arith.constant 3 : i32
        %add3A_92 = arith.addi %mul3A_90, %add3A_91 : i32
        %add3A_93 = arith.constant 4 : i32
        %add3A_94 = arith.addi %add3A_92, %add3A_93 : i32
        %sub3A_95 = arith.constant 1 : i32
        %sub3A_96 = arith.subi %add3A_94, %sub3A_95 : i32
        %lt3A_97 = arith.constant 32 : i32
        %lt3A_98 = arith.cmpi slt, %sub3A_96, %lt3A_97 : i32
        %convert_element_type3A_99 = arith.extui %lt3A_98 : i1 to i32
        %cond3A_100 = arith.constant 0 : i32
        %cond3A_101 = arith.cmpi ne, %convert_element_type3A_99, %cond3A_100 : i32
        scf.if %cond3A_101 {
          %dma_start3A_108 = arith.constant 0 : i32
          %dma_start3A_109 = tpu.memref_slice %arg7[%sub3A_96, %dma_start3A_108] : memref<32x64xi32, #tpu.memory_space<vmem>> -> memref<1x64xi32, #tpu.memory_space<vmem>>
          %dma_start3A_110 = tpu.memref_squeeze %dma_start3A_109 : memref<1x64xi32, #tpu.memory_space<vmem>> -> memref<64xi32, #tpu.memory_space<vmem>>
          %dma_start3A_111 = arith.constant 0 : i32
          %dma_start3A_112 = arith.constant 0 : i32
          %dma_start3A_113 = tpu.memref_slice %arg2[%dma_start3A_111, %dma_start3A_112] : memref<10000x128xf32, #tpu.memory_space<hbm>> -> memref<10000x128xf32, #tpu.memory_space<hbm>>
          tpu.enqueue_indirect_dma source(%dma_start3A_113 : memref<10000x128xf32, #tpu.memory_space<hbm>>) target(%arg11 : memref<64x128xf32, #tpu.memory_space<vmem>>) offsets(%dma_start3A_110 : memref<64xi32, #tpu.memory_space<vmem>>) semaphore(%arg15 : memref<!tpu.dma_semaphore, #tpu.memory_space<semaphore_mem>>)
        } else {
        }
        %dma_wait3A_102 = arith.constant 0 : i32
        %dma_wait3A_103 = tpu.memref_slice %arg7[%add3A_92, %dma_wait3A_102] : memref<32x64xi32, #tpu.memory_space<vmem>> -> memref<1x64xi32, #tpu.memory_space<vmem>>
        %dma_wait3A_104 = tpu.memref_squeeze %dma_wait3A_103 : memref<1x64xi32, #tpu.memory_space<vmem>> -> memref<64xi32, #tpu.memory_space<vmem>>
        %dma_wait3A_105 = arith.constant 0 : i32
        %dma_wait3A_106 = arith.constant 0 : i32
        %dma_wait3A_107 = tpu.memref_slice %arg2[%dma_wait3A_105, %dma_wait3A_106] : memref<10000x128xf32, #tpu.memory_space<hbm>> -> memref<10000x128xf32, #tpu.memory_space<hbm>>
        tpu.wait_indirect_dma semaphore(%arg16 : memref<!tpu.dma_semaphore, #tpu.memory_space<semaphore_mem>>) src(%dma_wait3A_107 : memref<10000x128xf32, #tpu.memory_space<hbm>>) dst(%arg12 : memref<64x128xf32, #tpu.memory_space<vmem>>)
        "tpu.region"() ({
          %run_scoped3A = tpu.sem_alloc : memref<!tpu.dma_semaphore, #tpu.memory_space<semaphore_mem>>
          %dma_start3A_108 = arith.constant 0 : i32
          %dma_start3A_109 = tpu.memref_slice %arg8[%add3A_92, %dma_start3A_108] : memref<32x64xi32, #tpu.memory_space<vmem>> -> memref<1x64xi32, #tpu.memory_space<vmem>>
          %dma_start3A_110 = tpu.memref_squeeze %dma_start3A_109 : memref<1x64xi32, #tpu.memory_space<vmem>> -> memref<64xi32, #tpu.memory_space<vmem>>
          %dma_start3A_111 = arith.constant 0 : i32
          %dma_start3A_112 = arith.constant 0 : i32
          %dma_start3A_113 = tpu.memref_slice %arg17[%dma_start3A_111, %dma_start3A_112] : memref<10112x128xf32, #tpu.memory_space<vmem_shared>> -> memref<10112x128xf32, #tpu.memory_space<vmem_shared>>
          tpu.enqueue_indirect_dma source(%arg12 : memref<64x128xf32, #tpu.memory_space<vmem>>) target(%dma_start3A_113 : memref<10112x128xf32, #tpu.memory_space<vmem_shared>>) offsets(%dma_start3A_110 : memref<64xi32, #tpu.memory_space<vmem>>) semaphore(%run_scoped3A : memref<!tpu.dma_semaphore, #tpu.memory_space<semaphore_mem>>) {add = true}
          %dma_wait3A_114 = arith.constant 0 : i32
          %dma_wait3A_115 = tpu.memref_slice %arg8[%add3A_92, %dma_wait3A_114] : memref<32x64xi32, #tpu.memory_space<vmem>> -> memref<1x64xi32, #tpu.memory_space<vmem>>
          %dma_wait3A_116 = tpu.memref_squeeze %dma_wait3A_115 : memref<1x64xi32, #tpu.memory_space<vmem>> -> memref<64xi32, #tpu.memory_space<vmem>>
          %dma_wait3A_117 = arith.constant 0 : i32
          %dma_wait3A_118 = arith.constant 0 : i32
          %dma_wait3A_119 = tpu.memref_slice %arg17[%dma_wait3A_117, %dma_wait3A_118] : memref<10112x128xf32, #tpu.memory_space<vmem_shared>> -> memref<10112x128xf32, #tpu.memory_space<vmem_shared>>
          tpu.wait_indirect_dma semaphore(%run_scoped3A : memref<!tpu.dma_semaphore, #tpu.memory_space<semaphore_mem>>) src(%arg12 : memref<64x128xf32, #tpu.memory_space<vmem>>) dst(%dma_wait3A_119 : memref<10112x128xf32, #tpu.memory_space<vmem_shared>>)
          tpu.yield
        }) : () -> ()
      }
      %scan3A_35 = arith.constant 8 : i32
    }
    %scan3A_7 = arith.constant 5 : i32
    %barrier3A_8 = arith.constant 0 : index
    tpu.barrier barrier_id(%barrier3A_8)
    "tpu.region"() ({
      %run_scoped3A = tpu.sem_alloc : memref<!tpu.dma_semaphore, #tpu.memory_space<semaphore_mem>>
      %dma_start3A = arith.constant 0 : i32
      %dma_start3A_9 = tpu.memref_slice %arg6[%arg0, %mul3A_2, %dma_start3A] : memref<2x10112x128xf32, #tpu.memory_space<hbm>> -> memref<1x632x128xf32, #tpu.memory_space<hbm>>
      %dma_start3A_10 = tpu.memref_squeeze %dma_start3A_9 : memref<1x632x128xf32, #tpu.memory_space<hbm>> -> memref<632x128xf32, #tpu.memory_space<hbm>>
      %dma_start3A_11 = arith.constant 0 : i32
      %dma_start3A_12 = tpu.memref_slice %arg17[%mul3A_2, %dma_start3A_11] : memref<10112x128xf32, #tpu.memory_space<vmem_shared>> -> memref<632x128xf32, #tpu.memory_space<vmem_shared>>
      tpu.enqueue_dma source(%dma_start3A_12 : memref<632x128xf32, #tpu.memory_space<vmem_shared>>) target(%dma_start3A_10 : memref<632x128xf32, #tpu.memory_space<hbm>>) target_semaphore(%run_scoped3A : memref<!tpu.dma_semaphore, #tpu.memory_space<semaphore_mem>>)
      %dma_wait3A = arith.constant 0 : i32
      %dma_wait3A_13 = tpu.memref_slice %arg6[%arg0, %mul3A_2, %dma_wait3A] : memref<2x10112x128xf32, #tpu.memory_space<hbm>> -> memref<1x632x128xf32, #tpu.memory_space<hbm>>
      %dma_wait3A_14 = tpu.memref_squeeze %dma_wait3A_13 : memref<1x632x128xf32, #tpu.memory_space<hbm>> -> memref<632x128xf32, #tpu.memory_space<hbm>>
      %dma_wait3A_15 = arith.constant 0 : i32
      %dma_wait3A_16 = tpu.memref_slice %arg17[%mul3A_2, %dma_wait3A_15] : memref<10112x128xf32, #tpu.memory_space<vmem_shared>> -> memref<632x128xf32, #tpu.memory_space<vmem_shared>>
      tpu.wait_dma2 semaphore(%run_scoped3A : memref<!tpu.dma_semaphore, #tpu.memory_space<semaphore_mem>>) src(%dma_wait3A_16 : memref<632x128xf32, #tpu.memory_space<vmem_shared>>) dst(%dma_wait3A_14 : memref<632x128xf32, #tpu.memory_space<hbm>>)
      tpu.yield
    }) : () -> ()
    return
  }
}

#map = affine_map<(d0, d1) -> (0, 0, 0)>
#map1 = affine_map<(d0, d1) -> (0, 0)>
module attributes {stable_mosaic.version = 14 : i64} {
  func.func @sc_degree(%arg0: i32, %arg1: i32, %arg2: memref<32x80x128xi32, #tpu.memory_space<hbm>>, %arg3: memref<128x128xf32, #tpu.memory_space<hbm>>, %arg4: memref<632x128xf32, #tpu.memory_space<hbm>>, %arg5: memref<2x10112x128xf32, #tpu.memory_space<hbm>>, %arg6: memref<80x128xi32, #tpu.memory_space<vmem>>, %arg7: memref<128x128xf32, #tpu.memory_space<vmem>>, %arg8: memref<10112x128xf32, #tpu.memory_space<vmem_shared>>) attributes {dimension_semantics = [#tpu.dimension_semantics<core_parallel>, #tpu.dimension_semantics<subcore_parallel>], iteration_bounds = array<i64: 2, 16>, scalar_prefetch = 0 : i64, scratch_operands = 3 : i64, tpu.core_type = #tpu.core_type<sc_vector_subcore>, window_params = [{transform_indices = #map}, {transform_indices = #map1}, {transform_indices = #map1}, {transform_indices = #map}]} {
    %mul3A = arith.constant 16 : i32
    %mul3A_0 = arith.muli %arg0, %mul3A : i32
    %add3A = arith.addi %mul3A_0, %arg1 : i32
    "tpu.region"() ({
      %run_scoped3A = tpu.sem_alloc : memref<!tpu.dma_semaphore, #tpu.memory_space<semaphore_mem>>
      %dma_start3A = arith.constant 0 : i32
      %dma_start3A_9 = arith.constant 0 : i32
      %dma_start3A_10 = tpu.memref_slice %arg2[%add3A, %dma_start3A, %dma_start3A_9] : memref<32x80x128xi32, #tpu.memory_space<hbm>> -> memref<1x80x128xi32, #tpu.memory_space<hbm>>
      %dma_start3A_11 = tpu.memref_squeeze %dma_start3A_10 : memref<1x80x128xi32, #tpu.memory_space<hbm>> -> memref<80x128xi32, #tpu.memory_space<hbm>>
      %dma_start3A_12 = arith.constant 0 : i32
      %dma_start3A_13 = arith.constant 0 : i32
      %dma_start3A_14 = tpu.memref_slice %arg2[%add3A, %dma_start3A_12, %dma_start3A_13] : memref<32x80x128xi32, #tpu.memory_space<hbm>> -> memref<1x80x128xi32, #tpu.memory_space<hbm>>
      %dma_start3A_15 = tpu.memref_squeeze %dma_start3A_14 : memref<1x80x128xi32, #tpu.memory_space<hbm>> -> memref<80x128xi32, #tpu.memory_space<hbm>>
      tpu.enqueue_dma source(%dma_start3A_15 : memref<80x128xi32, #tpu.memory_space<hbm>>) target(%arg6 : memref<80x128xi32, #tpu.memory_space<vmem>>) target_semaphore(%run_scoped3A : memref<!tpu.dma_semaphore, #tpu.memory_space<semaphore_mem>>)
      %dma_wait3A = arith.constant 0 : i32
      %dma_wait3A_16 = arith.constant 0 : i32
      %dma_wait3A_17 = tpu.memref_slice %arg2[%add3A, %dma_wait3A, %dma_wait3A_16] : memref<32x80x128xi32, #tpu.memory_space<hbm>> -> memref<1x80x128xi32, #tpu.memory_space<hbm>>
      %dma_wait3A_18 = tpu.memref_squeeze %dma_wait3A_17 : memref<1x80x128xi32, #tpu.memory_space<hbm>> -> memref<80x128xi32, #tpu.memory_space<hbm>>
      %dma_wait3A_19 = arith.constant 0 : i32
      %dma_wait3A_20 = arith.constant 0 : i32
      %dma_wait3A_21 = tpu.memref_slice %arg2[%add3A, %dma_wait3A_19, %dma_wait3A_20] : memref<32x80x128xi32, #tpu.memory_space<hbm>> -> memref<1x80x128xi32, #tpu.memory_space<hbm>>
      %dma_wait3A_22 = tpu.memref_squeeze %dma_wait3A_21 : memref<1x80x128xi32, #tpu.memory_space<hbm>> -> memref<80x128xi32, #tpu.memory_space<hbm>>
      tpu.wait_dma2 semaphore(%run_scoped3A : memref<!tpu.dma_semaphore, #tpu.memory_space<semaphore_mem>>) src(%dma_wait3A_22 : memref<80x128xi32, #tpu.memory_space<hbm>>) dst(%arg6 : memref<80x128xi32, #tpu.memory_space<vmem>>)
      tpu.yield
    }) : () -> ()
    "tpu.region"() ({
      %run_scoped3A = tpu.sem_alloc : memref<!tpu.dma_semaphore, #tpu.memory_space<semaphore_mem>>
      tpu.enqueue_dma source(%arg3 : memref<128x128xf32, #tpu.memory_space<hbm>>) target(%arg7 : memref<128x128xf32, #tpu.memory_space<vmem>>) target_semaphore(%run_scoped3A : memref<!tpu.dma_semaphore, #tpu.memory_space<semaphore_mem>>)
      tpu.wait_dma2 semaphore(%run_scoped3A : memref<!tpu.dma_semaphore, #tpu.memory_space<semaphore_mem>>) src(%arg3 : memref<128x128xf32, #tpu.memory_space<hbm>>) dst(%arg7 : memref<128x128xf32, #tpu.memory_space<vmem>>)
      tpu.yield
    }) : () -> ()
    %mul3A_1 = arith.constant 632 : i32
    %mul3A_2 = arith.muli %arg1, %mul3A_1 : i32
    "tpu.region"() ({
      %run_scoped3A = tpu.sem_alloc : memref<!tpu.dma_semaphore, #tpu.memory_space<semaphore_mem>>
      %dma_start3A = arith.constant 0 : i32
      %dma_start3A_9 = tpu.memref_slice %arg8[%mul3A_2, %dma_start3A] : memref<10112x128xf32, #tpu.memory_space<vmem_shared>> -> memref<632x128xf32, #tpu.memory_space<vmem_shared>>
      tpu.enqueue_dma source(%arg4 : memref<632x128xf32, #tpu.memory_space<hbm>>) target(%dma_start3A_9 : memref<632x128xf32, #tpu.memory_space<vmem_shared>>) target_semaphore(%run_scoped3A : memref<!tpu.dma_semaphore, #tpu.memory_space<semaphore_mem>>)
      %dma_wait3A = arith.constant 0 : i32
      %dma_wait3A_10 = tpu.memref_slice %arg8[%mul3A_2, %dma_wait3A] : memref<10112x128xf32, #tpu.memory_space<vmem_shared>> -> memref<632x128xf32, #tpu.memory_space<vmem_shared>>
      tpu.wait_dma2 semaphore(%run_scoped3A : memref<!tpu.dma_semaphore, #tpu.memory_space<semaphore_mem>>) src(%arg4 : memref<632x128xf32, #tpu.memory_space<hbm>>) dst(%dma_wait3A_10 : memref<632x128xf32, #tpu.memory_space<vmem_shared>>)
      tpu.yield
    }) : () -> ()
    %barrier3A = arith.constant 0 : index
    tpu.barrier barrier_id(%barrier3A)
    %scan3A = arith.constant 0 : i32
    %scan3A_3 = arith.constant 0 : i32
    %scan3A_4 = arith.constant 80 : i32
    %scan3A_5 = arith.addi %scan3A_3, %scan3A_4 : i32
    %scan3A_6 = arith.constant 1 : i32
    scf.for %scan3A_9 = %scan3A_3 to %scan3A_5 step %scan3A_6  : i32 {
      "tpu.region"() ({
        %run_scoped3A = tpu.sem_alloc : memref<!tpu.dma_semaphore, #tpu.memory_space<semaphore_mem>>
        %dma_start3A = arith.constant 0 : i32
        %dma_start3A_10 = tpu.memref_slice %arg6[%scan3A_9, %dma_start3A] : memref<80x128xi32, #tpu.memory_space<vmem>> -> memref<1x128xi32, #tpu.memory_space<vmem>>
        %dma_start3A_11 = tpu.memref_squeeze %dma_start3A_10 : memref<1x128xi32, #tpu.memory_space<vmem>> -> memref<128xi32, #tpu.memory_space<vmem>>
        %dma_start3A_12 = arith.constant 0 : i32
        %dma_start3A_13 = arith.constant 0 : i32
        %dma_start3A_14 = tpu.memref_slice %arg8[%dma_start3A_12, %dma_start3A_13] : memref<10112x128xf32, #tpu.memory_space<vmem_shared>> -> memref<10112x128xf32, #tpu.memory_space<vmem_shared>>
        tpu.enqueue_indirect_dma source(%arg7 : memref<128x128xf32, #tpu.memory_space<vmem>>) target(%dma_start3A_14 : memref<10112x128xf32, #tpu.memory_space<vmem_shared>>) offsets(%dma_start3A_11 : memref<128xi32, #tpu.memory_space<vmem>>) semaphore(%run_scoped3A : memref<!tpu.dma_semaphore, #tpu.memory_space<semaphore_mem>>) {add = true}
        %dma_wait3A = arith.constant 0 : i32
        %dma_wait3A_15 = tpu.memref_slice %arg6[%scan3A_9, %dma_wait3A] : memref<80x128xi32, #tpu.memory_space<vmem>> -> memref<1x128xi32, #tpu.memory_space<vmem>>
        %dma_wait3A_16 = tpu.memref_squeeze %dma_wait3A_15 : memref<1x128xi32, #tpu.memory_space<vmem>> -> memref<128xi32, #tpu.memory_space<vmem>>
        %dma_wait3A_17 = arith.constant 0 : i32
        %dma_wait3A_18 = arith.constant 0 : i32
        %dma_wait3A_19 = tpu.memref_slice %arg8[%dma_wait3A_17, %dma_wait3A_18] : memref<10112x128xf32, #tpu.memory_space<vmem_shared>> -> memref<10112x128xf32, #tpu.memory_space<vmem_shared>>
        tpu.wait_indirect_dma semaphore(%run_scoped3A : memref<!tpu.dma_semaphore, #tpu.memory_space<semaphore_mem>>) src(%arg7 : memref<128x128xf32, #tpu.memory_space<vmem>>) dst(%dma_wait3A_19 : memref<10112x128xf32, #tpu.memory_space<vmem_shared>>)
        tpu.yield
      }) : () -> ()
    }
    %scan3A_7 = arith.constant 80 : i32
    %barrier3A_8 = arith.constant 0 : index
    tpu.barrier barrier_id(%barrier3A_8)
    "tpu.region"() ({
      %run_scoped3A = tpu.sem_alloc : memref<!tpu.dma_semaphore, #tpu.memory_space<semaphore_mem>>
      %dma_start3A = arith.constant 0 : i32
      %dma_start3A_9 = tpu.memref_slice %arg5[%arg0, %mul3A_2, %dma_start3A] : memref<2x10112x128xf32, #tpu.memory_space<hbm>> -> memref<1x632x128xf32, #tpu.memory_space<hbm>>
      %dma_start3A_10 = tpu.memref_squeeze %dma_start3A_9 : memref<1x632x128xf32, #tpu.memory_space<hbm>> -> memref<632x128xf32, #tpu.memory_space<hbm>>
      %dma_start3A_11 = arith.constant 0 : i32
      %dma_start3A_12 = tpu.memref_slice %arg8[%mul3A_2, %dma_start3A_11] : memref<10112x128xf32, #tpu.memory_space<vmem_shared>> -> memref<632x128xf32, #tpu.memory_space<vmem_shared>>
      tpu.enqueue_dma source(%dma_start3A_12 : memref<632x128xf32, #tpu.memory_space<vmem_shared>>) target(%dma_start3A_10 : memref<632x128xf32, #tpu.memory_space<hbm>>) target_semaphore(%run_scoped3A : memref<!tpu.dma_semaphore, #tpu.memory_space<semaphore_mem>>)
      %dma_wait3A = arith.constant 0 : i32
      %dma_wait3A_13 = tpu.memref_slice %arg5[%arg0, %mul3A_2, %dma_wait3A] : memref<2x10112x128xf32, #tpu.memory_space<hbm>> -> memref<1x632x128xf32, #tpu.memory_space<hbm>>
      %dma_wait3A_14 = tpu.memref_squeeze %dma_wait3A_13 : memref<1x632x128xf32, #tpu.memory_space<hbm>> -> memref<632x128xf32, #tpu.memory_space<hbm>>
      %dma_wait3A_15 = arith.constant 0 : i32
      %dma_wait3A_16 = tpu.memref_slice %arg8[%mul3A_2, %dma_wait3A_15] : memref<10112x128xf32, #tpu.memory_space<vmem_shared>> -> memref<632x128xf32, #tpu.memory_space<vmem_shared>>
      tpu.wait_dma2 semaphore(%run_scoped3A : memref<!tpu.dma_semaphore, #tpu.memory_space<semaphore_mem>>) src(%dma_wait3A_16 : memref<632x128xf32, #tpu.memory_space<vmem_shared>>) dst(%dma_wait3A_14 : memref<632x128xf32, #tpu.memory_space<hbm>>)
      tpu.yield
    }) : () -> ()
    return
  }
}

#map = affine_map<(d0, d1) -> (0, 0)>
#map1 = affine_map<(d0, d1) -> (0, 0, 0, 0)>
#map2 = affine_map<(d0, d1) -> (0, 0, 0)>
module attributes {stable_mosaic.version = 14 : i64} {
  func.func @sc_scatter(%arg0: i32, %arg1: i32, %arg2: memref<10000x128xf32, #tpu.memory_space<hbm>>, %arg3: memref<32x5x32x64xi32, #tpu.memory_space<hbm>>, %arg4: memref<32x5x32x64xi32, #tpu.memory_space<hbm>>, %arg5: memref<632x128xf32, #tpu.memory_space<hbm>>, %arg6: memref<2x10112x128xf32, #tpu.memory_space<hbm>>, %arg7: memref<32x64xi32, #tpu.memory_space<vmem>>, %arg8: memref<32x64xi32, #tpu.memory_space<vmem>>, %arg9: memref<64x128xf32, #tpu.memory_space<vmem>>, %arg10: memref<64x128xf32, #tpu.memory_space<vmem>>, %arg11: memref<64x128xf32, #tpu.memory_space<vmem>>, %arg12: memref<64x128xf32, #tpu.memory_space<vmem>>, %arg13: memref<!tpu.dma_semaphore, #tpu.memory_space<semaphore_mem>>, %arg14: memref<!tpu.dma_semaphore, #tpu.memory_space<semaphore_mem>>, %arg15: memref<!tpu.dma_semaphore, #tpu.memory_space<semaphore_mem>>, %arg16: memref<!tpu.dma_semaphore, #tpu.memory_space<semaphore_mem>>, %arg17: memref<10112x128xf32, #tpu.memory_space<vmem_shared>>) attributes {dimension_semantics = [#tpu.dimension_semantics<core_parallel>, #tpu.dimension_semantics<subcore_parallel>], iteration_bounds = array<i64: 2, 16>, scalar_prefetch = 0 : i64, scratch_operands = 11 : i64, tpu.core_type = #tpu.core_type<sc_vector_subcore>, window_params = [{transform_indices = #map}, {transform_indices = #map1}, {transform_indices = #map1}, {transform_indices = #map}, {transform_indices = #map2}]} {
    %mul3A = arith.constant 16 : i32
    %mul3A_0 = arith.muli %arg0, %mul3A : i32
    %add3A = arith.addi %mul3A_0, %arg1 : i32
    %mul3A_1 = arith.constant 632 : i32
    %mul3A_2 = arith.muli %arg1, %mul3A_1 : i32
    "tpu.region"() ({
      %run_scoped3A = tpu.sem_alloc : memref<!tpu.dma_semaphore, #tpu.memory_space<semaphore_mem>>
      %dma_start3A = arith.constant 0 : i32
      %dma_start3A_9 = tpu.memref_slice %arg17[%mul3A_2, %dma_start3A] : memref<10112x128xf32, #tpu.memory_space<vmem_shared>> -> memref<632x128xf32, #tpu.memory_space<vmem_shared>>
      tpu.enqueue_dma source(%arg5 : memref<632x128xf32, #tpu.memory_space<hbm>>) target(%dma_start3A_9 : memref<632x128xf32, #tpu.memory_space<vmem_shared>>) target_semaphore(%run_scoped3A : memref<!tpu.dma_semaphore, #tpu.memory_space<semaphore_mem>>)
      %dma_wait3A = arith.constant 0 : i32
      %dma_wait3A_10 = tpu.memref_slice %arg17[%mul3A_2, %dma_wait3A] : memref<10112x128xf32, #tpu.memory_space<vmem_shared>> -> memref<632x128xf32, #tpu.memory_space<vmem_shared>>
      tpu.wait_dma2 semaphore(%run_scoped3A : memref<!tpu.dma_semaphore, #tpu.memory_space<semaphore_mem>>) src(%arg5 : memref<632x128xf32, #tpu.memory_space<hbm>>) dst(%dma_wait3A_10 : memref<632x128xf32, #tpu.memory_space<vmem_shared>>)
      tpu.yield
    }) : () -> ()
    %barrier3A = arith.constant 0 : index
    tpu.barrier barrier_id(%barrier3A)
    %scan3A = arith.constant 0 : i32
    %scan3A_3 = arith.constant 0 : i32
    %scan3A_4 = arith.constant 5 : i32
    %scan3A_5 = arith.addi %scan3A_3, %scan3A_4 : i32
    %scan3A_6 = arith.constant 1 : i32
    scf.for %scan3A_9 = %scan3A_3 to %scan3A_5 step %scan3A_6  : i32 {
      "tpu.region"() ({
        %run_scoped3A = tpu.sem_alloc : memref<!tpu.dma_semaphore, #tpu.memory_space<semaphore_mem>>
        %dma_start3A_36 = arith.constant 0 : i32
        %dma_start3A_37 = arith.constant 0 : i32
        %dma_start3A_38 = tpu.memref_slice %arg3[%add3A, %scan3A_9, %dma_start3A_36, %dma_start3A_37] : memref<32x5x32x64xi32, #tpu.memory_space<hbm>> -> memref<1x1x32x64xi32, #tpu.memory_space<hbm>>
        %dma_start3A_39 = tpu.memref_squeeze %dma_start3A_38 : memref<1x1x32x64xi32, #tpu.memory_space<hbm>> -> memref<32x64xi32, #tpu.memory_space<hbm>>
        %dma_start3A_40 = arith.constant 0 : i32
        %dma_start3A_41 = arith.constant 0 : i32
        %dma_start3A_42 = tpu.memref_slice %arg3[%add3A, %scan3A_9, %dma_start3A_40, %dma_start3A_41] : memref<32x5x32x64xi32, #tpu.memory_space<hbm>> -> memref<1x1x32x64xi32, #tpu.memory_space<hbm>>
        %dma_start3A_43 = tpu.memref_squeeze %dma_start3A_42 : memref<1x1x32x64xi32, #tpu.memory_space<hbm>> -> memref<32x64xi32, #tpu.memory_space<hbm>>
        tpu.enqueue_dma source(%dma_start3A_43 : memref<32x64xi32, #tpu.memory_space<hbm>>) target(%arg7 : memref<32x64xi32, #tpu.memory_space<vmem>>) target_semaphore(%run_scoped3A : memref<!tpu.dma_semaphore, #tpu.memory_space<semaphore_mem>>)
        %dma_wait3A = arith.constant 0 : i32
        %dma_wait3A_44 = arith.constant 0 : i32
        %dma_wait3A_45 = tpu.memref_slice %arg3[%add3A, %scan3A_9, %dma_wait3A, %dma_wait3A_44] : memref<32x5x32x64xi32, #tpu.memory_space<hbm>> -> memref<1x1x32x64xi32, #tpu.memory_space<hbm>>
        %dma_wait3A_46 = tpu.memref_squeeze %dma_wait3A_45 : memref<1x1x32x64xi32, #tpu.memory_space<hbm>> -> memref<32x64xi32, #tpu.memory_space<hbm>>
        %dma_wait3A_47 = arith.constant 0 : i32
        %dma_wait3A_48 = arith.constant 0 : i32
        %dma_wait3A_49 = tpu.memref_slice %arg3[%add3A, %scan3A_9, %dma_wait3A_47, %dma_wait3A_48] : memref<32x5x32x64xi32, #tpu.memory_space<hbm>> -> memref<1x1x32x64xi32, #tpu.memory_space<hbm>>
        %dma_wait3A_50 = tpu.memref_squeeze %dma_wait3A_49 : memref<1x1x32x64xi32, #tpu.memory_space<hbm>> -> memref<32x64xi32, #tpu.memory_space<hbm>>
        tpu.wait_dma2 semaphore(%run_scoped3A : memref<!tpu.dma_semaphore, #tpu.memory_space<semaphore_mem>>) src(%dma_wait3A_50 : memref<32x64xi32, #tpu.memory_space<hbm>>) dst(%arg7 : memref<32x64xi32, #tpu.memory_space<vmem>>)
        tpu.yield
      }) : () -> ()
      "tpu.region"() ({
        %run_scoped3A = tpu.sem_alloc : memref<!tpu.dma_semaphore, #tpu.memory_space<semaphore_mem>>
        %dma_start3A_36 = arith.constant 0 : i32
        %dma_start3A_37 = arith.constant 0 : i32
        %dma_start3A_38 = tpu.memref_slice %arg4[%add3A, %scan3A_9, %dma_start3A_36, %dma_start3A_37] : memref<32x5x32x64xi32, #tpu.memory_space<hbm>> -> memref<1x1x32x64xi32, #tpu.memory_space<hbm>>
        %dma_start3A_39 = tpu.memref_squeeze %dma_start3A_38 : memref<1x1x32x64xi32, #tpu.memory_space<hbm>> -> memref<32x64xi32, #tpu.memory_space<hbm>>
        %dma_start3A_40 = arith.constant 0 : i32
        %dma_start3A_41 = arith.constant 0 : i32
        %dma_start3A_42 = tpu.memref_slice %arg4[%add3A, %scan3A_9, %dma_start3A_40, %dma_start3A_41] : memref<32x5x32x64xi32, #tpu.memory_space<hbm>> -> memref<1x1x32x64xi32, #tpu.memory_space<hbm>>
        %dma_start3A_43 = tpu.memref_squeeze %dma_start3A_42 : memref<1x1x32x64xi32, #tpu.memory_space<hbm>> -> memref<32x64xi32, #tpu.memory_space<hbm>>
        tpu.enqueue_dma source(%dma_start3A_43 : memref<32x64xi32, #tpu.memory_space<hbm>>) target(%arg8 : memref<32x64xi32, #tpu.memory_space<vmem>>) target_semaphore(%run_scoped3A : memref<!tpu.dma_semaphore, #tpu.memory_space<semaphore_mem>>)
        %dma_wait3A = arith.constant 0 : i32
        %dma_wait3A_44 = arith.constant 0 : i32
        %dma_wait3A_45 = tpu.memref_slice %arg4[%add3A, %scan3A_9, %dma_wait3A, %dma_wait3A_44] : memref<32x5x32x64xi32, #tpu.memory_space<hbm>> -> memref<1x1x32x64xi32, #tpu.memory_space<hbm>>
        %dma_wait3A_46 = tpu.memref_squeeze %dma_wait3A_45 : memref<1x1x32x64xi32, #tpu.memory_space<hbm>> -> memref<32x64xi32, #tpu.memory_space<hbm>>
        %dma_wait3A_47 = arith.constant 0 : i32
        %dma_wait3A_48 = arith.constant 0 : i32
        %dma_wait3A_49 = tpu.memref_slice %arg4[%add3A, %scan3A_9, %dma_wait3A_47, %dma_wait3A_48] : memref<32x5x32x64xi32, #tpu.memory_space<hbm>> -> memref<1x1x32x64xi32, #tpu.memory_space<hbm>>
        %dma_wait3A_50 = tpu.memref_squeeze %dma_wait3A_49 : memref<1x1x32x64xi32, #tpu.memory_space<hbm>> -> memref<32x64xi32, #tpu.memory_space<hbm>>
        tpu.wait_dma2 semaphore(%run_scoped3A : memref<!tpu.dma_semaphore, #tpu.memory_space<semaphore_mem>>) src(%dma_wait3A_50 : memref<32x64xi32, #tpu.memory_space<hbm>>) dst(%arg8 : memref<32x64xi32, #tpu.memory_space<vmem>>)
        tpu.yield
      }) : () -> ()
      %dma_start3A = arith.constant 0 : i32
      %dma_start3A_10 = arith.constant 0 : i32
      %dma_start3A_11 = tpu.memref_slice %arg7[%dma_start3A, %dma_start3A_10] : memref<32x64xi32, #tpu.memory_space<vmem>> -> memref<1x64xi32, #tpu.memory_space<vmem>>
      %dma_start3A_12 = tpu.memref_squeeze %dma_start3A_11 : memref<1x64xi32, #tpu.memory_space<vmem>> -> memref<64xi32, #tpu.memory_space<vmem>>
      %dma_start3A_13 = arith.constant 0 : i32
      %dma_start3A_14 = arith.constant 0 : i32
      %dma_start3A_15 = tpu.memref_slice %arg2[%dma_start3A_13, %dma_start3A_14] : memref<10000x128xf32, #tpu.memory_space<hbm>> -> memref<10000x128xf32, #tpu.memory_space<hbm>>
      tpu.enqueue_indirect_dma source(%dma_start3A_15 : memref<10000x128xf32, #tpu.memory_space<hbm>>) target(%arg9 : memref<64x128xf32, #tpu.memory_space<vmem>>) offsets(%dma_start3A_12 : memref<64xi32, #tpu.memory_space<vmem>>) semaphore(%arg13 : memref<!tpu.dma_semaphore, #tpu.memory_space<semaphore_mem>>)
      %dma_start3A_16 = arith.constant 1 : i32
      %dma_start3A_17 = arith.constant 0 : i32
      %dma_start3A_18 = tpu.memref_slice %arg7[%dma_start3A_16, %dma_start3A_17] : memref<32x64xi32, #tpu.memory_space<vmem>> -> memref<1x64xi32, #tpu.memory_space<vmem>>
      %dma_start3A_19 = tpu.memref_squeeze %dma_start3A_18 : memref<1x64xi32, #tpu.memory_space<vmem>> -> memref<64xi32, #tpu.memory_space<vmem>>
      %dma_start3A_20 = arith.constant 0 : i32
      %dma_start3A_21 = arith.constant 0 : i32
      %dma_start3A_22 = tpu.memref_slice %arg2[%dma_start3A_20, %dma_start3A_21] : memref<10000x128xf32, #tpu.memory_space<hbm>> -> memref<10000x128xf32, #tpu.memory_space<hbm>>
      tpu.enqueue_indirect_dma source(%dma_start3A_22 : memref<10000x128xf32, #tpu.memory_space<hbm>>) target(%arg10 : memref<64x128xf32, #tpu.memory_space<vmem>>) offsets(%dma_start3A_19 : memref<64xi32, #tpu.memory_space<vmem>>) semaphore(%arg14 : memref<!tpu.dma_semaphore, #tpu.memory_space<semaphore_mem>>)
      %dma_start3A_23 = arith.constant 2 : i32
      %dma_start3A_24 = arith.constant 0 : i32
      %dma_start3A_25 = tpu.memref_slice %arg7[%dma_start3A_23, %dma_start3A_24] : memref<32x64xi32, #tpu.memory_space<vmem>> -> memref<1x64xi32, #tpu.memory_space<vmem>>
      %dma_start3A_26 = tpu.memref_squeeze %dma_start3A_25 : memref<1x64xi32, #tpu.memory_space<vmem>> -> memref<64xi32, #tpu.memory_space<vmem>>
      %dma_start3A_27 = arith.constant 0 : i32
      %dma_start3A_28 = arith.constant 0 : i32
      %dma_start3A_29 = tpu.memref_slice %arg2[%dma_start3A_27, %dma_start3A_28] : memref<10000x128xf32, #tpu.memory_space<hbm>> -> memref<10000x128xf32, #tpu.memory_space<hbm>>
      tpu.enqueue_indirect_dma source(%dma_start3A_29 : memref<10000x128xf32, #tpu.memory_space<hbm>>) target(%arg11 : memref<64x128xf32, #tpu.memory_space<vmem>>) offsets(%dma_start3A_26 : memref<64xi32, #tpu.memory_space<vmem>>) semaphore(%arg15 : memref<!tpu.dma_semaphore, #tpu.memory_space<semaphore_mem>>)
      %scan3A_30 = arith.constant 0 : i32
      %scan3A_31 = arith.constant 0 : i32
      %scan3A_32 = arith.constant 8 : i32
      %scan3A_33 = arith.addi %scan3A_31, %scan3A_32 : i32
      %scan3A_34 = arith.constant 1 : i32
      scf.for %scan3A_36 = %scan3A_31 to %scan3A_33 step %scan3A_34  : i32 {
        %mul3A_37 = arith.constant 4 : i32
        %mul3A_38 = arith.muli %scan3A_36, %mul3A_37 : i32
        %add3A_39 = arith.constant 0 : i32
        %add3A_40 = arith.addi %mul3A_38, %add3A_39 : i32
        %add3A_41 = arith.constant 4 : i32
        %add3A_42 = arith.addi %add3A_40, %add3A_41 : i32
        %sub3A = arith.constant 1 : i32
        %sub3A_43 = arith.subi %add3A_42, %sub3A : i32
        %lt3A = arith.constant 32 : i32
        %lt3A_44 = arith.cmpi slt, %sub3A_43, %lt3A : i32
        %convert_element_type3A = arith.extui %lt3A_44 : i1 to i32
        %cond3A = arith.constant 0 : i32
        %cond3A_45 = arith.cmpi ne, %convert_element_type3A, %cond3A : i32
        scf.if %cond3A_45 {
          %dma_start3A_108 = arith.constant 0 : i32
          %dma_start3A_109 = tpu.memref_slice %arg7[%sub3A_43, %dma_start3A_108] : memref<32x64xi32, #tpu.memory_space<vmem>> -> memref<1x64xi32, #tpu.memory_space<vmem>>
          %dma_start3A_110 = tpu.memref_squeeze %dma_start3A_109 : memref<1x64xi32, #tpu.memory_space<vmem>> -> memref<64xi32, #tpu.memory_space<vmem>>
          %dma_start3A_111 = arith.constant 0 : i32
          %dma_start3A_112 = arith.constant 0 : i32
          %dma_start3A_113 = tpu.memref_slice %arg2[%dma_start3A_111, %dma_start3A_112] : memref<10000x128xf32, #tpu.memory_space<hbm>> -> memref<10000x128xf32, #tpu.memory_space<hbm>>
          tpu.enqueue_indirect_dma source(%dma_start3A_113 : memref<10000x128xf32, #tpu.memory_space<hbm>>) target(%arg12 : memref<64x128xf32, #tpu.memory_space<vmem>>) offsets(%dma_start3A_110 : memref<64xi32, #tpu.memory_space<vmem>>) semaphore(%arg16 : memref<!tpu.dma_semaphore, #tpu.memory_space<semaphore_mem>>)
        } else {
        }
        %dma_wait3A = arith.constant 0 : i32
        %dma_wait3A_46 = tpu.memref_slice %arg7[%add3A_40, %dma_wait3A] : memref<32x64xi32, #tpu.memory_space<vmem>> -> memref<1x64xi32, #tpu.memory_space<vmem>>
        %dma_wait3A_47 = tpu.memref_squeeze %dma_wait3A_46 : memref<1x64xi32, #tpu.memory_space<vmem>> -> memref<64xi32, #tpu.memory_space<vmem>>
        %dma_wait3A_48 = arith.constant 0 : i32
        %dma_wait3A_49 = arith.constant 0 : i32
        %dma_wait3A_50 = tpu.memref_slice %arg2[%dma_wait3A_48, %dma_wait3A_49] : memref<10000x128xf32, #tpu.memory_space<hbm>> -> memref<10000x128xf32, #tpu.memory_space<hbm>>
        tpu.wait_indirect_dma semaphore(%arg13 : memref<!tpu.dma_semaphore, #tpu.memory_space<semaphore_mem>>) src(%dma_wait3A_50 : memref<10000x128xf32, #tpu.memory_space<hbm>>) dst(%arg9 : memref<64x128xf32, #tpu.memory_space<vmem>>)
        "tpu.region"() ({
          %run_scoped3A = tpu.sem_alloc : memref<!tpu.dma_semaphore, #tpu.memory_space<semaphore_mem>>
          %dma_start3A_108 = arith.constant 0 : i32
          %dma_start3A_109 = tpu.memref_slice %arg8[%add3A_40, %dma_start3A_108] : memref<32x64xi32, #tpu.memory_space<vmem>> -> memref<1x64xi32, #tpu.memory_space<vmem>>
          %dma_start3A_110 = tpu.memref_squeeze %dma_start3A_109 : memref<1x64xi32, #tpu.memory_space<vmem>> -> memref<64xi32, #tpu.memory_space<vmem>>
          %dma_start3A_111 = arith.constant 0 : i32
          %dma_start3A_112 = arith.constant 0 : i32
          %dma_start3A_113 = tpu.memref_slice %arg17[%dma_start3A_111, %dma_start3A_112] : memref<10112x128xf32, #tpu.memory_space<vmem_shared>> -> memref<10112x128xf32, #tpu.memory_space<vmem_shared>>
          tpu.enqueue_indirect_dma source(%arg9 : memref<64x128xf32, #tpu.memory_space<vmem>>) target(%dma_start3A_113 : memref<10112x128xf32, #tpu.memory_space<vmem_shared>>) offsets(%dma_start3A_110 : memref<64xi32, #tpu.memory_space<vmem>>) semaphore(%run_scoped3A : memref<!tpu.dma_semaphore, #tpu.memory_space<semaphore_mem>>) {add = true}
          %dma_wait3A_114 = arith.constant 0 : i32
          %dma_wait3A_115 = tpu.memref_slice %arg8[%add3A_40, %dma_wait3A_114] : memref<32x64xi32, #tpu.memory_space<vmem>> -> memref<1x64xi32, #tpu.memory_space<vmem>>
          %dma_wait3A_116 = tpu.memref_squeeze %dma_wait3A_115 : memref<1x64xi32, #tpu.memory_space<vmem>> -> memref<64xi32, #tpu.memory_space<vmem>>
          %dma_wait3A_117 = arith.constant 0 : i32
          %dma_wait3A_118 = arith.constant 0 : i32
          %dma_wait3A_119 = tpu.memref_slice %arg17[%dma_wait3A_117, %dma_wait3A_118] : memref<10112x128xf32, #tpu.memory_space<vmem_shared>> -> memref<10112x128xf32, #tpu.memory_space<vmem_shared>>
          tpu.wait_indirect_dma semaphore(%run_scoped3A : memref<!tpu.dma_semaphore, #tpu.memory_space<semaphore_mem>>) src(%arg9 : memref<64x128xf32, #tpu.memory_space<vmem>>) dst(%dma_wait3A_119 : memref<10112x128xf32, #tpu.memory_space<vmem_shared>>)
          tpu.yield
        }) : () -> ()
        %mul3A_51 = arith.constant 4 : i32
        %mul3A_52 = arith.muli %scan3A_36, %mul3A_51 : i32
        %add3A_53 = arith.constant 1 : i32
        %add3A_54 = arith.addi %mul3A_52, %add3A_53 : i32
        %add3A_55 = arith.constant 4 : i32
        %add3A_56 = arith.addi %add3A_54, %add3A_55 : i32
        %sub3A_57 = arith.constant 1 : i32
        %sub3A_58 = arith.subi %add3A_56, %sub3A_57 : i32
        %lt3A_59 = arith.constant 32 : i32
        %lt3A_60 = arith.cmpi slt, %sub3A_58, %lt3A_59 : i32
        %convert_element_type3A_61 = arith.extui %lt3A_60 : i1 to i32
        %cond3A_62 = arith.constant 0 : i32
        %cond3A_63 = arith.cmpi ne, %convert_element_type3A_61, %cond3A_62 : i32
        scf.if %cond3A_63 {
          %dma_start3A_108 = arith.constant 0 : i32
          %dma_start3A_109 = tpu.memref_slice %arg7[%sub3A_58, %dma_start3A_108] : memref<32x64xi32, #tpu.memory_space<vmem>> -> memref<1x64xi32, #tpu.memory_space<vmem>>
          %dma_start3A_110 = tpu.memref_squeeze %dma_start3A_109 : memref<1x64xi32, #tpu.memory_space<vmem>> -> memref<64xi32, #tpu.memory_space<vmem>>
          %dma_start3A_111 = arith.constant 0 : i32
          %dma_start3A_112 = arith.constant 0 : i32
          %dma_start3A_113 = tpu.memref_slice %arg2[%dma_start3A_111, %dma_start3A_112] : memref<10000x128xf32, #tpu.memory_space<hbm>> -> memref<10000x128xf32, #tpu.memory_space<hbm>>
          tpu.enqueue_indirect_dma source(%dma_start3A_113 : memref<10000x128xf32, #tpu.memory_space<hbm>>) target(%arg9 : memref<64x128xf32, #tpu.memory_space<vmem>>) offsets(%dma_start3A_110 : memref<64xi32, #tpu.memory_space<vmem>>) semaphore(%arg13 : memref<!tpu.dma_semaphore, #tpu.memory_space<semaphore_mem>>)
        } else {
        }
        %dma_wait3A_64 = arith.constant 0 : i32
        %dma_wait3A_65 = tpu.memref_slice %arg7[%add3A_54, %dma_wait3A_64] : memref<32x64xi32, #tpu.memory_space<vmem>> -> memref<1x64xi32, #tpu.memory_space<vmem>>
        %dma_wait3A_66 = tpu.memref_squeeze %dma_wait3A_65 : memref<1x64xi32, #tpu.memory_space<vmem>> -> memref<64xi32, #tpu.memory_space<vmem>>
        %dma_wait3A_67 = arith.constant 0 : i32
        %dma_wait3A_68 = arith.constant 0 : i32
        %dma_wait3A_69 = tpu.memref_slice %arg2[%dma_wait3A_67, %dma_wait3A_68] : memref<10000x128xf32, #tpu.memory_space<hbm>> -> memref<10000x128xf32, #tpu.memory_space<hbm>>
        tpu.wait_indirect_dma semaphore(%arg14 : memref<!tpu.dma_semaphore, #tpu.memory_space<semaphore_mem>>) src(%dma_wait3A_69 : memref<10000x128xf32, #tpu.memory_space<hbm>>) dst(%arg10 : memref<64x128xf32, #tpu.memory_space<vmem>>)
        "tpu.region"() ({
          %run_scoped3A = tpu.sem_alloc : memref<!tpu.dma_semaphore, #tpu.memory_space<semaphore_mem>>
          %dma_start3A_108 = arith.constant 0 : i32
          %dma_start3A_109 = tpu.memref_slice %arg8[%add3A_54, %dma_start3A_108] : memref<32x64xi32, #tpu.memory_space<vmem>> -> memref<1x64xi32, #tpu.memory_space<vmem>>
          %dma_start3A_110 = tpu.memref_squeeze %dma_start3A_109 : memref<1x64xi32, #tpu.memory_space<vmem>> -> memref<64xi32, #tpu.memory_space<vmem>>
          %dma_start3A_111 = arith.constant 0 : i32
          %dma_start3A_112 = arith.constant 0 : i32
          %dma_start3A_113 = tpu.memref_slice %arg17[%dma_start3A_111, %dma_start3A_112] : memref<10112x128xf32, #tpu.memory_space<vmem_shared>> -> memref<10112x128xf32, #tpu.memory_space<vmem_shared>>
          tpu.enqueue_indirect_dma source(%arg10 : memref<64x128xf32, #tpu.memory_space<vmem>>) target(%dma_start3A_113 : memref<10112x128xf32, #tpu.memory_space<vmem_shared>>) offsets(%dma_start3A_110 : memref<64xi32, #tpu.memory_space<vmem>>) semaphore(%run_scoped3A : memref<!tpu.dma_semaphore, #tpu.memory_space<semaphore_mem>>) {add = true}
          %dma_wait3A_114 = arith.constant 0 : i32
          %dma_wait3A_115 = tpu.memref_slice %arg8[%add3A_54, %dma_wait3A_114] : memref<32x64xi32, #tpu.memory_space<vmem>> -> memref<1x64xi32, #tpu.memory_space<vmem>>
          %dma_wait3A_116 = tpu.memref_squeeze %dma_wait3A_115 : memref<1x64xi32, #tpu.memory_space<vmem>> -> memref<64xi32, #tpu.memory_space<vmem>>
          %dma_wait3A_117 = arith.constant 0 : i32
          %dma_wait3A_118 = arith.constant 0 : i32
          %dma_wait3A_119 = tpu.memref_slice %arg17[%dma_wait3A_117, %dma_wait3A_118] : memref<10112x128xf32, #tpu.memory_space<vmem_shared>> -> memref<10112x128xf32, #tpu.memory_space<vmem_shared>>
          tpu.wait_indirect_dma semaphore(%run_scoped3A : memref<!tpu.dma_semaphore, #tpu.memory_space<semaphore_mem>>) src(%arg10 : memref<64x128xf32, #tpu.memory_space<vmem>>) dst(%dma_wait3A_119 : memref<10112x128xf32, #tpu.memory_space<vmem_shared>>)
          tpu.yield
        }) : () -> ()
        %mul3A_70 = arith.constant 4 : i32
        %mul3A_71 = arith.muli %scan3A_36, %mul3A_70 : i32
        %add3A_72 = arith.constant 2 : i32
        %add3A_73 = arith.addi %mul3A_71, %add3A_72 : i32
        %add3A_74 = arith.constant 4 : i32
        %add3A_75 = arith.addi %add3A_73, %add3A_74 : i32
        %sub3A_76 = arith.constant 1 : i32
        %sub3A_77 = arith.subi %add3A_75, %sub3A_76 : i32
        %lt3A_78 = arith.constant 32 : i32
        %lt3A_79 = arith.cmpi slt, %sub3A_77, %lt3A_78 : i32
        %convert_element_type3A_80 = arith.extui %lt3A_79 : i1 to i32
        %cond3A_81 = arith.constant 0 : i32
        %cond3A_82 = arith.cmpi ne, %convert_element_type3A_80, %cond3A_81 : i32
        scf.if %cond3A_82 {
          %dma_start3A_108 = arith.constant 0 : i32
          %dma_start3A_109 = tpu.memref_slice %arg7[%sub3A_77, %dma_start3A_108] : memref<32x64xi32, #tpu.memory_space<vmem>> -> memref<1x64xi32, #tpu.memory_space<vmem>>
          %dma_start3A_110 = tpu.memref_squeeze %dma_start3A_109 : memref<1x64xi32, #tpu.memory_space<vmem>> -> memref<64xi32, #tpu.memory_space<vmem>>
          %dma_start3A_111 = arith.constant 0 : i32
          %dma_start3A_112 = arith.constant 0 : i32
          %dma_start3A_113 = tpu.memref_slice %arg2[%dma_start3A_111, %dma_start3A_112] : memref<10000x128xf32, #tpu.memory_space<hbm>> -> memref<10000x128xf32, #tpu.memory_space<hbm>>
          tpu.enqueue_indirect_dma source(%dma_start3A_113 : memref<10000x128xf32, #tpu.memory_space<hbm>>) target(%arg10 : memref<64x128xf32, #tpu.memory_space<vmem>>) offsets(%dma_start3A_110 : memref<64xi32, #tpu.memory_space<vmem>>) semaphore(%arg14 : memref<!tpu.dma_semaphore, #tpu.memory_space<semaphore_mem>>)
        } else {
        }
        %dma_wait3A_83 = arith.constant 0 : i32
        %dma_wait3A_84 = tpu.memref_slice %arg7[%add3A_73, %dma_wait3A_83] : memref<32x64xi32, #tpu.memory_space<vmem>> -> memref<1x64xi32, #tpu.memory_space<vmem>>
        %dma_wait3A_85 = tpu.memref_squeeze %dma_wait3A_84 : memref<1x64xi32, #tpu.memory_space<vmem>> -> memref<64xi32, #tpu.memory_space<vmem>>
        %dma_wait3A_86 = arith.constant 0 : i32
        %dma_wait3A_87 = arith.constant 0 : i32
        %dma_wait3A_88 = tpu.memref_slice %arg2[%dma_wait3A_86, %dma_wait3A_87] : memref<10000x128xf32, #tpu.memory_space<hbm>> -> memref<10000x128xf32, #tpu.memory_space<hbm>>
        tpu.wait_indirect_dma semaphore(%arg15 : memref<!tpu.dma_semaphore, #tpu.memory_space<semaphore_mem>>) src(%dma_wait3A_88 : memref<10000x128xf32, #tpu.memory_space<hbm>>) dst(%arg11 : memref<64x128xf32, #tpu.memory_space<vmem>>)
        "tpu.region"() ({
          %run_scoped3A = tpu.sem_alloc : memref<!tpu.dma_semaphore, #tpu.memory_space<semaphore_mem>>
          %dma_start3A_108 = arith.constant 0 : i32
          %dma_start3A_109 = tpu.memref_slice %arg8[%add3A_73, %dma_start3A_108] : memref<32x64xi32, #tpu.memory_space<vmem>> -> memref<1x64xi32, #tpu.memory_space<vmem>>
          %dma_start3A_110 = tpu.memref_squeeze %dma_start3A_109 : memref<1x64xi32, #tpu.memory_space<vmem>> -> memref<64xi32, #tpu.memory_space<vmem>>
          %dma_start3A_111 = arith.constant 0 : i32
          %dma_start3A_112 = arith.constant 0 : i32
          %dma_start3A_113 = tpu.memref_slice %arg17[%dma_start3A_111, %dma_start3A_112] : memref<10112x128xf32, #tpu.memory_space<vmem_shared>> -> memref<10112x128xf32, #tpu.memory_space<vmem_shared>>
          tpu.enqueue_indirect_dma source(%arg11 : memref<64x128xf32, #tpu.memory_space<vmem>>) target(%dma_start3A_113 : memref<10112x128xf32, #tpu.memory_space<vmem_shared>>) offsets(%dma_start3A_110 : memref<64xi32, #tpu.memory_space<vmem>>) semaphore(%run_scoped3A : memref<!tpu.dma_semaphore, #tpu.memory_space<semaphore_mem>>) {add = true}
          %dma_wait3A_114 = arith.constant 0 : i32
          %dma_wait3A_115 = tpu.memref_slice %arg8[%add3A_73, %dma_wait3A_114] : memref<32x64xi32, #tpu.memory_space<vmem>> -> memref<1x64xi32, #tpu.memory_space<vmem>>
          %dma_wait3A_116 = tpu.memref_squeeze %dma_wait3A_115 : memref<1x64xi32, #tpu.memory_space<vmem>> -> memref<64xi32, #tpu.memory_space<vmem>>
          %dma_wait3A_117 = arith.constant 0 : i32
          %dma_wait3A_118 = arith.constant 0 : i32
          %dma_wait3A_119 = tpu.memref_slice %arg17[%dma_wait3A_117, %dma_wait3A_118] : memref<10112x128xf32, #tpu.memory_space<vmem_shared>> -> memref<10112x128xf32, #tpu.memory_space<vmem_shared>>
          tpu.wait_indirect_dma semaphore(%run_scoped3A : memref<!tpu.dma_semaphore, #tpu.memory_space<semaphore_mem>>) src(%arg11 : memref<64x128xf32, #tpu.memory_space<vmem>>) dst(%dma_wait3A_119 : memref<10112x128xf32, #tpu.memory_space<vmem_shared>>)
          tpu.yield
        }) : () -> ()
        %mul3A_89 = arith.constant 4 : i32
        %mul3A_90 = arith.muli %scan3A_36, %mul3A_89 : i32
        %add3A_91 = arith.constant 3 : i32
        %add3A_92 = arith.addi %mul3A_90, %add3A_91 : i32
        %add3A_93 = arith.constant 4 : i32
        %add3A_94 = arith.addi %add3A_92, %add3A_93 : i32
        %sub3A_95 = arith.constant 1 : i32
        %sub3A_96 = arith.subi %add3A_94, %sub3A_95 : i32
        %lt3A_97 = arith.constant 32 : i32
        %lt3A_98 = arith.cmpi slt, %sub3A_96, %lt3A_97 : i32
        %convert_element_type3A_99 = arith.extui %lt3A_98 : i1 to i32
        %cond3A_100 = arith.constant 0 : i32
        %cond3A_101 = arith.cmpi ne, %convert_element_type3A_99, %cond3A_100 : i32
        scf.if %cond3A_101 {
          %dma_start3A_108 = arith.constant 0 : i32
          %dma_start3A_109 = tpu.memref_slice %arg7[%sub3A_96, %dma_start3A_108] : memref<32x64xi32, #tpu.memory_space<vmem>> -> memref<1x64xi32, #tpu.memory_space<vmem>>
          %dma_start3A_110 = tpu.memref_squeeze %dma_start3A_109 : memref<1x64xi32, #tpu.memory_space<vmem>> -> memref<64xi32, #tpu.memory_space<vmem>>
          %dma_start3A_111 = arith.constant 0 : i32
          %dma_start3A_112 = arith.constant 0 : i32
          %dma_start3A_113 = tpu.memref_slice %arg2[%dma_start3A_111, %dma_start3A_112] : memref<10000x128xf32, #tpu.memory_space<hbm>> -> memref<10000x128xf32, #tpu.memory_space<hbm>>
          tpu.enqueue_indirect_dma source(%dma_start3A_113 : memref<10000x128xf32, #tpu.memory_space<hbm>>) target(%arg11 : memref<64x128xf32, #tpu.memory_space<vmem>>) offsets(%dma_start3A_110 : memref<64xi32, #tpu.memory_space<vmem>>) semaphore(%arg15 : memref<!tpu.dma_semaphore, #tpu.memory_space<semaphore_mem>>)
        } else {
        }
        %dma_wait3A_102 = arith.constant 0 : i32
        %dma_wait3A_103 = tpu.memref_slice %arg7[%add3A_92, %dma_wait3A_102] : memref<32x64xi32, #tpu.memory_space<vmem>> -> memref<1x64xi32, #tpu.memory_space<vmem>>
        %dma_wait3A_104 = tpu.memref_squeeze %dma_wait3A_103 : memref<1x64xi32, #tpu.memory_space<vmem>> -> memref<64xi32, #tpu.memory_space<vmem>>
        %dma_wait3A_105 = arith.constant 0 : i32
        %dma_wait3A_106 = arith.constant 0 : i32
        %dma_wait3A_107 = tpu.memref_slice %arg2[%dma_wait3A_105, %dma_wait3A_106] : memref<10000x128xf32, #tpu.memory_space<hbm>> -> memref<10000x128xf32, #tpu.memory_space<hbm>>
        tpu.wait_indirect_dma semaphore(%arg16 : memref<!tpu.dma_semaphore, #tpu.memory_space<semaphore_mem>>) src(%dma_wait3A_107 : memref<10000x128xf32, #tpu.memory_space<hbm>>) dst(%arg12 : memref<64x128xf32, #tpu.memory_space<vmem>>)
        "tpu.region"() ({
          %run_scoped3A = tpu.sem_alloc : memref<!tpu.dma_semaphore, #tpu.memory_space<semaphore_mem>>
          %dma_start3A_108 = arith.constant 0 : i32
          %dma_start3A_109 = tpu.memref_slice %arg8[%add3A_92, %dma_start3A_108] : memref<32x64xi32, #tpu.memory_space<vmem>> -> memref<1x64xi32, #tpu.memory_space<vmem>>
          %dma_start3A_110 = tpu.memref_squeeze %dma_start3A_109 : memref<1x64xi32, #tpu.memory_space<vmem>> -> memref<64xi32, #tpu.memory_space<vmem>>
          %dma_start3A_111 = arith.constant 0 : i32
          %dma_start3A_112 = arith.constant 0 : i32
          %dma_start3A_113 = tpu.memref_slice %arg17[%dma_start3A_111, %dma_start3A_112] : memref<10112x128xf32, #tpu.memory_space<vmem_shared>> -> memref<10112x128xf32, #tpu.memory_space<vmem_shared>>
          tpu.enqueue_indirect_dma source(%arg12 : memref<64x128xf32, #tpu.memory_space<vmem>>) target(%dma_start3A_113 : memref<10112x128xf32, #tpu.memory_space<vmem_shared>>) offsets(%dma_start3A_110 : memref<64xi32, #tpu.memory_space<vmem>>) semaphore(%run_scoped3A : memref<!tpu.dma_semaphore, #tpu.memory_space<semaphore_mem>>) {add = true}
          %dma_wait3A_114 = arith.constant 0 : i32
          %dma_wait3A_115 = tpu.memref_slice %arg8[%add3A_92, %dma_wait3A_114] : memref<32x64xi32, #tpu.memory_space<vmem>> -> memref<1x64xi32, #tpu.memory_space<vmem>>
          %dma_wait3A_116 = tpu.memref_squeeze %dma_wait3A_115 : memref<1x64xi32, #tpu.memory_space<vmem>> -> memref<64xi32, #tpu.memory_space<vmem>>
          %dma_wait3A_117 = arith.constant 0 : i32
          %dma_wait3A_118 = arith.constant 0 : i32
          %dma_wait3A_119 = tpu.memref_slice %arg17[%dma_wait3A_117, %dma_wait3A_118] : memref<10112x128xf32, #tpu.memory_space<vmem_shared>> -> memref<10112x128xf32, #tpu.memory_space<vmem_shared>>
          tpu.wait_indirect_dma semaphore(%run_scoped3A : memref<!tpu.dma_semaphore, #tpu.memory_space<semaphore_mem>>) src(%arg12 : memref<64x128xf32, #tpu.memory_space<vmem>>) dst(%dma_wait3A_119 : memref<10112x128xf32, #tpu.memory_space<vmem_shared>>)
          tpu.yield
        }) : () -> ()
      }
      %scan3A_35 = arith.constant 8 : i32
    }
    %scan3A_7 = arith.constant 5 : i32
    %barrier3A_8 = arith.constant 0 : index
    tpu.barrier barrier_id(%barrier3A_8)
    "tpu.region"() ({
      %run_scoped3A = tpu.sem_alloc : memref<!tpu.dma_semaphore, #tpu.memory_space<semaphore_mem>>
      %dma_start3A = arith.constant 0 : i32
      %dma_start3A_9 = tpu.memref_slice %arg6[%arg0, %mul3A_2, %dma_start3A] : memref<2x10112x128xf32, #tpu.memory_space<hbm>> -> memref<1x632x128xf32, #tpu.memory_space<hbm>>
      %dma_start3A_10 = tpu.memref_squeeze %dma_start3A_9 : memref<1x632x128xf32, #tpu.memory_space<hbm>> -> memref<632x128xf32, #tpu.memory_space<hbm>>
      %dma_start3A_11 = arith.constant 0 : i32
      %dma_start3A_12 = tpu.memref_slice %arg17[%mul3A_2, %dma_start3A_11] : memref<10112x128xf32, #tpu.memory_space<vmem_shared>> -> memref<632x128xf32, #tpu.memory_space<vmem_shared>>
      tpu.enqueue_dma source(%dma_start3A_12 : memref<632x128xf32, #tpu.memory_space<vmem_shared>>) target(%dma_start3A_10 : memref<632x128xf32, #tpu.memory_space<hbm>>) target_semaphore(%run_scoped3A : memref<!tpu.dma_semaphore, #tpu.memory_space<semaphore_mem>>)
      %dma_wait3A = arith.constant 0 : i32
      %dma_wait3A_13 = tpu.memref_slice %arg6[%arg0, %mul3A_2, %dma_wait3A] : memref<2x10112x128xf32, #tpu.memory_space<hbm>> -> memref<1x632x128xf32, #tpu.memory_space<hbm>>
      %dma_wait3A_14 = tpu.memref_squeeze %dma_wait3A_13 : memref<1x632x128xf32, #tpu.memory_space<hbm>> -> memref<632x128xf32, #tpu.memory_space<hbm>>
      %dma_wait3A_15 = arith.constant 0 : i32
      %dma_wait3A_16 = tpu.memref_slice %arg17[%mul3A_2, %dma_wait3A_15] : memref<10112x128xf32, #tpu.memory_space<vmem_shared>> -> memref<632x128xf32, #tpu.memory_space<vmem_shared>>
      tpu.wait_dma2 semaphore(%run_scoped3A : memref<!tpu.dma_semaphore, #tpu.memory_space<semaphore_mem>>) src(%dma_wait3A_16 : memref<632x128xf32, #tpu.memory_space<vmem_shared>>) dst(%dma_wait3A_14 : memref<632x128xf32, #tpu.memory_space<hbm>>)
      tpu.yield
    }) : () -> ()
    return
  }
}

#map = affine_map<(d0, d1) -> (0, 0)>
#map1 = affine_map<(d0, d1) -> (0, 0, 0, 0)>
#map2 = affine_map<(d0, d1) -> (0, 0, 0)>
module attributes {stable_mosaic.version = 14 : i64} {
  func.func @sc_scatter(%arg0: i32, %arg1: i32, %arg2: memref<10000x128xf32, #tpu.memory_space<hbm>>, %arg3: memref<32x5x32x64xi32, #tpu.memory_space<hbm>>, %arg4: memref<32x5x32x64xi32, #tpu.memory_space<hbm>>, %arg5: memref<632x128xf32, #tpu.memory_space<hbm>>, %arg6: memref<2x10112x128xf32, #tpu.memory_space<hbm>>, %arg7: memref<32x64xi32, #tpu.memory_space<vmem>>, %arg8: memref<32x64xi32, #tpu.memory_space<vmem>>, %arg9: memref<64x128xf32, #tpu.memory_space<vmem>>, %arg10: memref<64x128xf32, #tpu.memory_space<vmem>>, %arg11: memref<64x128xf32, #tpu.memory_space<vmem>>, %arg12: memref<64x128xf32, #tpu.memory_space<vmem>>, %arg13: memref<!tpu.dma_semaphore, #tpu.memory_space<semaphore_mem>>, %arg14: memref<!tpu.dma_semaphore, #tpu.memory_space<semaphore_mem>>, %arg15: memref<!tpu.dma_semaphore, #tpu.memory_space<semaphore_mem>>, %arg16: memref<!tpu.dma_semaphore, #tpu.memory_space<semaphore_mem>>, %arg17: memref<10112x128xf32, #tpu.memory_space<vmem_shared>>) attributes {dimension_semantics = [#tpu.dimension_semantics<core_parallel>, #tpu.dimension_semantics<subcore_parallel>], iteration_bounds = array<i64: 2, 16>, scalar_prefetch = 0 : i64, scratch_operands = 11 : i64, tpu.core_type = #tpu.core_type<sc_vector_subcore>, window_params = [{transform_indices = #map}, {transform_indices = #map1}, {transform_indices = #map1}, {transform_indices = #map}, {transform_indices = #map2}]} {
    %mul3A = arith.constant 16 : i32
    %mul3A_0 = arith.muli %arg0, %mul3A : i32
    %add3A = arith.addi %mul3A_0, %arg1 : i32
    %mul3A_1 = arith.constant 632 : i32
    %mul3A_2 = arith.muli %arg1, %mul3A_1 : i32
    "tpu.region"() ({
      %run_scoped3A = tpu.sem_alloc : memref<!tpu.dma_semaphore, #tpu.memory_space<semaphore_mem>>
      %dma_start3A = arith.constant 0 : i32
      %dma_start3A_9 = tpu.memref_slice %arg17[%mul3A_2, %dma_start3A] : memref<10112x128xf32, #tpu.memory_space<vmem_shared>> -> memref<632x128xf32, #tpu.memory_space<vmem_shared>>
      tpu.enqueue_dma source(%arg5 : memref<632x128xf32, #tpu.memory_space<hbm>>) target(%dma_start3A_9 : memref<632x128xf32, #tpu.memory_space<vmem_shared>>) target_semaphore(%run_scoped3A : memref<!tpu.dma_semaphore, #tpu.memory_space<semaphore_mem>>)
      %dma_wait3A = arith.constant 0 : i32
      %dma_wait3A_10 = tpu.memref_slice %arg17[%mul3A_2, %dma_wait3A] : memref<10112x128xf32, #tpu.memory_space<vmem_shared>> -> memref<632x128xf32, #tpu.memory_space<vmem_shared>>
      tpu.wait_dma2 semaphore(%run_scoped3A : memref<!tpu.dma_semaphore, #tpu.memory_space<semaphore_mem>>) src(%arg5 : memref<632x128xf32, #tpu.memory_space<hbm>>) dst(%dma_wait3A_10 : memref<632x128xf32, #tpu.memory_space<vmem_shared>>)
      tpu.yield
    }) : () -> ()
    %barrier3A = arith.constant 0 : index
    tpu.barrier barrier_id(%barrier3A)
    %scan3A = arith.constant 0 : i32
    %scan3A_3 = arith.constant 0 : i32
    %scan3A_4 = arith.constant 5 : i32
    %scan3A_5 = arith.addi %scan3A_3, %scan3A_4 : i32
    %scan3A_6 = arith.constant 1 : i32
    scf.for %scan3A_9 = %scan3A_3 to %scan3A_5 step %scan3A_6  : i32 {
      "tpu.region"() ({
        %run_scoped3A = tpu.sem_alloc : memref<!tpu.dma_semaphore, #tpu.memory_space<semaphore_mem>>
        %dma_start3A_36 = arith.constant 0 : i32
        %dma_start3A_37 = arith.constant 0 : i32
        %dma_start3A_38 = tpu.memref_slice %arg3[%add3A, %scan3A_9, %dma_start3A_36, %dma_start3A_37] : memref<32x5x32x64xi32, #tpu.memory_space<hbm>> -> memref<1x1x32x64xi32, #tpu.memory_space<hbm>>
        %dma_start3A_39 = tpu.memref_squeeze %dma_start3A_38 : memref<1x1x32x64xi32, #tpu.memory_space<hbm>> -> memref<32x64xi32, #tpu.memory_space<hbm>>
        %dma_start3A_40 = arith.constant 0 : i32
        %dma_start3A_41 = arith.constant 0 : i32
        %dma_start3A_42 = tpu.memref_slice %arg3[%add3A, %scan3A_9, %dma_start3A_40, %dma_start3A_41] : memref<32x5x32x64xi32, #tpu.memory_space<hbm>> -> memref<1x1x32x64xi32, #tpu.memory_space<hbm>>
        %dma_start3A_43 = tpu.memref_squeeze %dma_start3A_42 : memref<1x1x32x64xi32, #tpu.memory_space<hbm>> -> memref<32x64xi32, #tpu.memory_space<hbm>>
        tpu.enqueue_dma source(%dma_start3A_43 : memref<32x64xi32, #tpu.memory_space<hbm>>) target(%arg7 : memref<32x64xi32, #tpu.memory_space<vmem>>) target_semaphore(%run_scoped3A : memref<!tpu.dma_semaphore, #tpu.memory_space<semaphore_mem>>)
        %dma_wait3A = arith.constant 0 : i32
        %dma_wait3A_44 = arith.constant 0 : i32
        %dma_wait3A_45 = tpu.memref_slice %arg3[%add3A, %scan3A_9, %dma_wait3A, %dma_wait3A_44] : memref<32x5x32x64xi32, #tpu.memory_space<hbm>> -> memref<1x1x32x64xi32, #tpu.memory_space<hbm>>
        %dma_wait3A_46 = tpu.memref_squeeze %dma_wait3A_45 : memref<1x1x32x64xi32, #tpu.memory_space<hbm>> -> memref<32x64xi32, #tpu.memory_space<hbm>>
        %dma_wait3A_47 = arith.constant 0 : i32
        %dma_wait3A_48 = arith.constant 0 : i32
        %dma_wait3A_49 = tpu.memref_slice %arg3[%add3A, %scan3A_9, %dma_wait3A_47, %dma_wait3A_48] : memref<32x5x32x64xi32, #tpu.memory_space<hbm>> -> memref<1x1x32x64xi32, #tpu.memory_space<hbm>>
        %dma_wait3A_50 = tpu.memref_squeeze %dma_wait3A_49 : memref<1x1x32x64xi32, #tpu.memory_space<hbm>> -> memref<32x64xi32, #tpu.memory_space<hbm>>
        tpu.wait_dma2 semaphore(%run_scoped3A : memref<!tpu.dma_semaphore, #tpu.memory_space<semaphore_mem>>) src(%dma_wait3A_50 : memref<32x64xi32, #tpu.memory_space<hbm>>) dst(%arg7 : memref<32x64xi32, #tpu.memory_space<vmem>>)
        tpu.yield
      }) : () -> ()
      "tpu.region"() ({
        %run_scoped3A = tpu.sem_alloc : memref<!tpu.dma_semaphore, #tpu.memory_space<semaphore_mem>>
        %dma_start3A_36 = arith.constant 0 : i32
        %dma_start3A_37 = arith.constant 0 : i32
        %dma_start3A_38 = tpu.memref_slice %arg4[%add3A, %scan3A_9, %dma_start3A_36, %dma_start3A_37] : memref<32x5x32x64xi32, #tpu.memory_space<hbm>> -> memref<1x1x32x64xi32, #tpu.memory_space<hbm>>
        %dma_start3A_39 = tpu.memref_squeeze %dma_start3A_38 : memref<1x1x32x64xi32, #tpu.memory_space<hbm>> -> memref<32x64xi32, #tpu.memory_space<hbm>>
        %dma_start3A_40 = arith.constant 0 : i32
        %dma_start3A_41 = arith.constant 0 : i32
        %dma_start3A_42 = tpu.memref_slice %arg4[%add3A, %scan3A_9, %dma_start3A_40, %dma_start3A_41] : memref<32x5x32x64xi32, #tpu.memory_space<hbm>> -> memref<1x1x32x64xi32, #tpu.memory_space<hbm>>
        %dma_start3A_43 = tpu.memref_squeeze %dma_start3A_42 : memref<1x1x32x64xi32, #tpu.memory_space<hbm>> -> memref<32x64xi32, #tpu.memory_space<hbm>>
        tpu.enqueue_dma source(%dma_start3A_43 : memref<32x64xi32, #tpu.memory_space<hbm>>) target(%arg8 : memref<32x64xi32, #tpu.memory_space<vmem>>) target_semaphore(%run_scoped3A : memref<!tpu.dma_semaphore, #tpu.memory_space<semaphore_mem>>)
        %dma_wait3A = arith.constant 0 : i32
        %dma_wait3A_44 = arith.constant 0 : i32
        %dma_wait3A_45 = tpu.memref_slice %arg4[%add3A, %scan3A_9, %dma_wait3A, %dma_wait3A_44] : memref<32x5x32x64xi32, #tpu.memory_space<hbm>> -> memref<1x1x32x64xi32, #tpu.memory_space<hbm>>
        %dma_wait3A_46 = tpu.memref_squeeze %dma_wait3A_45 : memref<1x1x32x64xi32, #tpu.memory_space<hbm>> -> memref<32x64xi32, #tpu.memory_space<hbm>>
        %dma_wait3A_47 = arith.constant 0 : i32
        %dma_wait3A_48 = arith.constant 0 : i32
        %dma_wait3A_49 = tpu.memref_slice %arg4[%add3A, %scan3A_9, %dma_wait3A_47, %dma_wait3A_48] : memref<32x5x32x64xi32, #tpu.memory_space<hbm>> -> memref<1x1x32x64xi32, #tpu.memory_space<hbm>>
        %dma_wait3A_50 = tpu.memref_squeeze %dma_wait3A_49 : memref<1x1x32x64xi32, #tpu.memory_space<hbm>> -> memref<32x64xi32, #tpu.memory_space<hbm>>
        tpu.wait_dma2 semaphore(%run_scoped3A : memref<!tpu.dma_semaphore, #tpu.memory_space<semaphore_mem>>) src(%dma_wait3A_50 : memref<32x64xi32, #tpu.memory_space<hbm>>) dst(%arg8 : memref<32x64xi32, #tpu.memory_space<vmem>>)
        tpu.yield
      }) : () -> ()
      %dma_start3A = arith.constant 0 : i32
      %dma_start3A_10 = arith.constant 0 : i32
      %dma_start3A_11 = tpu.memref_slice %arg7[%dma_start3A, %dma_start3A_10] : memref<32x64xi32, #tpu.memory_space<vmem>> -> memref<1x64xi32, #tpu.memory_space<vmem>>
      %dma_start3A_12 = tpu.memref_squeeze %dma_start3A_11 : memref<1x64xi32, #tpu.memory_space<vmem>> -> memref<64xi32, #tpu.memory_space<vmem>>
      %dma_start3A_13 = arith.constant 0 : i32
      %dma_start3A_14 = arith.constant 0 : i32
      %dma_start3A_15 = tpu.memref_slice %arg2[%dma_start3A_13, %dma_start3A_14] : memref<10000x128xf32, #tpu.memory_space<hbm>> -> memref<10000x128xf32, #tpu.memory_space<hbm>>
      tpu.enqueue_indirect_dma source(%dma_start3A_15 : memref<10000x128xf32, #tpu.memory_space<hbm>>) target(%arg9 : memref<64x128xf32, #tpu.memory_space<vmem>>) offsets(%dma_start3A_12 : memref<64xi32, #tpu.memory_space<vmem>>) semaphore(%arg13 : memref<!tpu.dma_semaphore, #tpu.memory_space<semaphore_mem>>)
      %dma_start3A_16 = arith.constant 1 : i32
      %dma_start3A_17 = arith.constant 0 : i32
      %dma_start3A_18 = tpu.memref_slice %arg7[%dma_start3A_16, %dma_start3A_17] : memref<32x64xi32, #tpu.memory_space<vmem>> -> memref<1x64xi32, #tpu.memory_space<vmem>>
      %dma_start3A_19 = tpu.memref_squeeze %dma_start3A_18 : memref<1x64xi32, #tpu.memory_space<vmem>> -> memref<64xi32, #tpu.memory_space<vmem>>
      %dma_start3A_20 = arith.constant 0 : i32
      %dma_start3A_21 = arith.constant 0 : i32
      %dma_start3A_22 = tpu.memref_slice %arg2[%dma_start3A_20, %dma_start3A_21] : memref<10000x128xf32, #tpu.memory_space<hbm>> -> memref<10000x128xf32, #tpu.memory_space<hbm>>
      tpu.enqueue_indirect_dma source(%dma_start3A_22 : memref<10000x128xf32, #tpu.memory_space<hbm>>) target(%arg10 : memref<64x128xf32, #tpu.memory_space<vmem>>) offsets(%dma_start3A_19 : memref<64xi32, #tpu.memory_space<vmem>>) semaphore(%arg14 : memref<!tpu.dma_semaphore, #tpu.memory_space<semaphore_mem>>)
      %dma_start3A_23 = arith.constant 2 : i32
      %dma_start3A_24 = arith.constant 0 : i32
      %dma_start3A_25 = tpu.memref_slice %arg7[%dma_start3A_23, %dma_start3A_24] : memref<32x64xi32, #tpu.memory_space<vmem>> -> memref<1x64xi32, #tpu.memory_space<vmem>>
      %dma_start3A_26 = tpu.memref_squeeze %dma_start3A_25 : memref<1x64xi32, #tpu.memory_space<vmem>> -> memref<64xi32, #tpu.memory_space<vmem>>
      %dma_start3A_27 = arith.constant 0 : i32
      %dma_start3A_28 = arith.constant 0 : i32
      %dma_start3A_29 = tpu.memref_slice %arg2[%dma_start3A_27, %dma_start3A_28] : memref<10000x128xf32, #tpu.memory_space<hbm>> -> memref<10000x128xf32, #tpu.memory_space<hbm>>
      tpu.enqueue_indirect_dma source(%dma_start3A_29 : memref<10000x128xf32, #tpu.memory_space<hbm>>) target(%arg11 : memref<64x128xf32, #tpu.memory_space<vmem>>) offsets(%dma_start3A_26 : memref<64xi32, #tpu.memory_space<vmem>>) semaphore(%arg15 : memref<!tpu.dma_semaphore, #tpu.memory_space<semaphore_mem>>)
      %scan3A_30 = arith.constant 0 : i32
      %scan3A_31 = arith.constant 0 : i32
      %scan3A_32 = arith.constant 8 : i32
      %scan3A_33 = arith.addi %scan3A_31, %scan3A_32 : i32
      %scan3A_34 = arith.constant 1 : i32
      scf.for %scan3A_36 = %scan3A_31 to %scan3A_33 step %scan3A_34  : i32 {
        %mul3A_37 = arith.constant 4 : i32
        %mul3A_38 = arith.muli %scan3A_36, %mul3A_37 : i32
        %add3A_39 = arith.constant 0 : i32
        %add3A_40 = arith.addi %mul3A_38, %add3A_39 : i32
        %add3A_41 = arith.constant 4 : i32
        %add3A_42 = arith.addi %add3A_40, %add3A_41 : i32
        %sub3A = arith.constant 1 : i32
        %sub3A_43 = arith.subi %add3A_42, %sub3A : i32
        %lt3A = arith.constant 32 : i32
        %lt3A_44 = arith.cmpi slt, %sub3A_43, %lt3A : i32
        %convert_element_type3A = arith.extui %lt3A_44 : i1 to i32
        %cond3A = arith.constant 0 : i32
        %cond3A_45 = arith.cmpi ne, %convert_element_type3A, %cond3A : i32
        scf.if %cond3A_45 {
          %dma_start3A_108 = arith.constant 0 : i32
          %dma_start3A_109 = tpu.memref_slice %arg7[%sub3A_43, %dma_start3A_108] : memref<32x64xi32, #tpu.memory_space<vmem>> -> memref<1x64xi32, #tpu.memory_space<vmem>>
          %dma_start3A_110 = tpu.memref_squeeze %dma_start3A_109 : memref<1x64xi32, #tpu.memory_space<vmem>> -> memref<64xi32, #tpu.memory_space<vmem>>
          %dma_start3A_111 = arith.constant 0 : i32
          %dma_start3A_112 = arith.constant 0 : i32
          %dma_start3A_113 = tpu.memref_slice %arg2[%dma_start3A_111, %dma_start3A_112] : memref<10000x128xf32, #tpu.memory_space<hbm>> -> memref<10000x128xf32, #tpu.memory_space<hbm>>
          tpu.enqueue_indirect_dma source(%dma_start3A_113 : memref<10000x128xf32, #tpu.memory_space<hbm>>) target(%arg12 : memref<64x128xf32, #tpu.memory_space<vmem>>) offsets(%dma_start3A_110 : memref<64xi32, #tpu.memory_space<vmem>>) semaphore(%arg16 : memref<!tpu.dma_semaphore, #tpu.memory_space<semaphore_mem>>)
        } else {
        }
        %dma_wait3A = arith.constant 0 : i32
        %dma_wait3A_46 = tpu.memref_slice %arg7[%add3A_40, %dma_wait3A] : memref<32x64xi32, #tpu.memory_space<vmem>> -> memref<1x64xi32, #tpu.memory_space<vmem>>
        %dma_wait3A_47 = tpu.memref_squeeze %dma_wait3A_46 : memref<1x64xi32, #tpu.memory_space<vmem>> -> memref<64xi32, #tpu.memory_space<vmem>>
        %dma_wait3A_48 = arith.constant 0 : i32
        %dma_wait3A_49 = arith.constant 0 : i32
        %dma_wait3A_50 = tpu.memref_slice %arg2[%dma_wait3A_48, %dma_wait3A_49] : memref<10000x128xf32, #tpu.memory_space<hbm>> -> memref<10000x128xf32, #tpu.memory_space<hbm>>
        tpu.wait_indirect_dma semaphore(%arg13 : memref<!tpu.dma_semaphore, #tpu.memory_space<semaphore_mem>>) src(%dma_wait3A_50 : memref<10000x128xf32, #tpu.memory_space<hbm>>) dst(%arg9 : memref<64x128xf32, #tpu.memory_space<vmem>>)
        "tpu.region"() ({
          %run_scoped3A = tpu.sem_alloc : memref<!tpu.dma_semaphore, #tpu.memory_space<semaphore_mem>>
          %dma_start3A_108 = arith.constant 0 : i32
          %dma_start3A_109 = tpu.memref_slice %arg8[%add3A_40, %dma_start3A_108] : memref<32x64xi32, #tpu.memory_space<vmem>> -> memref<1x64xi32, #tpu.memory_space<vmem>>
          %dma_start3A_110 = tpu.memref_squeeze %dma_start3A_109 : memref<1x64xi32, #tpu.memory_space<vmem>> -> memref<64xi32, #tpu.memory_space<vmem>>
          %dma_start3A_111 = arith.constant 0 : i32
          %dma_start3A_112 = arith.constant 0 : i32
          %dma_start3A_113 = tpu.memref_slice %arg17[%dma_start3A_111, %dma_start3A_112] : memref<10112x128xf32, #tpu.memory_space<vmem_shared>> -> memref<10112x128xf32, #tpu.memory_space<vmem_shared>>
          tpu.enqueue_indirect_dma source(%arg9 : memref<64x128xf32, #tpu.memory_space<vmem>>) target(%dma_start3A_113 : memref<10112x128xf32, #tpu.memory_space<vmem_shared>>) offsets(%dma_start3A_110 : memref<64xi32, #tpu.memory_space<vmem>>) semaphore(%run_scoped3A : memref<!tpu.dma_semaphore, #tpu.memory_space<semaphore_mem>>) {add = true}
          %dma_wait3A_114 = arith.constant 0 : i32
          %dma_wait3A_115 = tpu.memref_slice %arg8[%add3A_40, %dma_wait3A_114] : memref<32x64xi32, #tpu.memory_space<vmem>> -> memref<1x64xi32, #tpu.memory_space<vmem>>
          %dma_wait3A_116 = tpu.memref_squeeze %dma_wait3A_115 : memref<1x64xi32, #tpu.memory_space<vmem>> -> memref<64xi32, #tpu.memory_space<vmem>>
          %dma_wait3A_117 = arith.constant 0 : i32
          %dma_wait3A_118 = arith.constant 0 : i32
          %dma_wait3A_119 = tpu.memref_slice %arg17[%dma_wait3A_117, %dma_wait3A_118] : memref<10112x128xf32, #tpu.memory_space<vmem_shared>> -> memref<10112x128xf32, #tpu.memory_space<vmem_shared>>
          tpu.wait_indirect_dma semaphore(%run_scoped3A : memref<!tpu.dma_semaphore, #tpu.memory_space<semaphore_mem>>) src(%arg9 : memref<64x128xf32, #tpu.memory_space<vmem>>) dst(%dma_wait3A_119 : memref<10112x128xf32, #tpu.memory_space<vmem_shared>>)
          tpu.yield
        }) : () -> ()
        %mul3A_51 = arith.constant 4 : i32
        %mul3A_52 = arith.muli %scan3A_36, %mul3A_51 : i32
        %add3A_53 = arith.constant 1 : i32
        %add3A_54 = arith.addi %mul3A_52, %add3A_53 : i32
        %add3A_55 = arith.constant 4 : i32
        %add3A_56 = arith.addi %add3A_54, %add3A_55 : i32
        %sub3A_57 = arith.constant 1 : i32
        %sub3A_58 = arith.subi %add3A_56, %sub3A_57 : i32
        %lt3A_59 = arith.constant 32 : i32
        %lt3A_60 = arith.cmpi slt, %sub3A_58, %lt3A_59 : i32
        %convert_element_type3A_61 = arith.extui %lt3A_60 : i1 to i32
        %cond3A_62 = arith.constant 0 : i32
        %cond3A_63 = arith.cmpi ne, %convert_element_type3A_61, %cond3A_62 : i32
        scf.if %cond3A_63 {
          %dma_start3A_108 = arith.constant 0 : i32
          %dma_start3A_109 = tpu.memref_slice %arg7[%sub3A_58, %dma_start3A_108] : memref<32x64xi32, #tpu.memory_space<vmem>> -> memref<1x64xi32, #tpu.memory_space<vmem>>
          %dma_start3A_110 = tpu.memref_squeeze %dma_start3A_109 : memref<1x64xi32, #tpu.memory_space<vmem>> -> memref<64xi32, #tpu.memory_space<vmem>>
          %dma_start3A_111 = arith.constant 0 : i32
          %dma_start3A_112 = arith.constant 0 : i32
          %dma_start3A_113 = tpu.memref_slice %arg2[%dma_start3A_111, %dma_start3A_112] : memref<10000x128xf32, #tpu.memory_space<hbm>> -> memref<10000x128xf32, #tpu.memory_space<hbm>>
          tpu.enqueue_indirect_dma source(%dma_start3A_113 : memref<10000x128xf32, #tpu.memory_space<hbm>>) target(%arg9 : memref<64x128xf32, #tpu.memory_space<vmem>>) offsets(%dma_start3A_110 : memref<64xi32, #tpu.memory_space<vmem>>) semaphore(%arg13 : memref<!tpu.dma_semaphore, #tpu.memory_space<semaphore_mem>>)
        } else {
        }
        %dma_wait3A_64 = arith.constant 0 : i32
        %dma_wait3A_65 = tpu.memref_slice %arg7[%add3A_54, %dma_wait3A_64] : memref<32x64xi32, #tpu.memory_space<vmem>> -> memref<1x64xi32, #tpu.memory_space<vmem>>
        %dma_wait3A_66 = tpu.memref_squeeze %dma_wait3A_65 : memref<1x64xi32, #tpu.memory_space<vmem>> -> memref<64xi32, #tpu.memory_space<vmem>>
        %dma_wait3A_67 = arith.constant 0 : i32
        %dma_wait3A_68 = arith.constant 0 : i32
        %dma_wait3A_69 = tpu.memref_slice %arg2[%dma_wait3A_67, %dma_wait3A_68] : memref<10000x128xf32, #tpu.memory_space<hbm>> -> memref<10000x128xf32, #tpu.memory_space<hbm>>
        tpu.wait_indirect_dma semaphore(%arg14 : memref<!tpu.dma_semaphore, #tpu.memory_space<semaphore_mem>>) src(%dma_wait3A_69 : memref<10000x128xf32, #tpu.memory_space<hbm>>) dst(%arg10 : memref<64x128xf32, #tpu.memory_space<vmem>>)
        "tpu.region"() ({
          %run_scoped3A = tpu.sem_alloc : memref<!tpu.dma_semaphore, #tpu.memory_space<semaphore_mem>>
          %dma_start3A_108 = arith.constant 0 : i32
          %dma_start3A_109 = tpu.memref_slice %arg8[%add3A_54, %dma_start3A_108] : memref<32x64xi32, #tpu.memory_space<vmem>> -> memref<1x64xi32, #tpu.memory_space<vmem>>
          %dma_start3A_110 = tpu.memref_squeeze %dma_start3A_109 : memref<1x64xi32, #tpu.memory_space<vmem>> -> memref<64xi32, #tpu.memory_space<vmem>>
          %dma_start3A_111 = arith.constant 0 : i32
          %dma_start3A_112 = arith.constant 0 : i32
          %dma_start3A_113 = tpu.memref_slice %arg17[%dma_start3A_111, %dma_start3A_112] : memref<10112x128xf32, #tpu.memory_space<vmem_shared>> -> memref<10112x128xf32, #tpu.memory_space<vmem_shared>>
          tpu.enqueue_indirect_dma source(%arg10 : memref<64x128xf32, #tpu.memory_space<vmem>>) target(%dma_start3A_113 : memref<10112x128xf32, #tpu.memory_space<vmem_shared>>) offsets(%dma_start3A_110 : memref<64xi32, #tpu.memory_space<vmem>>) semaphore(%run_scoped3A : memref<!tpu.dma_semaphore, #tpu.memory_space<semaphore_mem>>) {add = true}
          %dma_wait3A_114 = arith.constant 0 : i32
          %dma_wait3A_115 = tpu.memref_slice %arg8[%add3A_54, %dma_wait3A_114] : memref<32x64xi32, #tpu.memory_space<vmem>> -> memref<1x64xi32, #tpu.memory_space<vmem>>
          %dma_wait3A_116 = tpu.memref_squeeze %dma_wait3A_115 : memref<1x64xi32, #tpu.memory_space<vmem>> -> memref<64xi32, #tpu.memory_space<vmem>>
          %dma_wait3A_117 = arith.constant 0 : i32
          %dma_wait3A_118 = arith.constant 0 : i32
          %dma_wait3A_119 = tpu.memref_slice %arg17[%dma_wait3A_117, %dma_wait3A_118] : memref<10112x128xf32, #tpu.memory_space<vmem_shared>> -> memref<10112x128xf32, #tpu.memory_space<vmem_shared>>
          tpu.wait_indirect_dma semaphore(%run_scoped3A : memref<!tpu.dma_semaphore, #tpu.memory_space<semaphore_mem>>) src(%arg10 : memref<64x128xf32, #tpu.memory_space<vmem>>) dst(%dma_wait3A_119 : memref<10112x128xf32, #tpu.memory_space<vmem_shared>>)
          tpu.yield
        }) : () -> ()
        %mul3A_70 = arith.constant 4 : i32
        %mul3A_71 = arith.muli %scan3A_36, %mul3A_70 : i32
        %add3A_72 = arith.constant 2 : i32
        %add3A_73 = arith.addi %mul3A_71, %add3A_72 : i32
        %add3A_74 = arith.constant 4 : i32
        %add3A_75 = arith.addi %add3A_73, %add3A_74 : i32
        %sub3A_76 = arith.constant 1 : i32
        %sub3A_77 = arith.subi %add3A_75, %sub3A_76 : i32
        %lt3A_78 = arith.constant 32 : i32
        %lt3A_79 = arith.cmpi slt, %sub3A_77, %lt3A_78 : i32
        %convert_element_type3A_80 = arith.extui %lt3A_79 : i1 to i32
        %cond3A_81 = arith.constant 0 : i32
        %cond3A_82 = arith.cmpi ne, %convert_element_type3A_80, %cond3A_81 : i32
        scf.if %cond3A_82 {
          %dma_start3A_108 = arith.constant 0 : i32
          %dma_start3A_109 = tpu.memref_slice %arg7[%sub3A_77, %dma_start3A_108] : memref<32x64xi32, #tpu.memory_space<vmem>> -> memref<1x64xi32, #tpu.memory_space<vmem>>
          %dma_start3A_110 = tpu.memref_squeeze %dma_start3A_109 : memref<1x64xi32, #tpu.memory_space<vmem>> -> memref<64xi32, #tpu.memory_space<vmem>>
          %dma_start3A_111 = arith.constant 0 : i32
          %dma_start3A_112 = arith.constant 0 : i32
          %dma_start3A_113 = tpu.memref_slice %arg2[%dma_start3A_111, %dma_start3A_112] : memref<10000x128xf32, #tpu.memory_space<hbm>> -> memref<10000x128xf32, #tpu.memory_space<hbm>>
          tpu.enqueue_indirect_dma source(%dma_start3A_113 : memref<10000x128xf32, #tpu.memory_space<hbm>>) target(%arg10 : memref<64x128xf32, #tpu.memory_space<vmem>>) offsets(%dma_start3A_110 : memref<64xi32, #tpu.memory_space<vmem>>) semaphore(%arg14 : memref<!tpu.dma_semaphore, #tpu.memory_space<semaphore_mem>>)
        } else {
        }
        %dma_wait3A_83 = arith.constant 0 : i32
        %dma_wait3A_84 = tpu.memref_slice %arg7[%add3A_73, %dma_wait3A_83] : memref<32x64xi32, #tpu.memory_space<vmem>> -> memref<1x64xi32, #tpu.memory_space<vmem>>
        %dma_wait3A_85 = tpu.memref_squeeze %dma_wait3A_84 : memref<1x64xi32, #tpu.memory_space<vmem>> -> memref<64xi32, #tpu.memory_space<vmem>>
        %dma_wait3A_86 = arith.constant 0 : i32
        %dma_wait3A_87 = arith.constant 0 : i32
        %dma_wait3A_88 = tpu.memref_slice %arg2[%dma_wait3A_86, %dma_wait3A_87] : memref<10000x128xf32, #tpu.memory_space<hbm>> -> memref<10000x128xf32, #tpu.memory_space<hbm>>
        tpu.wait_indirect_dma semaphore(%arg15 : memref<!tpu.dma_semaphore, #tpu.memory_space<semaphore_mem>>) src(%dma_wait3A_88 : memref<10000x128xf32, #tpu.memory_space<hbm>>) dst(%arg11 : memref<64x128xf32, #tpu.memory_space<vmem>>)
        "tpu.region"() ({
          %run_scoped3A = tpu.sem_alloc : memref<!tpu.dma_semaphore, #tpu.memory_space<semaphore_mem>>
          %dma_start3A_108 = arith.constant 0 : i32
          %dma_start3A_109 = tpu.memref_slice %arg8[%add3A_73, %dma_start3A_108] : memref<32x64xi32, #tpu.memory_space<vmem>> -> memref<1x64xi32, #tpu.memory_space<vmem>>
          %dma_start3A_110 = tpu.memref_squeeze %dma_start3A_109 : memref<1x64xi32, #tpu.memory_space<vmem>> -> memref<64xi32, #tpu.memory_space<vmem>>
          %dma_start3A_111 = arith.constant 0 : i32
          %dma_start3A_112 = arith.constant 0 : i32
          %dma_start3A_113 = tpu.memref_slice %arg17[%dma_start3A_111, %dma_start3A_112] : memref<10112x128xf32, #tpu.memory_space<vmem_shared>> -> memref<10112x128xf32, #tpu.memory_space<vmem_shared>>
          tpu.enqueue_indirect_dma source(%arg11 : memref<64x128xf32, #tpu.memory_space<vmem>>) target(%dma_start3A_113 : memref<10112x128xf32, #tpu.memory_space<vmem_shared>>) offsets(%dma_start3A_110 : memref<64xi32, #tpu.memory_space<vmem>>) semaphore(%run_scoped3A : memref<!tpu.dma_semaphore, #tpu.memory_space<semaphore_mem>>) {add = true}
          %dma_wait3A_114 = arith.constant 0 : i32
          %dma_wait3A_115 = tpu.memref_slice %arg8[%add3A_73, %dma_wait3A_114] : memref<32x64xi32, #tpu.memory_space<vmem>> -> memref<1x64xi32, #tpu.memory_space<vmem>>
          %dma_wait3A_116 = tpu.memref_squeeze %dma_wait3A_115 : memref<1x64xi32, #tpu.memory_space<vmem>> -> memref<64xi32, #tpu.memory_space<vmem>>
          %dma_wait3A_117 = arith.constant 0 : i32
          %dma_wait3A_118 = arith.constant 0 : i32
          %dma_wait3A_119 = tpu.memref_slice %arg17[%dma_wait3A_117, %dma_wait3A_118] : memref<10112x128xf32, #tpu.memory_space<vmem_shared>> -> memref<10112x128xf32, #tpu.memory_space<vmem_shared>>
          tpu.wait_indirect_dma semaphore(%run_scoped3A : memref<!tpu.dma_semaphore, #tpu.memory_space<semaphore_mem>>) src(%arg11 : memref<64x128xf32, #tpu.memory_space<vmem>>) dst(%dma_wait3A_119 : memref<10112x128xf32, #tpu.memory_space<vmem_shared>>)
          tpu.yield
        }) : () -> ()
        %mul3A_89 = arith.constant 4 : i32
        %mul3A_90 = arith.muli %scan3A_36, %mul3A_89 : i32
        %add3A_91 = arith.constant 3 : i32
        %add3A_92 = arith.addi %mul3A_90, %add3A_91 : i32
        %add3A_93 = arith.constant 4 : i32
        %add3A_94 = arith.addi %add3A_92, %add3A_93 : i32
        %sub3A_95 = arith.constant 1 : i32
        %sub3A_96 = arith.subi %add3A_94, %sub3A_95 : i32
        %lt3A_97 = arith.constant 32 : i32
        %lt3A_98 = arith.cmpi slt, %sub3A_96, %lt3A_97 : i32
        %convert_element_type3A_99 = arith.extui %lt3A_98 : i1 to i32
        %cond3A_100 = arith.constant 0 : i32
        %cond3A_101 = arith.cmpi ne, %convert_element_type3A_99, %cond3A_100 : i32
        scf.if %cond3A_101 {
          %dma_start3A_108 = arith.constant 0 : i32
          %dma_start3A_109 = tpu.memref_slice %arg7[%sub3A_96, %dma_start3A_108] : memref<32x64xi32, #tpu.memory_space<vmem>> -> memref<1x64xi32, #tpu.memory_space<vmem>>
          %dma_start3A_110 = tpu.memref_squeeze %dma_start3A_109 : memref<1x64xi32, #tpu.memory_space<vmem>> -> memref<64xi32, #tpu.memory_space<vmem>>
          %dma_start3A_111 = arith.constant 0 : i32
          %dma_start3A_112 = arith.constant 0 : i32
          %dma_start3A_113 = tpu.memref_slice %arg2[%dma_start3A_111, %dma_start3A_112] : memref<10000x128xf32, #tpu.memory_space<hbm>> -> memref<10000x128xf32, #tpu.memory_space<hbm>>
          tpu.enqueue_indirect_dma source(%dma_start3A_113 : memref<10000x128xf32, #tpu.memory_space<hbm>>) target(%arg11 : memref<64x128xf32, #tpu.memory_space<vmem>>) offsets(%dma_start3A_110 : memref<64xi32, #tpu.memory_space<vmem>>) semaphore(%arg15 : memref<!tpu.dma_semaphore, #tpu.memory_space<semaphore_mem>>)
        } else {
        }
        %dma_wait3A_102 = arith.constant 0 : i32
        %dma_wait3A_103 = tpu.memref_slice %arg7[%add3A_92, %dma_wait3A_102] : memref<32x64xi32, #tpu.memory_space<vmem>> -> memref<1x64xi32, #tpu.memory_space<vmem>>
        %dma_wait3A_104 = tpu.memref_squeeze %dma_wait3A_103 : memref<1x64xi32, #tpu.memory_space<vmem>> -> memref<64xi32, #tpu.memory_space<vmem>>
        %dma_wait3A_105 = arith.constant 0 : i32
        %dma_wait3A_106 = arith.constant 0 : i32
        %dma_wait3A_107 = tpu.memref_slice %arg2[%dma_wait3A_105, %dma_wait3A_106] : memref<10000x128xf32, #tpu.memory_space<hbm>> -> memref<10000x128xf32, #tpu.memory_space<hbm>>
        tpu.wait_indirect_dma semaphore(%arg16 : memref<!tpu.dma_semaphore, #tpu.memory_space<semaphore_mem>>) src(%dma_wait3A_107 : memref<10000x128xf32, #tpu.memory_space<hbm>>) dst(%arg12 : memref<64x128xf32, #tpu.memory_space<vmem>>)
        "tpu.region"() ({
          %run_scoped3A = tpu.sem_alloc : memref<!tpu.dma_semaphore, #tpu.memory_space<semaphore_mem>>
          %dma_start3A_108 = arith.constant 0 : i32
          %dma_start3A_109 = tpu.memref_slice %arg8[%add3A_92, %dma_start3A_108] : memref<32x64xi32, #tpu.memory_space<vmem>> -> memref<1x64xi32, #tpu.memory_space<vmem>>
          %dma_start3A_110 = tpu.memref_squeeze %dma_start3A_109 : memref<1x64xi32, #tpu.memory_space<vmem>> -> memref<64xi32, #tpu.memory_space<vmem>>
          %dma_start3A_111 = arith.constant 0 : i32
          %dma_start3A_112 = arith.constant 0 : i32
          %dma_start3A_113 = tpu.memref_slice %arg17[%dma_start3A_111, %dma_start3A_112] : memref<10112x128xf32, #tpu.memory_space<vmem_shared>> -> memref<10112x128xf32, #tpu.memory_space<vmem_shared>>
          tpu.enqueue_indirect_dma source(%arg12 : memref<64x128xf32, #tpu.memory_space<vmem>>) target(%dma_start3A_113 : memref<10112x128xf32, #tpu.memory_space<vmem_shared>>) offsets(%dma_start3A_110 : memref<64xi32, #tpu.memory_space<vmem>>) semaphore(%run_scoped3A : memref<!tpu.dma_semaphore, #tpu.memory_space<semaphore_mem>>) {add = true}
          %dma_wait3A_114 = arith.constant 0 : i32
          %dma_wait3A_115 = tpu.memref_slice %arg8[%add3A_92, %dma_wait3A_114] : memref<32x64xi32, #tpu.memory_space<vmem>> -> memref<1x64xi32, #tpu.memory_space<vmem>>
          %dma_wait3A_116 = tpu.memref_squeeze %dma_wait3A_115 : memref<1x64xi32, #tpu.memory_space<vmem>> -> memref<64xi32, #tpu.memory_space<vmem>>
          %dma_wait3A_117 = arith.constant 0 : i32
          %dma_wait3A_118 = arith.constant 0 : i32
          %dma_wait3A_119 = tpu.memref_slice %arg17[%dma_wait3A_117, %dma_wait3A_118] : memref<10112x128xf32, #tpu.memory_space<vmem_shared>> -> memref<10112x128xf32, #tpu.memory_space<vmem_shared>>
          tpu.wait_indirect_dma semaphore(%run_scoped3A : memref<!tpu.dma_semaphore, #tpu.memory_space<semaphore_mem>>) src(%arg12 : memref<64x128xf32, #tpu.memory_space<vmem>>) dst(%dma_wait3A_119 : memref<10112x128xf32, #tpu.memory_space<vmem_shared>>)
          tpu.yield
        }) : () -> ()
      }
      %scan3A_35 = arith.constant 8 : i32
    }
    %scan3A_7 = arith.constant 5 : i32
    %barrier3A_8 = arith.constant 0 : index
    tpu.barrier barrier_id(%barrier3A_8)
    "tpu.region"() ({
      %run_scoped3A = tpu.sem_alloc : memref<!tpu.dma_semaphore, #tpu.memory_space<semaphore_mem>>
      %dma_start3A = arith.constant 0 : i32
      %dma_start3A_9 = tpu.memref_slice %arg6[%arg0, %mul3A_2, %dma_start3A] : memref<2x10112x128xf32, #tpu.memory_space<hbm>> -> memref<1x632x128xf32, #tpu.memory_space<hbm>>
      %dma_start3A_10 = tpu.memref_squeeze %dma_start3A_9 : memref<1x632x128xf32, #tpu.memory_space<hbm>> -> memref<632x128xf32, #tpu.memory_space<hbm>>
      %dma_start3A_11 = arith.constant 0 : i32
      %dma_start3A_12 = tpu.memref_slice %arg17[%mul3A_2, %dma_start3A_11] : memref<10112x128xf32, #tpu.memory_space<vmem_shared>> -> memref<632x128xf32, #tpu.memory_space<vmem_shared>>
      tpu.enqueue_dma source(%dma_start3A_12 : memref<632x128xf32, #tpu.memory_space<vmem_shared>>) target(%dma_start3A_10 : memref<632x128xf32, #tpu.memory_space<hbm>>) target_semaphore(%run_scoped3A : memref<!tpu.dma_semaphore, #tpu.memory_space<semaphore_mem>>)
      %dma_wait3A = arith.constant 0 : i32
      %dma_wait3A_13 = tpu.memref_slice %arg6[%arg0, %mul3A_2, %dma_wait3A] : memref<2x10112x128xf32, #tpu.memory_space<hbm>> -> memref<1x632x128xf32, #tpu.memory_space<hbm>>
      %dma_wait3A_14 = tpu.memref_squeeze %dma_wait3A_13 : memref<1x632x128xf32, #tpu.memory_space<hbm>> -> memref<632x128xf32, #tpu.memory_space<hbm>>
      %dma_wait3A_15 = arith.constant 0 : i32
      %dma_wait3A_16 = tpu.memref_slice %arg17[%mul3A_2, %dma_wait3A_15] : memref<10112x128xf32, #tpu.memory_space<vmem_shared>> -> memref<632x128xf32, #tpu.memory_space<vmem_shared>>
      tpu.wait_dma2 semaphore(%run_scoped3A : memref<!tpu.dma_semaphore, #tpu.memory_space<semaphore_mem>>) src(%dma_wait3A_16 : memref<632x128xf32, #tpu.memory_space<vmem_shared>>) dst(%dma_wait3A_14 : memref<632x128xf32, #tpu.memory_space<hbm>>)
      tpu.yield
    }) : () -> ()
    return
  }
}

module attributes {stable_mosaic.version = 14 : i64} {
  func.func @_tc_matmul_body(%arg0: i32, %arg1: memref<400x128xf32, #tpu.memory_space<vmem>>, %arg2: memref<128x128xf32, #tpu.memory_space<vmem>>, %arg3: memref<400x128xf32, #tpu.memory_space<vmem>>) attributes {dimension_semantics = [#tpu.dimension_semantics<arbitrary>], iteration_bounds = array<i64: 25>, scalar_prefetch = 0 : i64, scratch_operands = 0 : i64, tpu.core_type = #tpu.core_type<tc>, window_params = [{transform_indices = @transform_0, window_bounds = array<i64: 400, 128>}, {pipeline_mode = #tpu.pipeline_mode<synchronous>, transform_indices = @transform_1, window_bounds = array<i64: 128, 128>}, {transform_indices = @transform_2, window_bounds = array<i64: 400, 128>}]} {
    %get3A = arith.constant 0 : index
    %get3A_0 = arith.constant 0 : index
    %get3A_1 = vector.load %arg1[%get3A, %get3A_0] : memref<400x128xf32, #tpu.memory_space<vmem>>, vector<400x128xf32>
    %get3A_2 = arith.constant 0 : index
    %get3A_3 = arith.constant 0 : index
    %get3A_4 = vector.load %arg2[%get3A_2, %get3A_3] : memref<128x128xf32, #tpu.memory_space<vmem>>, vector<128x128xf32>
    %dot_general3A = arith.constant dense<0.000000e+00> : vector<400x128xf32>
    %dot_general3A_5 = tpu.matmul %get3A_1, %get3A_4, %dot_general3A {dimension_numbers = #tpu.dot_dimension_numbers<[1], [0], [0], [1], [0, 0, 1, 1], [], []>, transpose_lhs_hint = false} : vector<400x128xf32>, vector<128x128xf32>, vector<400x128xf32> -> vector<400x128xf32>
    %swap3A = arith.constant 0 : index
    %swap3A_6 = arith.constant 0 : index
    %swap3A_7 = vector.load %arg3[%swap3A, %swap3A_6] : memref<400x128xf32, #tpu.memory_space<vmem>>, vector<400x128xf32>
    tpu.vector_store %arg3[%swap3A, %swap3A_6], %dot_general3A_5 {strides = array<i32>} : memref<400x128xf32, #tpu.memory_space<vmem>>, vector<400x128xf32>,
    return
  }
  func.func @transform_0(%arg0: i32) -> (i32, i32) {
    %c0_i32 = arith.constant 0 : i32
    %c0_i32_0 = arith.constant 0 : i32
    return %arg0, %c0_i32 : i32, i32
  }
  func.func @transform_1(%arg0: i32) -> (i32, i32) {
    %c0_i32 = arith.constant 0 : i32
    %c0_i32_0 = arith.constant 0 : i32
    %c0_i32_1 = arith.constant 0 : i32
    return %c0_i32, %c0_i32_0 : i32, i32
  }
  func.func @transform_2(%arg0: i32) -> (i32, i32) {
    %c0_i32 = arith.constant 0 : i32
    %c0_i32_0 = arith.constant 0 : i32
    return %arg0, %c0_i32 : i32, i32
  }
}

module attributes {stable_mosaic.version = 14 : i64} {
  func.func @_tc_scale_body(%arg0: i32, %arg1: memref<400x8xf32, #tpu.memory_space<vmem>>, %arg2: memref<400x8xf32, #tpu.memory_space<vmem>>, %arg3: memref<400x128xf32, #tpu.memory_space<vmem>>, %arg4: memref<400x128xf32, #tpu.memory_space<vmem>>) attributes {dimension_semantics = [#tpu.dimension_semantics<arbitrary>], iteration_bounds = array<i64: 25>, scalar_prefetch = 0 : i64, scratch_operands = 0 : i64, tpu.core_type = #tpu.core_type<tc>, window_params = [{transform_indices = @transform_0, window_bounds = array<i64: 400, 8>}, {transform_indices = @transform_1, window_bounds = array<i64: 400, 8>}, {transform_indices = @transform_2, window_bounds = array<i64: 400, 128>}, {transform_indices = @transform_3, window_bounds = array<i64: 400, 128>}]} {
    %get3A = arith.constant 0 : index
    %get3A_0 = arith.constant 0 : index
    %get3A_1 = vector.load %arg1[%get3A, %get3A_0] : memref<400x8xf32, #tpu.memory_space<vmem>>, vector<400x1xf32>
    %get3A_2 = arith.constant 0 : index
    %get3A_3 = arith.constant 0 : index
    %get3A_4 = vector.load %arg2[%get3A_2, %get3A_3] : memref<400x8xf32, #tpu.memory_space<vmem>>, vector<400x1xf32>
    %add3A = arith.addf %get3A_1, %get3A_4 : vector<400x1xf32>
    %add3A_5 = arith.constant 1.000000e+00 : f32
    %add3A_6 = vector.broadcast %add3A_5 : f32 to vector<400x1xf32>
    %add3A_7 = arith.addf %add3A, %add3A_6 : vector<400x1xf32>
    %rsqrt3A = math.rsqrt %add3A_7 : vector<400x1xf32>
    %get3A_8 = arith.constant 0 : index
    %get3A_9 = arith.constant 0 : index
    %get3A_10 = vector.load %arg3[%get3A_8, %get3A_9] : memref<400x128xf32, #tpu.memory_space<vmem>>, vector<400x128xf32>
    %mul3A = vector.broadcast %rsqrt3A : vector<400x1xf32> to vector<400x128xf32>
    %mul3A_11 = arith.mulf %mul3A, %get3A_10 : vector<400x128xf32>
    %swap3A = arith.constant 0 : index
    %swap3A_12 = arith.constant 0 : index
    %swap3A_13 = vector.load %arg4[%swap3A, %swap3A_12] : memref<400x128xf32, #tpu.memory_space<vmem>>, vector<400x128xf32>
    tpu.vector_store %arg4[%swap3A, %swap3A_12], %mul3A_11 {strides = array<i32>} : memref<400x128xf32, #tpu.memory_space<vmem>>, vector<400x128xf32>,
    return
  }
  func.func @transform_0(%arg0: i32) -> (i32, i32) {
    %c0_i32 = arith.constant 0 : i32
    %c0_i32_0 = arith.constant 0 : i32
    return %arg0, %c0_i32 : i32, i32
  }
  func.func @transform_1(%arg0: i32) -> (i32, i32) {
    %c0_i32 = arith.constant 0 : i32
    %c0_i32_0 = arith.constant 0 : i32
    return %arg0, %c0_i32 : i32, i32
  }
  func.func @transform_2(%arg0: i32) -> (i32, i32) {
    %c0_i32 = arith.constant 0 : i32
    %c0_i32_0 = arith.constant 0 : i32
    return %arg0, %c0_i32 : i32, i32
  }
  func.func @transform_3(%arg0: i32) -> (i32, i32) {
    %c0_i32 = arith.constant 0 : i32
    %c0_i32_0 = arith.constant 0 : i32
    return %arg0, %c0_i32 : i32, i32
  }
}

module attributes {stable_mosaic.version = 14 : i64} {
  func.func @_tc_mid_body(%arg0: i32, %arg1: memref<400x8xf32, #tpu.memory_space<vmem>>, %arg2: memref<400x8xf32, #tpu.memory_space<vmem>>, %arg3: memref<400x128xf32, #tpu.memory_space<vmem>>, %arg4: memref<400x128xf32, #tpu.memory_space<vmem>>, %arg5: memref<400x128xf32, #tpu.memory_space<vmem>>, %arg6: memref<1x128xf32, #tpu.memory_space<vmem>>, %arg7: memref<128x128xf32, #tpu.memory_space<vmem>>, %arg8: memref<400x128xf32, #tpu.memory_space<vmem>>) attributes {dimension_semantics = [#tpu.dimension_semantics<arbitrary>], iteration_bounds = array<i64: 25>, scalar_prefetch = 0 : i64, scratch_operands = 0 : i64, tpu.core_type = #tpu.core_type<tc>, window_params = [{transform_indices = @transform_0, window_bounds = array<i64: 400, 8>}, {transform_indices = @transform_1, window_bounds = array<i64: 400, 8>}, {transform_indices = @transform_2, window_bounds = array<i64: 400, 128>}, {transform_indices = @transform_3, window_bounds = array<i64: 400, 128>}, {transform_indices = @transform_4, window_bounds = array<i64: 400, 128>}, {pipeline_mode = #tpu.pipeline_mode<synchronous>, transform_indices = @transform_5, window_bounds = array<i64: 1, 128>}, {pipeline_mode = #tpu.pipeline_mode<synchronous>, transform_indices = @transform_6, window_bounds = array<i64: 128, 128>}, {transform_indices = @transform_7, window_bounds = array<i64: 400, 128>}]} {
    %get3A = arith.constant 0 : index
    %get3A_0 = arith.constant 0 : index
    %get3A_1 = vector.load %arg1[%get3A, %get3A_0] : memref<400x8xf32, #tpu.memory_space<vmem>>, vector<400x1xf32>
    %get3A_2 = arith.constant 0 : index
    %get3A_3 = arith.constant 0 : index
    %get3A_4 = vector.load %arg2[%get3A_2, %get3A_3] : memref<400x8xf32, #tpu.memory_space<vmem>>, vector<400x1xf32>
    %add3A = arith.addf %get3A_1, %get3A_4 : vector<400x1xf32>
    %add3A_5 = arith.constant 1.000000e+00 : f32
    %add3A_6 = vector.broadcast %add3A_5 : f32 to vector<400x1xf32>
    %add3A_7 = arith.addf %add3A, %add3A_6 : vector<400x1xf32>
    %rsqrt3A = math.rsqrt %add3A_7 : vector<400x1xf32>
    %get3A_8 = arith.constant 0 : index
    %get3A_9 = arith.constant 0 : index
    %get3A_10 = vector.load %arg3[%get3A_8, %get3A_9] : memref<400x128xf32, #tpu.memory_space<vmem>>, vector<400x128xf32>
    %get3A_11 = arith.constant 0 : index
    %get3A_12 = arith.constant 0 : index
    %get3A_13 = vector.load %arg4[%get3A_11, %get3A_12] : memref<400x128xf32, #tpu.memory_space<vmem>>, vector<400x128xf32>
    %add3A_14 = arith.addf %get3A_10, %get3A_13 : vector<400x128xf32>
    %get3A_15 = arith.constant 0 : index
    %get3A_16 = arith.constant 0 : index
    %get3A_17 = vector.load %arg5[%get3A_15, %get3A_16] : memref<400x128xf32, #tpu.memory_space<vmem>>, vector<400x128xf32>
    %add3A_18 = arith.addf %add3A_14, %get3A_17 : vector<400x128xf32>
    %mul3A = vector.broadcast %rsqrt3A : vector<400x1xf32> to vector<400x128xf32>
    %mul3A_19 = arith.mulf %mul3A, %add3A_18 : vector<400x128xf32>
    %get3A_20 = arith.constant 0 : index
    %get3A_21 = arith.constant 0 : index
    %get3A_22 = vector.load %arg6[%get3A_20, %get3A_21] : memref<1x128xf32, #tpu.memory_space<vmem>>, vector<1x128xf32>
    %add3A_23 = vector.broadcast %get3A_22 : vector<1x128xf32> to vector<400x128xf32>
    %add3A_24 = arith.addf %mul3A_19, %add3A_23 : vector<400x128xf32>
    %integer_pow3A = arith.mulf %add3A_24, %add3A_24 : vector<400x128xf32>
    %integer_pow3A_25 = arith.mulf %add3A_24, %integer_pow3A : vector<400x128xf32>
    %mul3A_26 = arith.constant 4.471500e-02 : f32
    %mul3A_27 = vector.broadcast %mul3A_26 : f32 to vector<400x128xf32>
    %mul3A_28 = arith.mulf %mul3A_27, %integer_pow3A_25 : vector<400x128xf32>
    %add3A_29 = arith.addf %add3A_24, %mul3A_28 : vector<400x128xf32>
    %mul3A_30 = arith.constant 0.797884583 : f32
    %mul3A_31 = vector.broadcast %mul3A_30 : f32 to vector<400x128xf32>
    %mul3A_32 = arith.mulf %mul3A_31, %add3A_29 : vector<400x128xf32>
    %tanh3A = math.tanh %mul3A_32 : vector<400x128xf32>
    %add3A_33 = arith.constant 1.000000e+00 : f32
    %add3A_34 = vector.broadcast %add3A_33 : f32 to vector<400x128xf32>
    %add3A_35 = arith.addf %add3A_34, %tanh3A : vector<400x128xf32>
    %mul3A_36 = arith.constant 5.000000e-01 : f32
    %mul3A_37 = vector.broadcast %mul3A_36 : f32 to vector<400x128xf32>
    %mul3A_38 = arith.mulf %mul3A_37, %add3A_35 : vector<400x128xf32>
    %mul3A_39 = arith.mulf %add3A_24, %mul3A_38 : vector<400x128xf32>
    %get3A_40 = arith.constant 0 : index
    %get3A_41 = arith.constant 0 : index
    %get3A_42 = vector.load %arg7[%get3A_40, %get3A_41] : memref<128x128xf32, #tpu.memory_space<vmem>>, vector<128x128xf32>
    %dot_general3A = arith.constant dense<0.000000e+00> : vector<400x128xf32>
    %dot_general3A_43 = tpu.matmul %mul3A_39, %get3A_42, %dot_general3A {dimension_numbers = #tpu.dot_dimension_numbers<[1], [0], [0], [1], [0, 0, 1, 1], [], []>, transpose_lhs_hint = false} : vector<400x128xf32>, vector<128x128xf32>, vector<400x128xf32> -> vector<400x128xf32>
    %mul3A_44 = vector.broadcast %rsqrt3A : vector<400x1xf32> to vector<400x128xf32>
    %mul3A_45 = arith.mulf %mul3A_44, %dot_general3A_43 : vector<400x128xf32>
    %swap3A = arith.constant 0 : index
    %swap3A_46 = arith.constant 0 : index
    %swap3A_47 = vector.load %arg8[%swap3A, %swap3A_46] : memref<400x128xf32, #tpu.memory_space<vmem>>, vector<400x128xf32>
    tpu.vector_store %arg8[%swap3A, %swap3A_46], %mul3A_45 {strides = array<i32>} : memref<400x128xf32, #tpu.memory_space<vmem>>, vector<400x128xf32>,
    return
  }
  func.func @transform_0(%arg0: i32) -> (i32, i32) {
    %c0_i32 = arith.constant 0 : i32
    %c0_i32_0 = arith.constant 0 : i32
    return %arg0, %c0_i32 : i32, i32
  }
  func.func @transform_1(%arg0: i32) -> (i32, i32) {
    %c0_i32 = arith.constant 0 : i32
    %c0_i32_0 = arith.constant 0 : i32
    return %arg0, %c0_i32 : i32, i32
  }
  func.func @transform_2(%arg0: i32) -> (i32, i32) {
    %c0_i32 = arith.constant 0 : i32
    %c0_i32_0 = arith.constant 0 : i32
    return %arg0, %c0_i32 : i32, i32
  }
  func.func @transform_3(%arg0: i32) -> (i32, i32) {
    %c0_i32 = arith.constant 0 : i32
    %c0_i32_0 = arith.constant 0 : i32
    return %arg0, %c0_i32 : i32, i32
  }
  func.func @transform_4(%arg0: i32) -> (i32, i32) {
    %c0_i32 = arith.constant 0 : i32
    %c0_i32_0 = arith.constant 0 : i32
    return %arg0, %c0_i32 : i32, i32
  }
  func.func @transform_5(%arg0: i32) -> (i32, i32) {
    %c0_i32 = arith.constant 0 : i32
    %c0_i32_0 = arith.constant 0 : i32
    %c0_i32_1 = arith.constant 0 : i32
    return %c0_i32, %c0_i32_0 : i32, i32
  }
  func.func @transform_6(%arg0: i32) -> (i32, i32) {
    %c0_i32 = arith.constant 0 : i32
    %c0_i32_0 = arith.constant 0 : i32
    %c0_i32_1 = arith.constant 0 : i32
    return %c0_i32, %c0_i32_0 : i32, i32
  }
  func.func @transform_7(%arg0: i32) -> (i32, i32) {
    %c0_i32 = arith.constant 0 : i32
    %c0_i32_0 = arith.constant 0 : i32
    return %arg0, %c0_i32 : i32, i32
  }
}

module attributes {stable_mosaic.version = 14 : i64} {
  func.func @_tc_last_body(%arg0: i32, %arg1: memref<400x8xf32, #tpu.memory_space<vmem>>, %arg2: memref<400x8xf32, #tpu.memory_space<vmem>>, %arg3: memref<400x128xf32, #tpu.memory_space<vmem>>, %arg4: memref<400x128xf32, #tpu.memory_space<vmem>>, %arg5: memref<400x128xf32, #tpu.memory_space<vmem>>, %arg6: memref<1x128xf32, #tpu.memory_space<vmem>>, %arg7: memref<400x128xf32, #tpu.memory_space<vmem>>) attributes {dimension_semantics = [#tpu.dimension_semantics<arbitrary>], iteration_bounds = array<i64: 25>, scalar_prefetch = 0 : i64, scratch_operands = 0 : i64, tpu.core_type = #tpu.core_type<tc>, window_params = [{transform_indices = @transform_0, window_bounds = array<i64: 400, 8>}, {transform_indices = @transform_1, window_bounds = array<i64: 400, 8>}, {transform_indices = @transform_2, window_bounds = array<i64: 400, 128>}, {transform_indices = @transform_3, window_bounds = array<i64: 400, 128>}, {transform_indices = @transform_4, window_bounds = array<i64: 400, 128>}, {pipeline_mode = #tpu.pipeline_mode<synchronous>, transform_indices = @transform_5, window_bounds = array<i64: 1, 128>}, {transform_indices = @transform_6, window_bounds = array<i64: 400, 128>}]} {
    %get3A = arith.constant 0 : index
    %get3A_0 = arith.constant 0 : index
    %get3A_1 = vector.load %arg1[%get3A, %get3A_0] : memref<400x8xf32, #tpu.memory_space<vmem>>, vector<400x1xf32>
    %get3A_2 = arith.constant 0 : index
    %get3A_3 = arith.constant 0 : index
    %get3A_4 = vector.load %arg2[%get3A_2, %get3A_3] : memref<400x8xf32, #tpu.memory_space<vmem>>, vector<400x1xf32>
    %add3A = arith.addf %get3A_1, %get3A_4 : vector<400x1xf32>
    %add3A_5 = arith.constant 1.000000e+00 : f32
    %add3A_6 = vector.broadcast %add3A_5 : f32 to vector<400x1xf32>
    %add3A_7 = arith.addf %add3A, %add3A_6 : vector<400x1xf32>
    %rsqrt3A = math.rsqrt %add3A_7 : vector<400x1xf32>
    %get3A_8 = arith.constant 0 : index
    %get3A_9 = arith.constant 0 : index
    %get3A_10 = vector.load %arg3[%get3A_8, %get3A_9] : memref<400x128xf32, #tpu.memory_space<vmem>>, vector<400x128xf32>
    %get3A_11 = arith.constant 0 : index
    %get3A_12 = arith.constant 0 : index
    %get3A_13 = vector.load %arg4[%get3A_11, %get3A_12] : memref<400x128xf32, #tpu.memory_space<vmem>>, vector<400x128xf32>
    %add3A_14 = arith.addf %get3A_10, %get3A_13 : vector<400x128xf32>
    %get3A_15 = arith.constant 0 : index
    %get3A_16 = arith.constant 0 : index
    %get3A_17 = vector.load %arg5[%get3A_15, %get3A_16] : memref<400x128xf32, #tpu.memory_space<vmem>>, vector<400x128xf32>
    %add3A_18 = arith.addf %add3A_14, %get3A_17 : vector<400x128xf32>
    %mul3A = vector.broadcast %rsqrt3A : vector<400x1xf32> to vector<400x128xf32>
    %mul3A_19 = arith.mulf %mul3A, %add3A_18 : vector<400x128xf32>
    %get3A_20 = arith.constant 0 : index
    %get3A_21 = arith.constant 0 : index
    %get3A_22 = vector.load %arg6[%get3A_20, %get3A_21] : memref<1x128xf32, #tpu.memory_space<vmem>>, vector<1x128xf32>
    %add3A_23 = vector.broadcast %get3A_22 : vector<1x128xf32> to vector<400x128xf32>
    %add3A_24 = arith.addf %mul3A_19, %add3A_23 : vector<400x128xf32>
    %swap3A = arith.constant 0 : index
    %swap3A_25 = arith.constant 0 : index
    %swap3A_26 = vector.load %arg7[%swap3A, %swap3A_25] : memref<400x128xf32, #tpu.memory_space<vmem>>, vector<400x128xf32>
    tpu.vector_store %arg7[%swap3A, %swap3A_25], %add3A_24 {strides = array<i32>} : memref<400x128xf32, #tpu.memory_space<vmem>>, vector<400x128xf32>,
    return
  }
  func.func @transform_0(%arg0: i32) -> (i32, i32) {
    %c0_i32 = arith.constant 0 : i32
    %c0_i32_0 = arith.constant 0 : i32
    return %arg0, %c0_i32 : i32, i32
  }
  func.func @transform_1(%arg0: i32) -> (i32, i32) {
    %c0_i32 = arith.constant 0 : i32
    %c0_i32_0 = arith.constant 0 : i32
    return %arg0, %c0_i32 : i32, i32
  }
  func.func @transform_2(%arg0: i32) -> (i32, i32) {
    %c0_i32 = arith.constant 0 : i32
    %c0_i32_0 = arith.constant 0 : i32
    return %arg0, %c0_i32 : i32, i32
  }
  func.func @transform_3(%arg0: i32) -> (i32, i32) {
    %c0_i32 = arith.constant 0 : i32
    %c0_i32_0 = arith.constant 0 : i32
    return %arg0, %c0_i32 : i32, i32
  }
  func.func @transform_4(%arg0: i32) -> (i32, i32) {
    %c0_i32 = arith.constant 0 : i32
    %c0_i32_0 = arith.constant 0 : i32
    return %arg0, %c0_i32 : i32, i32
  }
  func.func @transform_5(%arg0: i32) -> (i32, i32) {
    %c0_i32 = arith.constant 0 : i32
    %c0_i32_0 = arith.constant 0 : i32
    %c0_i32_1 = arith.constant 0 : i32
    return %c0_i32, %c0_i32_0 : i32, i32
  }
  func.func @transform_6(%arg0: i32) -> (i32, i32) {
    %c0_i32 = arith.constant 0 : i32
    %c0_i32_0 = arith.constant 0 : i32
    return %arg0, %c0_i32 : i32, i32
  }
}

</mosaic_0001>

<sc_bundles>
// kernel: kernel.11.cloned.1.call-start
scs
__scs_entry_jumppad:
0x0: {  	(pc) =	sbr.rel $0x88, $3  }
0x1: {  	(tag) =	ssettag $0x0;
	lr =	simm.s32 $0x1  }
0x2: {  	[smem:$0x3F99] =	sst lr;
	_ =	strace $0xD0000000  }
0x3: {  	_ = 	snop  }
0x4: {  	_ = 	snop  }
0x5: {  	_ = 	snop  }
0x6: {  	_ = 	snop  }
0x7: {  	_ = 	snop  }
__scs_overlays_trampoline_lowered:
0x8: {  	[smem:$0x3FA8] =	sst s0  }
0x9: {  	[smem:$0x3FA9] =	sst s1  }
0xa: {  	[smem:$0x3FAA] =	sst s2  }
0xb: {  	[smem:$0x3FAB] =	sst s3  }
0xc: {  	[smem:$0x3FAC] =	sst s4  }
0xd: {  	[smem:$0x3FAD] =	sst s5  }
0xe: {  	[smem:$0x3FAE] =	sst s6  }
0xf: {  	[smem:$0x3FAF] =	sst s7  }
0x10: {  	[smem:$0x3FB0] =	sst s8  }
0x11: {  	[smem:$0x3FB1] =	sst s9;
	s0 =	simm.s32 @!p0 $0x0  }
0x12: {  	s1 =	sld [smem:$0x3F97];
	s0 =	simm.s32 @p0 $0x1  }
0x13: {  	[smem:$0x3FB2] =	sst s0;
	s0 =	simm.s32 @!p1 $0x0  }
0x14: {  	s2 =	sld [smem:$0x3F96];
	s0 =	simm.s32 @p1 $0x1  }
0x15: {  	[smem:$0x3FB3] =	sst s0;
	s0 =	simm.s32 @!p2 $0x0  }
0x16: {  	s3 =	sld [smem:$0x3FDB];
	s0 =	simm.s32 @p2 $0x1  }
0x17: {  	s4 =	simm.s32 $0x1BF5;
	[smem:$0x3FB5] =	sst s0  }
0x18: {  	s0 =	sld [smem:$0x3F98];
	_ =	swait.ge [sflag:s4], $0x0  }
0x19: {  	s7 =	sld [smem:$0x3F99]  }
0x1a: {  	s8 =	sadd.s32 $0xFFFFE003, lr  }
0x1b: {  	s9 =	sadd.s32 $0xFFFFFEF7, lr;
	s5 =	simm.s32 $0xFFFFFFFF;
	p2 =	slt.u32 s8, $0xFFFFF086  }
0x1c: {  	p1 =	slt.u32 s9, $0xF7A;
	s5 =	simm.s32 @!p2 $0x0  }
0x1d: {  	s5 =	simm.s32 @p1 $0x1;
	p0 =	seq.s32 s7, s2  }
0x1e: {  	s7 =	smul.u32 @!p0 $0xF7A, s2;
	p2 =	seq.s32 @!p0 s5, $0x0  }
0x1f: {  	s9 =	smul.u32 $0xF7A, s1;
	s8 =	simm.s32 @!p0 $0x1BF5;
	p2 =	por !p2, p0  }
0x20: {  	[sflag:s8] =	ssyncset.s32 @!p0 $0xFFFFF086;
	s6 =	sadd.s32 @!p0 s3, s7;
	s7 =	simm.s32 @!p0 $0x108  }
0x21: {  	s3 =	sadd.s32 s3, s9;
	s6 =	sadd.s32 @!p0 $0x88, s6;
	s7 =	simm.s32 @p2 $0x1082  }
0x22: {  	[simem:s7], [sflag:s8] =	dma.local @!p0 [hbm:s6], $0xF7A  }
0x23: {  	s9 =	sor.u32 $0xD0000000, s2;
	s6 =	simm.s32 $0x108;
	_ =	swait.ge @!p0 [sflag:s8], $0x0  }
0x24: {  	s3 =	sadd.s32 $0x88, s3;
	s6 =	simm.s32 @!p1 $0x1082;
	[sflag:s4] =	ssyncset.s32 $0xFFFFF086  }
0x25: {  	[simem:s6], [sflag:s4] =	dma.local [hbm:s3], $0xF7A  }
0x26: {  	[smem:$0x3F99] =	sst s1;
	(tag) =	ssettag s2;
	_ =	strace s9  }
0x27: {  	s1 =	sld [smem:$0x3FA9]  }
0x28: {  	s2 =	sld [smem:$0x3FAA]  }
0x29: {  	s4 =	sld [smem:$0x3FAC]  }
0x2a: {  	p0 =	seq.s32 s5, $0x0;
	s5 =	sld [smem:$0x3FAD]  }
0x2b: {  	s6 =	sld [smem:$0x3FAE]  }
0x2c: {  	s7 =	sld [smem:$0x3FAF]  }
0x2d: {  	s3 =	simm.s32 $0x108;
	s8 =	sld [smem:$0x3FB0]  }
0x2e: {  	s3 =	simm.s32 @!p0 $0x1082;
	s9 =	sld [smem:$0x3FB1]  }
0x2f: {  	lr =	sadd.s32 s0, s3;
	s0 =	sld [smem:$0x3FA8]  }
0x30: {  	s3 =	sld [smem:$0x3FAB]  }
0x31: {  	[smem:$0x3FB4] =	sst s10  }
0x32: {  	s10 =	sld [smem:$0x3FB2];
	_ =	sdelay $0x3  }
0x33: {  	p0 =	seq.s32 s10, $0x1;
	s10 =	sld [smem:$0x3FB4];
	_ =	sdelay $0x3  }
0x34: {  	[smem:$0x3FB4] =	sst s10  }
0x35: {  	s10 =	sld [smem:$0x3FB3];
	_ =	sdelay $0x3  }
0x36: {  	p1 =	seq.s32 s10, $0x1;
	s10 =	sld [smem:$0x3FB4];
	_ =	sdelay $0x3  }
0x37: {  	[smem:$0x3FB4] =	sst s10  }
0x38: {  	s10 =	sld [smem:$0x3FB5]  }
0x39: {  	_ = 	snop;
	(pc) =	sbr.ind lr, $3  }
0x3a: {  	_ = 	snop  }
0x3b: {  	_ = 	snop  }
0x3c: {  	p2 =	seq.s32 s10, $0x1;
	s10 =	sld [smem:$0x3FB4]  }
0x3d: {  	_ =	shalt  }
0x3e: {  	_ =	shalt  }
0x3f: {  	_ =	shalt  }
0x40: {  	_ =	shalt  }
0x41: {  	_ =	shalt  }
0x42: {  	_ =	shalt  }
0x43: {  	_ =	shalt  }
0x44: {  	_ =	shalt  }
0x45: {  	_ =	shalt  }
0x46: {  	_ =	shalt  }
0x47: {  	_ =	shalt  }
0x48: {  	_ =	shalt  }
0x49: {  	_ =	shalt  }
0x4a: {  	_ =	shalt  }
0x4b: {  	_ =	shalt  }
0x4c: {  	_ =	shalt  }
0x4d: {  	_ =	shalt  }
0x4e: {  	_ =	shalt  }
0x4f: {  	_ =	shalt  }
0x50: {  	_ =	shalt  }
0x51: {  	_ =	shalt  }
0x52: {  	_ =	shalt  }
0x53: {  	_ =	shalt  }
0x54: {  	_ =	shalt  }
0x55: {  	_ =	shalt  }
0x56: {  	_ =	shalt  }
0x57: {  	_ =	shalt  }
0x58: {  	_ =	shalt  }
0x59: {  	_ =	shalt  }
0x5a: {  	_ =	shalt  }
0x5b: {  	_ =	shalt  }
0x5c: {  	_ =	shalt  }
0x5d: {  	_ =	shalt  }
0x5e: {  	_ =	shalt  }
0x5f: {  	_ =	shalt  }
0x60: {  	_ =	shalt  }
0x61: {  	_ =	shalt  }
0x62: {  	_ =	shalt  }
0x63: {  	_ =	shalt  }
0x64: {  	_ =	shalt  }
0x65: {  	_ =	shalt  }
0x66: {  	_ =	shalt  }
0x67: {  	_ =	shalt  }
0x68: {  	_ =	shalt  }
0x69: {  	_ =	shalt  }
0x6a: {  	_ =	shalt  }
0x6b: {  	_ =	shalt  }
0x6c: {  	_ =	shalt  }
0x6d: {  	_ =	shalt  }
0x6e: {  	_ =	shalt  }
0x6f: {  	_ =	shalt  }
0x70: {  	_ =	shalt  }
0x71: {  	_ =	shalt  }
0x72: {  	_ =	shalt  }
0x73: {  	_ =	shalt  }
0x74: {  	_ =	shalt  }
0x75: {  	_ =	shalt  }
0x76: {  	_ =	shalt  }
0x77: {  	_ =	shalt  }
0x78: {  	_ =	shalt  }
0x79: {  	_ =	shalt  }
0x7a: {  	_ =	shalt  }
0x7b: {  	_ =	shalt  }
0x7c: {  	_ =	shalt  }
0x7d: {  	_ =	shalt  }
0x7e: {  	_ =	shalt  }
0x7f: {  	_ =	shalt  }
0x80: {  	_ =	shalt  }
0x81: {  	_ =	shalt  }
0x82: {  	_ =	shalt  }
0x83: {  	_ =	shalt  }
0x84: {  	_ =	shalt  }
0x85: {  	_ =	shalt  }
0x86: {  	_ =	shalt  }
0x87: {  	_ =	shalt  }
.Lfunc_end0:
.L_simem_size_0:
called_computation_lowered:
.L_overlay_start_0:
0x88: {  	s2 =	sld [smem:$0x3FD9]  }
0x89: {  	s3 =	sld [smem:$0x3FFE];
	_ =	sdelay $0x1  }
0x8a: {  	s1 =	srdreg.scid  }
0x8b: {  	s0 =	sand.u32 $0x1, s1  }
0x8c: {  	s17 =	sshll.u32 s0, $0xA;
	s2 =	sadd.s32 s3, s2  }
0x8d: {  	s2 =	sadd.s32 s2, s17  }
0x8e: {  	[smem:$0x3FC0] =	sst s2  }
0x8f: {  	_ = 	snop  }
0x90: {  	s2 =	sld [smem:$0x3FD0];
	(tm) =	ssettm $0x1  }
0x91: {  	s18 =	sld [smem:$0x3FFB];
	_ =	sdelay $0x3  }
0x92: {  	_ =	strace s18  }
0x93: {  	s3 =	sld [smem:$0x3FFC];
	_ =	sdelay $0x3  }
0x94: {  	_ =	strace s3  }
0x95: {  	s3 =	sld [smem:$0x3FFD];
	_ =	sdelay $0x3  }
0x96: {  	_ =	strace s3  }
0x97: {  	_ =	strace $0x8FFFFFFF  }
0x98: {  	s19 =	sld [smem:$0x3FDB];
	_ =	sdelay $0x1  }
0x99: {  	s4 =	simm.s32 $_scs_section_size  }
0x9a: {  	s5 =	simm.s32 $_size__tile_overlayer_lowered;
	s6 =	simm.s32 $_tile_overlayer_lowered  }
0x9b: {  	s22 =	simm.s32 $0x1BFF;
	s21 =	sshll.u32 s6, $0x1;
	s3 =	sadd.s32 s4, s19  }
0x9c: {  	s7 =	simm.s32 $0x0;
	s20 =	sshll.u32 s5, $0x1;
	s5 =	sadd.s32 s21, s3  }
0x9d: {  	[timem:s7], [sflag:s22] =	dma.local [hbm:s5], s20  }
0x9e: {  	_ =	swait.ge [sflag:s22], s20  }
0x9f: {  	s4 =	ssub.s32 $0x0, s20;
	[sflag:s22] =	ssyncset.done $0x0  }
0xa0: {  	[sflag:s22] =	ssyncadd.s32 s4;
	_ =	sdelay $0x1  }
0xa1: {  	s23 =	simm.s32 $0x1B8B  }
0xa2: {  	_ =	swait.ge [sflag:s23], $0x1  }
0xa3: {  	[sflag:s23] =	ssyncset.done $0x0  }
0xa4: {  	s25 =	simm.s32 $0x1B8E;
	s24 =	sld [smem:$0x3FFE];
	[sflag:s23] =	ssyncadd.s32 $0xFFFFFFFF  }
0xa5: {  	s26 =	simm.s32 $execute0_lowered;
	[smem:$0x3FD2] =	sst s25  }
0xa6: {  	s5 =	sshll.u32 s26, $0x1;
	_ =	strace $0x80000046;
	[dreg:$0x1] =	wrdreg $0xFFFFFFFF  }
0xa7: {  	s28 =	simm.s32 $_size_execute0_lowered;
	s3 =	sadd.s32 s3, s5;
	[dreg:$0x0] =	wrdreg $0x0  }
0xa8: {  	s5 =	sshll.u32 s28, $0x1;
	[dreg:$0x2] =	wrdreg s3  }
0xa9: {  	[dreg:$0x3] =	wrdreg s5  }
0xaa: {  	[dreg:$0x4] =	wrdreg $0xC0  }
0xab: {  	_ =	task [dreg:s7], $0x5FFFF  }
0xac: {  	[dreg:$0x1] =	wrdreg $0xFFFFFFFF  }
0xad: {  	[dreg:$0x0] =	wrdreg $0x60  }
0xae: {  	[dreg:$0x2] =	wrdreg s2  }
0xaf: {  	[dreg:$0x3] =	wrdreg s24  }
0xb0: {  	[dreg:$0x4] =	wrdreg $0x68000  }
0xb1: {  	[dreg:$0x5] =	wrdreg $0x9  }
0xb2: {  	_ =	task.clear_ibuf [dreg:s7], $0x6FFFF;
	_ =	strace $0x90000046  }
0xb3: {  	s29 =	simm.s32 $0x9;
	_ =	strace $0x80000048  }
0xb4: {  	_ =	swait.ge [sflag:s29], $0x1  }
0xb5: {  	[sflag:s29] =	ssyncadd.s32 $0xFFFFFFFF  }
0xb6: {  	_ =	strace $0x90000048  }
0xb7: {  	_ =	sfence  }
0xb8: {  	s30 =	sld [smem:$0x0];
	_ =	sdelay $0x2  }
0xb9: {  	s31 =	sshll.u32 s1, $0xD;
	s1 =	sshrl.u32 s1, $0x2  }
0xba: {  	s3 =	sand.u32 $0x4000, s31;
	s1 =	sadd.s32 s1, s30  }
0xbb: {  	s0 =	sor.u32 s3, s0;
	s1 =	sshll.u32 s1, $0x11  }
0xbc: {  	s0 =	sor.u32 s1, s0  }
0xbd: {  	s0 =	sadd.s32 $0x8F2B, s0  }
0xbe: {  	[sflag:s0] =	ssyncadd.remote.s32 $0x1  }
0xbf: {  	_ =	sfence.sel $0xFFFF  }
0xc0: {  	[dreg:$0x0] =	wrdreg $0xFFFFFFFF;
	(pc) =	sbr.abs _section_cstart, $3  }
0xc1: {  	[dreg:$0x1] =	wrdreg $0xFFFFFFFF  }
0xc2: {  	_ =	task.clear_ibuf [dreg:s7], $0x2FFFF;
	_ =	strace $0x9FFFFFFF  }
0xc3: {  	(tm) =	ssettm $0x7FFFFFFF  }
tec
execute0_lowered:
.L_overlay_start_1:
0x0: {  	(tag) =	ssettag $0x1  }
0x1: {  	s6 =	rddreg [dreg:$0x0]  }
0x2: {  	s7 =	rddreg [dreg:$0x1]  }
0x3: {  	s1 =	rddreg [dreg:$0x2]  }
0x4: {  	s0 =	rddreg [dreg:$0x3];
	s3 =	simm.s32 $0x0;
	s2 =	srdreg.scid  }
0x5: {  	s13 =	simm.s32 $0x80;
	[smem:$0x7FF] =	sst s3;
	s8 =	sand.u32 $0x1, s2  }
0x6: {  	s14 =	simm.s32 $0x0;
	s2 =	stileid.u32;
	s9 =	smul.u32 $0x13C000, s8  }
0x7: {  	s4 =	sadd.s32 $0x2E00, s7;
	s5 =	sadd.s32 $0x3600, s7;
	s10 =	smul.u32 $0x13C00, s2  }
0x8: {  	_ =	strace $0x80000047;
	s11 =	sshll.u32 s8, $0x4;
	s29 =	smul.u32 $0x4F000, s2  }
0x9: {  	s8 =	ssub.s32 $0x2, s8;
	s31 =	sshll.u32 s2, $0x6;
	s28 =	sor.u32 s2, s11  }
0xa: {  	s30 =	sshrl.u32 s8, $0x1;
	s9 =	sadd.s32 s10, s9;
	s10 =	smul.u32 $0x500, s28  }
0xb: {  	s11 =	sshrl.u32 s29, $0x2;
	s8 =	ssub.s32 s8, s30;
	s9 =	sshrl.u32 s9, $0x3  }
0xc: {  	s12 =	sadd.s32 s11, s1;
	s8 =	smax.u32 s8, $0x1;
	s11 =	sor.u32 $0x1C01, s31  }
0xd: {  	s7 =	sadd.s32 s9, s7;
	s6 =	sadd.s32 s6, s10;
	s9 =	simm.s32 $0x1  }
0xe: {  	s10 =	simm.s32 $0x2800;
	s12 =	sshrl.u32 s12, $0x3;
	s7 =	sadd.s32 $0x5E00, s7  }
.LBB2_1:
0xf: {  	[tilespmem:s3], [sflag:$0x1] =	stream.linear.gather [hbm4b:s6+s3], $0x2800, $0x38;
	[tilespmem:$0x1A400] =	vst v63  }
0x10: {  	_ =	swait.ge [sflag:s9], $0x2800  }
0x11: {  	[sflag:s9] =	ssyncset.done $0x0  }
0x12: {  	[sflag:s9] =	ssyncadd.s32 $0xFFFFD800  }
0x13: {  	[tilespmem:s10], [sflag:$0x1] =	stream.linear.gather [hbm4b:s4+s3], $0x4000, $0x38;
	[tilespmem:$0x1A400] =	vst v63  }
0x14: {  	_ =	swait.ge [sflag:s9], $0x4000  }
0x15: {  	[sflag:s9] =	ssyncset.done $0x0  }
0x16: {  	[sflag:s9] =	ssyncadd.s32 $0xFFFFC000  }
0x17: {  	[spmem:s12], [sflag:s11] =	dma.local [hbm:s5], $0x2780  }
0x18: {  	_ =	swait.ge [sflag:s9], $0x2780  }
0x19: {  	[sflag:s9] =	ssyncset.done $0x0  }
0x1a: {  	[sflag:s9] =	ssyncadd.s32 $0xFFFFD880  }
0x1b: {  	s15 =	simm.s32 $0x0;
	[bflag:$0x0] =	sbarrier.arrive $0xFFFF  }
0x1c: {  	[spmem:s1] =	stream.indirect.scatter.add.f32 [tilespmem:s10], [sflag:$0x1], $0x80, s15, s13, $0xb8;
	[tilespmem:$0x1A400] =	vst v63  }
0x1d: {  	_ =	swait.ge [sflag:s9], $0x4000  }
0x1e: {  	s15 =	simm.s32 $0x200;
	[sflag:s9] =	ssyncset.done $0x0  }
.LBB2_2:
0x1f: {  	s16 =	sshra.s32 s15, $0x2;
	[sflag:s9] =	ssyncadd.s32 $0xFFFFC000;
	p0 =	sne.s32 s15, $0x9E00  }
0x20: {  	[spmem:s1] =	stream.indirect.scatter.add.f32 [tilespmem:s10], [sflag:$0x1], $0x80, s16, s13, $0xb8;
	[tilespmem:$0x1A400] =	vst v63  }
.Ltmp0:
0x21: {  	_ = 	snop;
	(pc) =	sbr.rel @p0 .LBB2_2-.Ltmp0, $4  }
0x22: {  	_ = 	snop  }
0x23: {  	s15 =	sadd.s32 $0x200, s15  }
0x24: {  	_ =	swait.ge [sflag:s9], $0x4000  }
0x25: {  	[sflag:s9] =	ssyncset.done $0x0  }
0x26: {  	s14 =	sadd.s32 $0x1, s14  }
0x27: {  	[sflag:s9] =	ssyncadd.s32 $0xFFFFC000;
	p0 =	sne.s32 s14, s8  }
.Ltmp1:
0x28: {  	[bflag:$0x0] =	sbarrier.arrive $0xFFFF;
	(pc) =	sbr.rel @p0 .LBB2_1-.Ltmp1, $4  }
0x29: {  	[hbm:s7], [sflag:s11] =	dma.local [spmem:s12], $0x2780  }
0x2a: {  	_ =	swait.ge [sflag:s9], $0x2780  }
0x2b: {  	[sflag:s9] =	ssyncset.done $0x0  }
0x2c: {  	[sflag:s9] =	ssyncadd.s32 $0xFFFFD880  }
0x2d: {  	_ =	sfence.sel $0x180000  }
0x2e: {  	[bflag:$0x0] =	sbarrier.arrive $0xFFFF  }
0x2f: {  	p0 =	sne.s32 s2, $0x0;
	_ =	strace $0x90000047  }
0x30: {  	s0 =	sadd.s32 @!p0 $0x100000, s0;
	[bflag:$0x2] =	sbarrier.arrive $0xFFFF  }
0x31: {  	[sflag:s0] =	ssyncadd.tile.s32 @!p0 $0x1;
	_ =	shalt  }
.Lfunc_end2:
_tile_overlayer_lowered:
.L_overlay_start_2:
0x32: {  	(tag) =	ssettag $0x2  }
0x33: {  	s0 =	rddreg [dreg:$0x0];
	s2 =	stileid.u32  }
0x34: {  	s1 =	rddreg [dreg:$0x1];
	p0 =	sne.s32 s2, $0x0  }
0x35: {  	s3 =	rddreg [dreg:$0x2];
	[bflag:$0x3] =	sbarrier.arrive $0xFFFF;
	s2 =	simm.s32 @!p0 $0x1C01  }
0x36: {  	[timem:s3], [sflag:s2] =	dma.local @!p0 [hbm:s0], s1  }
0x37: {  	s0 =	simm.s32 @!p0 $0x1  }
0x38: {  	_ =	swait.ge @!p0 [sflag:s0], s1  }
0x39: {  	s1 =	ssub.s32 @!p0 $0x0, s1;
	[sflag:s0] =	ssyncset.done @!p0 $0x0  }
0x3a: {  	[sflag:s0] =	ssyncadd.s32 @!p0 s1  }
0x3b: {  	[bflag:$0x3] =	sbarrier.arrive $0xFFFF  }
0x3c: {  	_ =	shalt  }

// kernel: kernel.14.cloned.1.call-start
scs
__scs_entry_jumppad:
0x0: {  	(pc) =	sbr.rel $0x88, $3  }
0x1: {  	(tag) =	ssettag $0x0;
	lr =	simm.s32 $0x1  }
0x2: {  	[smem:$0x3F99] =	sst lr;
	_ =	strace $0xD0000000  }
0x3: {  	_ = 	snop  }
0x4: {  	_ = 	snop  }
0x5: {  	_ = 	snop  }
0x6: {  	_ = 	snop  }
0x7: {  	_ = 	snop  }
__scs_overlays_trampoline_lowered:
0x8: {  	[smem:$0x3FA8] =	sst s0  }
0x9: {  	[smem:$0x3FA9] =	sst s1  }
0xa: {  	[smem:$0x3FAA] =	sst s2  }
0xb: {  	[smem:$0x3FAB] =	sst s3  }
0xc: {  	[smem:$0x3FAC] =	sst s4  }
0xd: {  	[smem:$0x3FAD] =	sst s5  }
0xe: {  	[smem:$0x3FAE] =	sst s6  }
0xf: {  	[smem:$0x3FAF] =	sst s7  }
0x10: {  	[smem:$0x3FB0] =	sst s8  }
0x11: {  	[smem:$0x3FB1] =	sst s9;
	s0 =	simm.s32 @!p0 $0x0  }
0x12: {  	s1 =	sld [smem:$0x3F97];
	s0 =	simm.s32 @p0 $0x1  }
0x13: {  	[smem:$0x3FB2] =	sst s0;
	s0 =	simm.s32 @!p1 $0x0  }
0x14: {  	s2 =	sld [smem:$0x3F96];
	s0 =	simm.s32 @p1 $0x1  }
0x15: {  	[smem:$0x3FB3] =	sst s0;
	s0 =	simm.s32 @!p2 $0x0  }
0x16: {  	s3 =	sld [smem:$0x3FDB];
	s0 =	simm.s32 @p2 $0x1  }
0x17: {  	s4 =	simm.s32 $0x1BF5;
	[smem:$0x3FB5] =	sst s0  }
0x18: {  	s0 =	sld [smem:$0x3F98];
	_ =	swait.ge [sflag:s4], $0x0  }
0x19: {  	s7 =	sld [smem:$0x3F99]  }
0x1a: {  	s8 =	sadd.s32 $0xFFFFE003, lr  }
0x1b: {  	s9 =	sadd.s32 $0xFFFFFEF7, lr;
	s5 =	simm.s32 $0xFFFFFFFF;
	p2 =	slt.u32 s8, $0xFFFFF086  }
0x1c: {  	p1 =	slt.u32 s9, $0xF7A;
	s5 =	simm.s32 @!p2 $0x0  }
0x1d: {  	s5 =	simm.s32 @p1 $0x1;
	p0 =	seq.s32 s7, s2  }
0x1e: {  	s7 =	smul.u32 @!p0 $0xF7A, s2;
	p2 =	seq.s32 @!p0 s5, $0x0  }
0x1f: {  	s9 =	smul.u32 $0xF7A, s1;
	s8 =	simm.s32 @!p0 $0x1BF5;
	p2 =	por !p2, p0  }
0x20: {  	[sflag:s8] =	ssyncset.s32 @!p0 $0xFFFFF086;
	s6 =	sadd.s32 @!p0 s3, s7;
	s7 =	simm.s32 @!p0 $0x108  }
0x21: {  	s3 =	sadd.s32 s3, s9;
	s6 =	sadd.s32 @!p0 $0x88, s6;
	s7 =	simm.s32 @p2 $0x1082  }
0x22: {  	[simem:s7], [sflag:s8] =	dma.local @!p0 [hbm:s6], $0xF7A  }
0x23: {  	s9 =	sor.u32 $0xD0000000, s2;
	s6 =	simm.s32 $0x108;
	_ =	swait.ge @!p0 [sflag:s8], $0x0  }
0x24: {  	s3 =	sadd.s32 $0x88, s3;
	s6 =	simm.s32 @!p1 $0x1082;
	[sflag:s4] =	ssyncset.s32 $0xFFFFF086  }
0x25: {  	[simem:s6], [sflag:s4] =	dma.local [hbm:s3], $0xF7A  }
0x26: {  	[smem:$0x3F99] =	sst s1;
	(tag) =	ssettag s2;
	_ =	strace s9  }
0x27: {  	s1 =	sld [smem:$0x3FA9]  }
0x28: {  	s2 =	sld [smem:$0x3FAA]  }
0x29: {  	s4 =	sld [smem:$0x3FAC]  }
0x2a: {  	p0 =	seq.s32 s5, $0x0;
	s5 =	sld [smem:$0x3FAD]  }
0x2b: {  	s6 =	sld [smem:$0x3FAE]  }
0x2c: {  	s7 =	sld [smem:$0x3FAF]  }
0x2d: {  	s3 =	simm.s32 $0x108;
	s8 =	sld [smem:$0x3FB0]  }
0x2e: {  	s3 =	simm.s32 @!p0 $0x1082;
	s9 =	sld [smem:$0x3FB1]  }
0x2f: {  	lr =	sadd.s32 s0, s3;
	s0 =	sld [smem:$0x3FA8]  }
0x30: {  	s3 =	sld [smem:$0x3FAB]  }
0x31: {  	[smem:$0x3FB4] =	sst s10  }
0x32: {  	s10 =	sld [smem:$0x3FB2];
	_ =	sdelay $0x3  }
0x33: {  	p0 =	seq.s32 s10, $0x1;
	s10 =	sld [smem:$0x3FB4];
	_ =	sdelay $0x3  }
0x34: {  	[smem:$0x3FB4] =	sst s10  }
0x35: {  	s10 =	sld [smem:$0x3FB3];
	_ =	sdelay $0x3  }
0x36: {  	p1 =	seq.s32 s10, $0x1;
	s10 =	sld [smem:$0x3FB4];
	_ =	sdelay $0x3  }
0x37: {  	[smem:$0x3FB4] =	sst s10  }
0x38: {  	s10 =	sld [smem:$0x3FB5]  }
0x39: {  	_ = 	snop;
	(pc) =	sbr.ind lr, $3  }
0x3a: {  	_ = 	snop  }
0x3b: {  	_ = 	snop  }
0x3c: {  	p2 =	seq.s32 s10, $0x1;
	s10 =	sld [smem:$0x3FB4]  }
0x3d: {  	_ =	shalt  }
0x3e: {  	_ =	shalt  }
0x3f: {  	_ =	shalt  }
0x40: {  	_ =	shalt  }
0x41: {  	_ =	shalt  }
0x42: {  	_ =	shalt  }
0x43: {  	_ =	shalt  }
0x44: {  	_ =	shalt  }
0x45: {  	_ =	shalt  }
0x46: {  	_ =	shalt  }
0x47: {  	_ =	shalt  }
0x48: {  	_ =	shalt  }
0x49: {  	_ =	shalt  }
0x4a: {  	_ =	shalt  }
0x4b: {  	_ =	shalt  }
0x4c: {  	_ =	shalt  }
0x4d: {  	_ =	shalt  }
0x4e: {  	_ =	shalt  }
0x4f: {  	_ =	shalt  }
0x50: {  	_ =	shalt  }
0x51: {  	_ =	shalt  }
0x52: {  	_ =	shalt  }
0x53: {  	_ =	shalt  }
0x54: {  	_ =	shalt  }
0x55: {  	_ =	shalt  }
0x56: {  	_ =	shalt  }
0x57: {  	_ =	shalt  }
0x58: {  	_ =	shalt  }
0x59: {  	_ =	shalt  }
0x5a: {  	_ =	shalt  }
0x5b: {  	_ =	shalt  }
0x5c: {  	_ =	shalt  }
0x5d: {  	_ =	shalt  }
0x5e: {  	_ =	shalt  }
0x5f: {  	_ =	shalt  }
0x60: {  	_ =	shalt  }
0x61: {  	_ =	shalt  }
0x62: {  	_ =	shalt  }
0x63: {  	_ =	shalt  }
0x64: {  	_ =	shalt  }
0x65: {  	_ =	shalt  }
0x66: {  	_ =	shalt  }
0x67: {  	_ =	shalt  }
0x68: {  	_ =	shalt  }
0x69: {  	_ =	shalt  }
0x6a: {  	_ =	shalt  }
0x6b: {  	_ =	shalt  }
0x6c: {  	_ =	shalt  }
0x6d: {  	_ =	shalt  }
0x6e: {  	_ =	shalt  }
0x6f: {  	_ =	shalt  }
0x70: {  	_ =	shalt  }
0x71: {  	_ =	shalt  }
0x72: {  	_ =	shalt  }
0x73: {  	_ =	shalt  }
0x74: {  	_ =	shalt  }
0x75: {  	_ =	shalt  }
0x76: {  	_ =	shalt  }
0x77: {  	_ =	shalt  }
0x78: {  	_ =	shalt  }
0x79: {  	_ =	shalt  }
0x7a: {  	_ =	shalt  }
0x7b: {  	_ =	shalt  }
0x7c: {  	_ =	shalt  }
0x7d: {  	_ =	shalt  }
0x7e: {  	_ =	shalt  }
0x7f: {  	_ =	shalt  }
0x80: {  	_ =	shalt  }
0x81: {  	_ =	shalt  }
0x82: {  	_ =	shalt  }
0x83: {  	_ =	shalt  }
0x84: {  	_ =	shalt  }
0x85: {  	_ =	shalt  }
0x86: {  	_ =	shalt  }
0x87: {  	_ =	shalt  }
.Lfunc_end0:
.L_simem_size_0:
called_computation.1_lowered:
.L_overlay_start_0:
0x88: {  	s2 =	sld [smem:$0x3FD9]  }
0x89: {  	s3 =	sld [smem:$0x3FFE];
	_ =	sdelay $0x1  }
0x8a: {  	s1 =	srdreg.scid  }
0x8b: {  	s0 =	sand.u32 $0x1, s1  }
0x8c: {  	s17 =	sshll.u32 s0, $0xA;
	s2 =	sadd.s32 s3, s2  }
0x8d: {  	s2 =	sadd.s32 s2, s17  }
0x8e: {  	[smem:$0x3FC0] =	sst s2  }
0x8f: {  	_ = 	snop  }
0x90: {  	s2 =	sld [smem:$0x3FD0];
	(tm) =	ssettm $0x1  }
0x91: {  	s18 =	sld [smem:$0x3FFB];
	_ =	sdelay $0x3  }
0x92: {  	_ =	strace s18  }
0x93: {  	s3 =	sld [smem:$0x3FFC];
	_ =	sdelay $0x3  }
0x94: {  	_ =	strace s3  }
0x95: {  	s3 =	sld [smem:$0x3FFD];
	_ =	sdelay $0x3  }
0x96: {  	_ =	strace s3  }
0x97: {  	_ =	strace $0x8FFFFFFF  }
0x98: {  	s19 =	sld [smem:$0x3FDB];
	_ =	sdelay $0x1  }
0x99: {  	s4 =	simm.s32 $_scs_section_size  }
0x9a: {  	s5 =	simm.s32 $_size__tile_overlayer_lowered;
	s6 =	simm.s32 $_tile_overlayer_lowered  }
0x9b: {  	s22 =	simm.s32 $0x1BFF;
	s21 =	sshll.u32 s6, $0x1;
	s3 =	sadd.s32 s4, s19  }
0x9c: {  	s7 =	simm.s32 $0x0;
	s20 =	sshll.u32 s5, $0x1;
	s5 =	sadd.s32 s21, s3  }
0x9d: {  	[timem:s7], [sflag:s22] =	dma.local [hbm:s5], s20  }
0x9e: {  	_ =	swait.ge [sflag:s22], s20  }
0x9f: {  	s4 =	ssub.s32 $0x0, s20;
	[sflag:s22] =	ssyncset.done $0x0  }
0xa0: {  	[sflag:s22] =	ssyncadd.s32 s4;
	_ =	sdelay $0x1  }
0xa1: {  	s23 =	simm.s32 $0x1B8B  }
0xa2: {  	_ =	swait.ge [sflag:s23], $0x1  }
0xa3: {  	[sflag:s23] =	ssyncset.done $0x0  }
0xa4: {  	s25 =	simm.s32 $0x1B8E;
	s24 =	sld [smem:$0x3FFE];
	[sflag:s23] =	ssyncadd.s32 $0xFFFFFFFF  }
0xa5: {  	s26 =	simm.s32 $execute0_lowered;
	[smem:$0x3FD2] =	sst s25  }
0xa6: {  	s5 =	sshll.u32 s26, $0x1;
	_ =	strace $0x80000049;
	[dreg:$0x1] =	wrdreg $0xFFFFFFFF  }
0xa7: {  	s28 =	simm.s32 $_size_execute0_lowered;
	s3 =	sadd.s32 s3, s5;
	[dreg:$0x0] =	wrdreg $0x0  }
0xa8: {  	s5 =	sshll.u32 s28, $0x1;
	[dreg:$0x2] =	wrdreg s3  }
0xa9: {  	[dreg:$0x3] =	wrdreg s5  }
0xaa: {  	[dreg:$0x4] =	wrdreg $0xC0  }
0xab: {  	_ =	task [dreg:s7], $0x5FFFF  }
0xac: {  	[dreg:$0x1] =	wrdreg $0xFFFFFFFF  }
0xad: {  	[dreg:$0x0] =	wrdreg $0x60  }
0xae: {  	[dreg:$0x2] =	wrdreg s2  }
0xaf: {  	[dreg:$0x3] =	wrdreg s24  }
0xb0: {  	[dreg:$0x4] =	wrdreg $0xA0000  }
0xb1: {  	[dreg:$0x5] =	wrdreg $0x9  }
0xb2: {  	_ =	task.clear_ibuf [dreg:s7], $0x6FFFF;
	_ =	strace $0x90000049  }
0xb3: {  	s29 =	simm.s32 $0x9;
	_ =	strace $0x8000004B  }
0xb4: {  	_ =	swait.ge [sflag:s29], $0x1  }
0xb5: {  	[sflag:s29] =	ssyncadd.s32 $0xFFFFFFFF  }
0xb6: {  	_ =	strace $0x9000004B  }
0xb7: {  	_ =	sfence  }
0xb8: {  	s30 =	sld [smem:$0x0];
	_ =	sdelay $0x2  }
0xb9: {  	s31 =	sshll.u32 s1, $0xD;
	s1 =	sshrl.u32 s1, $0x2  }
0xba: {  	s3 =	sand.u32 $0x4000, s31;
	s1 =	sadd.s32 s1, s30  }
0xbb: {  	s0 =	sor.u32 s3, s0;
	s1 =	sshll.u32 s1, $0x11  }
0xbc: {  	s0 =	sor.u32 s1, s0  }
0xbd: {  	s0 =	sadd.s32 $0x8F2B, s0  }
0xbe: {  	[sflag:s0] =	ssyncadd.remote.s32 $0x1  }
0xbf: {  	_ =	sfence.sel $0xFFFF  }
0xc0: {  	[dreg:$0x0] =	wrdreg $0xFFFFFFFF;
	(pc) =	sbr.abs _section_cstart, $3  }
0xc1: {  	[dreg:$0x1] =	wrdreg $0xFFFFFFFF  }
0xc2: {  	_ =	task.clear_ibuf [dreg:s7], $0x2FFFF;
	_ =	strace $0x9FFFFFFF  }
0xc3: {  	(tm) =	ssettm $0x7FFFFFFF  }
tec
execute0_lowered:
.L_overlay_start_1:
0x0: {  	(tag) =	ssettag $0x1  }
0x1: {  	s1 =	rddreg [dreg:$0x0]  }
0x2: {  	s0 =	rddreg [dreg:$0x1]  }
0x3: {  	s2 =	rddreg [dreg:$0x2];
	s3 =	srdreg.scid;
	s4 =	simm.s32 $0x0  }
0x4: {  	s11 =	stileid.u32;
	s13 =	simm.s32 $0x5;
	s14 =	simm.s32 $0x1000  }
0x5: {  	s15 =	simm.s32 $0x40;
	s16 =	simm.s32 $0x2000;
	s17 =	simm.s32 $0x80  }
0x6: {  	s18 =	simm.s32 $0x4000;
	s19 =	simm.s32 $0x100;
	s20 =	simm.s32 $0x6000  }
0x7: {  	s28 =	simm.s32 $0x1E00;
	s29 =	simm.s32 $0x1E80;
	s30 =	simm.s32 $0x1F00  }
0x8: {  	s31 =	simm.s32 $0x1F80;
	s3 =	sand.u32 $0x1, s3;
	[smem:$0x7FF] =	sst s4  }
0x9: {  	s8 =	smul.u32 $0x13C00, s11;
	s5 =	sadd.s32 $0x68E00, s0;
	s6 =	sadd.s32 $0x54E00, s0  }
0xa: {  	s9 =	sadd.s32 $0x3600, s0;
	s10 =	smul.u32 $0x4F000, s11;
	s25 =	sshll.u32 s11, $0x6  }
0xb: {  	s7 =	smul.u32 $0x13C000, s3;
	_ =	strace $0x8000004A;
	s21 =	ssub.s32 $0x2, s3  }
0xc: {  	[dreg:$0x4] =	wrdreg s9;
	s3 =	sshll.u32 s3, $0x4;
	s22 =	sshrl.u32 s21, $0x1  }
0xd: {  	s3 =	sor.u32 s11, s3;
	s24 =	sshrl.u32 s10, $0x2;
	s7 =	sadd.s32 s8, s7  }
0xe: {  	s23 =	ssub.s32 s21, s22;
	s10 =	sadd.s32 s24, s2;
	s8 =	sor.u32 $0x1C05, s25  }
0xf: {  	s9 =	smul.u32 $0x5000, s3;
	s21 =	simm.s32 $0x8000;
	s22 =	simm.s32 $0x1  }
0x10: {  	s24 =	simm.s32 $0x3;
	s7 =	sshrl.u32 s7, $0x3;
	s26 =	smax.u32 s23, $0x1  }
0x11: {  	s3 =	sshrl.u32 s10, $0x3;
	s0 =	sadd.s32 s7, s0;
	[dreg:$0x6] =	wrdreg s26  }
0x12: {  	s25 =	simm.s32 $0x4;
	[dreg:$0x7] =	wrdreg s3;
	s0 =	sadd.s32 $0x5E00, s0  }
0x13: {  	s23 =	simm.s32 $0x2;
	s26 =	simm.s32 $0xF80;
	[dreg:$0x5] =	wrdreg s0  }
.LBB2_1:
0x14: {  	s0 =	rddreg [dreg:$0x4]  }
0x15: {  	[spmem:s3], [sflag:s8] =	dma.local [hbm:s0], $0x2780  }
0x16: {  	_ =	swait.ge [sflag:s13], $0x2780  }
0x17: {  	[sflag:s13] =	ssyncset.done $0x0  }
0x18: {  	[sflag:s13] =	ssyncadd.s32 $0xFFFFD880  }
0x19: {  	s12 =	smov.u32 s8;
	s0 =	simm.s32 $0x0;
	[bflag:$0x0] =	sbarrier.arrive $0xFFFF  }
.LBB2_2:
0x1a: {  	s3 =	sshll.u32 s0, $0xC  }
0x1b: {  	s3 =	sadd.s32 s9, s3  }
0x1c: {  	s3 =	sshrl.u32 s3, $0x3  }
0x1d: {  	s10 =	simm.s32 $0x0;
	s7 =	sadd.s32 s5, s3  }
0x1e: {  	[tilespmem:s10], [sflag:$0x5] =	stream.linear.gather [hbm4b:s7+s10], $0x1000, $0x38;
	[tilespmem:$0x1DC00] =	vst v63  }
0x1f: {  	_ =	swait.ge [sflag:s13], $0x1000  }
0x20: {  	[sflag:s13] =	ssyncset.done $0x0  }
0x21: {  	s3 =	sadd.s32 s6, s3;
	[sflag:s13] =	ssyncadd.s32 $0xFFFFF000  }
0x22: {  	[tilespmem:s14], [sflag:$0x5] =	stream.linear.gather [hbm4b:s3+s10], $0x1000, $0x38;
	[tilespmem:$0x1DC00] =	vst v63  }
0x23: {  	_ =	swait.ge [sflag:s13], $0x1000  }
0x24: {  	[sflag:s13] =	ssyncset.done $0x0  }
0x25: {  	[sflag:s13] =	ssyncadd.s32 $0xFFFFF000  }
0x26: {  	[tilespmem:s16], [sflag:$0x1] =	stream.indirect.gather [hbm4b:s1+s15], $0x80, s10, s15, $0xb8;
	[tilespmem:$0x1DC00] =	vst v63  }
0x27: {  	_ = 	snop  }
0x28: {  	[tilespmem:s18], [sflag:$0x2] =	stream.indirect.gather [hbm4b:s1+s15], $0x80, s17, s15, $0xb8;
	[tilespmem:$0x1DC00] =	vst v63  }
0x29: {  	_ = 	snop  }
0x2a: {  	[tilespmem:s20], [sflag:$0x3] =	stream.indirect.gather [hbm4b:s1+s15], $0x80, s19, s15, $0xb8;
	[tilespmem:$0x1DC00] =	vst v63  }
0x2b: {  	s7 =	simm.s32 $0x180  }
0x2c: {  	[tilespmem:s21], [sflag:$0x4] =	stream.indirect.gather [hbm4b:s1+s15], $0x80, s7, s15, $0xb8;
	[tilespmem:$0x1DC00] =	vst v63  }
0x2d: {  	_ =	swait.ge [sflag:s22], $0x2000  }
0x2e: {  	[sflag:s22] =	ssyncset.done $0x0  }
0x2f: {  	s8 =	simm.s32 $0x1000;
	[sflag:s22] =	ssyncadd.s32 $0xFFFFE000  }
0x30: {  	[spmem:s2] =	stream.indirect.scatter.add.f32 [tilespmem:s16], [sflag:$0x5], $0x80, s8, s15, $0xb8;
	[tilespmem:$0x1DC00] =	vst v63  }
0x31: {  	_ =	swait.ge [sflag:s13], $0x2000  }
0x32: {  	[sflag:s13] =	ssyncset.done $0x0  }
0x33: {  	s10 =	simm.s32 $0x200;
	[sflag:s13] =	ssyncadd.s32 $0xFFFFE000  }
0x34: {  	[tilespmem:s16], [sflag:$0x1] =	stream.indirect.gather [hbm4b:s1+s15], $0x80, s10, s15, $0xb8;
	[tilespmem:$0x1DC00] =	vst v63  }
0x35: {  	_ =	swait.ge [sflag:s23], $0x2000  }
0x36: {  	[sflag:s23] =	ssyncset.done $0x0  }
0x37: {  	s11 =	simm.s32 $0x1080;
	[sflag:s23] =	ssyncadd.s32 $0xFFFFE000  }
0x38: {  	[spmem:s2] =	stream.indirect.scatter.add.f32 [tilespmem:s18], [sflag:$0x5], $0x80, s11, s15, $0xb8;
	[tilespmem:$0x1DC00] =	vst v63  }
0x39: {  	_ =	swait.ge [sflag:s13], $0x2000  }
0x3a: {  	[sflag:s13] =	ssyncset.done $0x0  }
0x3b: {  	s7 =	simm.s32 $0x280;
	[sflag:s13] =	ssyncadd.s32 $0xFFFFE000  }
0x3c: {  	[tilespmem:s18], [sflag:$0x2] =	stream.indirect.gather [hbm4b:s1+s15], $0x80, s7, s15, $0xb8;
	[tilespmem:$0x1DC00] =	vst v63  }
0x3d: {  	_ =	swait.ge [sflag:s24], $0x2000  }
0x3e: {  	[sflag:s24] =	ssyncset.done $0x0  }
0x3f: {  	s8 =	simm.s32 $0x1100;
	[sflag:s24] =	ssyncadd.s32 $0xFFFFE000  }
0x40: {  	[spmem:s2] =	stream.indirect.scatter.add.f32 [tilespmem:s20], [sflag:$0x5], $0x80, s8, s15, $0xb8;
	[tilespmem:$0x1DC00] =	vst v63  }
0x41: {  	_ =	swait.ge [sflag:s13], $0x2000  }
0x42: {  	[sflag:s13] =	ssyncset.done $0x0  }
0x43: {  	s10 =	simm.s32 $0x300;
	[sflag:s13] =	ssyncadd.s32 $0xFFFFE000  }
0x44: {  	[tilespmem:s20], [sflag:$0x3] =	stream.indirect.gather [hbm4b:s1+s15], $0x80, s10, s15, $0xb8;
	[tilespmem:$0x1DC00] =	vst v63  }
0x45: {  	_ =	swait.ge [sflag:s25], $0x2000  }
0x46: {  	[sflag:s25] =	ssyncset.done $0x0  }
0x47: {  	s11 =	simm.s32 $0x1180;
	[sflag:s25] =	ssyncadd.s32 $0xFFFFE000  }
0x48: {  	[spmem:s2] =	stream.indirect.scatter.add.f32 [tilespmem:s21], [sflag:$0x5], $0x80, s11, s15, $0xb8;
	[tilespmem:$0x1DC00] =	vst v63  }
0x49: {  	_ =	swait.ge [sflag:s13], $0x2000  }
0x4a: {  	s3 =	simm.s32 $0x200;
	s7 =	simm.s32 $0x1000;
	[sflag:s13] =	ssyncset.done $0x0  }
.LBB2_3:
0x4b: {  	s8 =	sadd.s32 $0x180, s3  }
0x4c: {  	[sflag:s13] =	ssyncadd.s32 $0xFFFFE000;
	s10 =	smov.u32 s7;
	s11 =	sadd.s32 $0x800, s7  }
0x4d: {  	[tilespmem:s21], [sflag:$0x4] =	stream.indirect.gather [hbm4b:s1+s15], $0x80, s8, s15, $0xb8;
	[tilespmem:$0x1DC00] =	vst v63  }
0x4e: {  	p0 =	sne.s32 s7, $0x3000;
	_ =	swait.ge [sflag:s22], $0x2000  }
0x4f: {  	[sflag:s22] =	ssyncset.done $0x0  }
0x50: {  	s7 =	sadd.s32 $0x1000, s3;
	[sflag:s22] =	ssyncadd.s32 $0xFFFFE000  }
0x51: {  	[spmem:s2] =	stream.indirect.scatter.add.f32 [tilespmem:s16], [sflag:$0x5], $0x80, s7, s15, $0xb8;
	[tilespmem:$0x1DC00] =	vst v63  }
0x52: {  	_ =	swait.ge [sflag:s13], $0x2000  }
0x53: {  	[sflag:s13] =	ssyncset.done $0x0  }
0x54: {  	s7 =	sadd.s32 $0x200, s3;
	[sflag:s13] =	ssyncadd.s32 $0xFFFFE000  }
0x55: {  	[tilespmem:s16], [sflag:$0x1] =	stream.indirect.gather [hbm4b:s1+s15], $0x80, s7, s15, $0xb8;
	[tilespmem:$0x1DC00] =	vst v63  }
0x56: {  	_ =	swait.ge [sflag:s23], $0x2000  }
0x57: {  	[sflag:s23] =	ssyncset.done $0x0  }
0x58: {  	s7 =	sadd.s32 $0x1080, s3;
	[sflag:s23] =	ssyncadd.s32 $0xFFFFE000  }
0x59: {  	[spmem:s2] =	stream.indirect.scatter.add.f32 [tilespmem:s18], [sflag:$0x5], $0x80, s7, s15, $0xb8;
	[tilespmem:$0x1DC00] =	vst v63  }
0x5a: {  	_ =	swait.ge [sflag:s13], $0x2000  }
0x5b: {  	[sflag:s13] =	ssyncset.done $0x0  }
0x5c: {  	s7 =	sadd.s32 $0x280, s3;
	[sflag:s13] =	ssyncadd.s32 $0xFFFFE000  }
0x5d: {  	[tilespmem:s18], [sflag:$0x2] =	stream.indirect.gather [hbm4b:s1+s15], $0x80, s7, s15, $0xb8;
	[tilespmem:$0x1DC00] =	vst v63  }
0x5e: {  	_ =	swait.ge [sflag:s24], $0x2000  }
0x5f: {  	[sflag:s24] =	ssyncset.done $0x0  }
0x60: {  	s7 =	sadd.s32 $0x1100, s3;
	[sflag:s24] =	ssyncadd.s32 $0xFFFFE000  }
0x61: {  	[spmem:s2] =	stream.indirect.scatter.add.f32 [tilespmem:s20], [sflag:$0x5], $0x80, s7, s15, $0xb8;
	[tilespmem:$0x1DC00] =	vst v63  }
0x62: {  	_ =	swait.ge [sflag:s13], $0x2000  }
0x63: {  	[sflag:s13] =	ssyncset.done $0x0  }
0x64: {  	s7 =	sadd.s32 $0x300, s3;
	[sflag:s13] =	ssyncadd.s32 $0xFFFFE000  }
0x65: {  	[tilespmem:s20], [sflag:$0x3] =	stream.indirect.gather [hbm4b:s1+s15], $0x80, s7, s15, $0xb8;
	[tilespmem:$0x1DC00] =	vst v63  }
0x66: {  	_ =	swait.ge [sflag:s25], $0x2000  }
.Ltmp0:
0x67: {  	[sflag:s25] =	ssyncset.done $0x0;
	(pc) =	sbr.rel @p0 .LBB2_3-.Ltmp0, $4  }
0x68: {  	s3 =	sadd.s32 $0x1180, s3;
	[sflag:s25] =	ssyncadd.s32 $0xFFFFE000  }
0x69: {  	[spmem:s2] =	stream.indirect.scatter.add.f32 [tilespmem:s21], [sflag:$0x5], $0x80, s3, s15, $0xb8;
	[tilespmem:$0x1DC00] =	vst v63  }
0x6a: {  	_ =	swait.ge [sflag:s13], $0x2000  }
0x6b: {  	s7 =	smov.u32 s11;
	s3 =	sshra.s32 s10, $0x2;
	[sflag:s13] =	ssyncset.done $0x0  }
0x6c: {  	s7 =	sadd.s32 $0x180, s3;
	[sflag:s13] =	ssyncadd.s32 $0xFFFFE000  }
0x6d: {  	[tilespmem:s21], [sflag:$0x4] =	stream.indirect.gather [hbm4b:s1+s15], $0x80, s7, s15, $0xb8;
	[tilespmem:$0x1DC00] =	vst v63  }
0x6e: {  	_ =	swait.ge [sflag:s22], $0x2000  }
0x6f: {  	[sflag:s22] =	ssyncset.done $0x0  }
0x70: {  	s11 =	sadd.s32 $0x1000, s3;
	[sflag:s22] =	ssyncadd.s32 $0xFFFFE000  }
0x71: {  	[spmem:s2] =	stream.indirect.scatter.add.f32 [tilespmem:s16], [sflag:$0x5], $0x80, s11, s15, $0xb8;
	[tilespmem:$0x1DC00] =	vst v63  }
0x72: {  	_ =	swait.ge [sflag:s13], $0x2000  }
0x73: {  	[sflag:s13] =	ssyncset.done $0x0  }
0x74: {  	s8 =	sadd.s32 $0x200, s3;
	[sflag:s13] =	ssyncadd.s32 $0xFFFFE000  }
0x75: {  	[tilespmem:s16], [sflag:$0x1] =	stream.indirect.gather [hbm4b:s1+s15], $0x80, s8, s15, $0xb8;
	[tilespmem:$0x1DC00] =	vst v63  }
0x76: {  	_ =	swait.ge [sflag:s23], $0x2000  }
0x77: {  	[sflag:s23] =	ssyncset.done $0x0  }
0x78: {  	s10 =	sadd.s32 $0x1080, s3;
	[sflag:s23] =	ssyncadd.s32 $0xFFFFE000  }
0x79: {  	[spmem:s2] =	stream.indirect.scatter.add.f32 [tilespmem:s18], [sflag:$0x5], $0x80, s10, s15, $0xb8;
	[tilespmem:$0x1DC00] =	vst v63  }
0x7a: {  	_ =	swait.ge [sflag:s13], $0x2000  }
0x7b: {  	[sflag:s13] =	ssyncset.done $0x0  }
0x7c: {  	s11 =	sadd.s32 $0x280, s3;
	[sflag:s13] =	ssyncadd.s32 $0xFFFFE000  }
0x7d: {  	[tilespmem:s18], [sflag:$0x2] =	stream.indirect.gather [hbm4b:s1+s15], $0x80, s11, s15, $0xb8;
	[tilespmem:$0x1DC00] =	vst v63  }
0x7e: {  	_ =	swait.ge [sflag:s24], $0x2000  }
0x7f: {  	[sflag:s24] =	ssyncset.done $0x0  }
0x80: {  	s8 =	sadd.s32 $0x1100, s3;
	[sflag:s24] =	ssyncadd.s32 $0xFFFFE000  }
0x81: {  	[spmem:s2] =	stream.indirect.scatter.add.f32 [tilespmem:s20], [sflag:$0x5], $0x80, s8, s15, $0xb8;
	[tilespmem:$0x1DC00] =	vst v63  }
0x82: {  	_ =	swait.ge [sflag:s13], $0x2000  }
0x83: {  	[sflag:s13] =	ssyncset.done $0x0  }
0x84: {  	s10 =	sadd.s32 $0x300, s3;
	[sflag:s13] =	ssyncadd.s32 $0xFFFFE000  }
0x85: {  	[tilespmem:s20], [sflag:$0x3] =	stream.indirect.gather [hbm4b:s1+s15], $0x80, s10, s15, $0xb8;
	[tilespmem:$0x1DC00] =	vst v63  }
0x86: {  	_ =	swait.ge [sflag:s25], $0x2000  }
0x87: {  	[sflag:s25] =	ssyncset.done $0x0  }
0x88: {  	s11 =	sadd.s32 $0x1180, s3;
	[sflag:s25] =	ssyncadd.s32 $0xFFFFE000  }
0x89: {  	[spmem:s2] =	stream.indirect.scatter.add.f32 [tilespmem:s21], [sflag:$0x5], $0x80, s11, s15, $0xb8;
	[tilespmem:$0x1DC00] =	vst v63  }
0x8a: {  	_ =	swait.ge [sflag:s13], $0x2000  }
0x8b: {  	[sflag:s13] =	ssyncset.done $0x0  }
0x8c: {  	[sflag:s13] =	ssyncadd.s32 $0xFFFFE000  }
0x8d: {  	[tilespmem:s21], [sflag:$0x4] =	stream.indirect.gather [hbm4b:s1+s15], $0x80, s26, s15, $0xb8;
	[tilespmem:$0x1DC00] =	vst v63  }
0x8e: {  	_ =	swait.ge [sflag:s22], $0x2000  }
0x8f: {  	[sflag:s22] =	ssyncset.done $0x0  }
0x90: {  	[sflag:s22] =	ssyncadd.s32 $0xFFFFE000  }
0x91: {  	[spmem:s2] =	stream.indirect.scatter.add.f32 [tilespmem:s16], [sflag:$0x5], $0x80, s28, s15, $0xb8;
	[tilespmem:$0x1DC00] =	vst v63  }
0x92: {  	_ =	swait.ge [sflag:s13], $0x2000  }
0x93: {  	[sflag:s13] =	ssyncset.done $0x0  }
0x94: {  	[sflag:s13] =	ssyncadd.s32 $0xFFFFE000  }
0x95: {  	_ =	swait.ge [sflag:s23], $0x2000  }
0x96: {  	[sflag:s23] =	ssyncset.done $0x0  }
0x97: {  	[sflag:s23] =	ssyncadd.s32 $0xFFFFE000  }
0x98: {  	[spmem:s2] =	stream.indirect.scatter.add.f32 [tilespmem:s18], [sflag:$0x5], $0x80, s29, s15, $0xb8;
	[tilespmem:$0x1DC00] =	vst v63  }
0x99: {  	_ =	swait.ge [sflag:s13], $0x2000  }
0x9a: {  	[sflag:s13] =	ssyncset.done $0x0  }
0x9b: {  	[sflag:s13] =	ssyncadd.s32 $0xFFFFE000  }
0x9c: {  	_ =	swait.ge [sflag:s24], $0x2000  }
0x9d: {  	[sflag:s24] =	ssyncset.done $0x0  }
0x9e: {  	[sflag:s24] =	ssyncadd.s32 $0xFFFFE000  }
0x9f: {  	[spmem:s2] =	stream.indirect.scatter.add.f32 [tilespmem:s20], [sflag:$0x5], $0x80, s30, s15, $0xb8;
	[tilespmem:$0x1DC00] =	vst v63  }
0xa0: {  	_ =	swait.ge [sflag:s13], $0x2000  }
0xa1: {  	[sflag:s13] =	ssyncset.done $0x0  }
0xa2: {  	[sflag:s13] =	ssyncadd.s32 $0xFFFFE000  }
0xa3: {  	s0 =	sadd.s32 $0x1, s0;
	_ =	swait.ge [sflag:s25], $0x2000  }
0xa4: {  	p0 =	sne.s32 s0, $0x5;
	[sflag:s25] =	ssyncset.done $0x0  }
.Ltmp1:
0xa5: {  	[sflag:s25] =	ssyncadd.s32 $0xFFFFE000;
	(pc) =	sbr.rel @p0 .LBB2_2-.Ltmp1, $4  }
0xa6: {  	[spmem:s2] =	stream.indirect.scatter.add.f32 [tilespmem:s21], [sflag:$0x5], $0x80, s31, s15, $0xb8;
	[tilespmem:$0x1DC00] =	vst v63  }
0xa7: {  	_ =	swait.ge [sflag:s13], $0x2000  }
0xa8: {  	[sflag:s13] =	ssyncset.done $0x0  }
0xa9: {  	[sflag:s13] =	ssyncadd.s32 $0xFFFFE000  }
0xaa: {  	[bflag:$0x0] =	sbarrier.arrive $0xFFFF  }
0xab: {  	s0 =	rddreg [dreg:$0x5]  }
0xac: {  	s3 =	rddreg [dreg:$0x7]  }
0xad: {  	[hbm:s0], [sflag:s12] =	dma.local [spmem:s3], $0x2780  }
0xae: {  	_ =	swait.ge [sflag:s13], $0x2780  }
0xaf: {  	s8 =	smov.u32 s12;
	s4 =	sadd.s32 $0x1, s4;
	s12 =	rddreg [dreg:$0x6]  }
0xb0: {  	p0 =	sne.s32 s4, s12  }
.Ltmp2:
0xb1: {  	_ = 	snop;
	(pc) =	sbr.rel @p0 .LBB2_1-.Ltmp2, $3  }
0xb2: {  	_ =	sdelay $0x1  }
0xb3: {  	[sflag:s13] =	ssyncset.done $0x0  }
0xb4: {  	[sflag:s13] =	ssyncadd.s32 $0xFFFFD880  }
0xb5: {  	_ =	sfence.sel $0x180000  }
0xb6: {  	[bflag:$0x0] =	sbarrier.arrive $0xFFFF  }
0xb7: {  	_ =	strace $0x9000004A  }
0xb8: {  	s0 =	stileid.u32;
	[bflag:$0x2] =	sbarrier.arrive $0xFFFF  }
0xb9: {  	p0 =	sne.s32 s0, $0x0;
	s0 =	rddreg [dreg:$0x3]  }
0xba: {  	s0 =	sadd.s32 @!p0 $0x100000, s0  }
0xbb: {  	[sflag:s0] =	ssyncadd.tile.s32 @!p0 $0x1;
	_ =	shalt  }
.Lfunc_end2:
_tile_overlayer_lowered:
.L_overlay_start_2:
0xbc: {  	(tag) =	ssettag $0x2  }
0xbd: {  	s0 =	rddreg [dreg:$0x0];
	s2 =	stileid.u32  }
0xbe: {  	s1 =	rddreg [dreg:$0x1];
	p0 =	sne.s32 s2, $0x0  }
0xbf: {  	s3 =	rddreg [dreg:$0x2];
	[bflag:$0x3] =	sbarrier.arrive $0xFFFF;
	s2 =	simm.s32 @!p0 $0x1C05  }
0xc0: {  	[timem:s3], [sflag:s2] =	dma.local @!p0 [hbm:s0], s1  }
0xc1: {  	s0 =	simm.s32 @!p0 $0x5  }
0xc2: {  	_ =	swait.ge @!p0 [sflag:s0], s1  }
0xc3: {  	s1 =	ssub.s32 @!p0 $0x0, s1;
	[sflag:s0] =	ssyncset.done @!p0 $0x0  }
0xc4: {  	[sflag:s0] =	ssyncadd.s32 @!p0 s1  }
0xc5: {  	[bflag:$0x3] =	sbarrier.arrive $0xFFFF  }
0xc6: {  	_ =	shalt  }

// kernel: kernel.17.cloned.1.call-start
scs
__scs_entry_jumppad:
0x0: {  	(pc) =	sbr.rel $0x88, $3  }
0x1: {  	(tag) =	ssettag $0x0;
	lr =	simm.s32 $0x1  }
0x2: {  	[smem:$0x3F99] =	sst lr;
	_ =	strace $0xD0000000  }
0x3: {  	_ = 	snop  }
0x4: {  	_ = 	snop  }
0x5: {  	_ = 	snop  }
0x6: {  	_ = 	snop  }
0x7: {  	_ = 	snop  }
__scs_overlays_trampoline_lowered:
0x8: {  	[smem:$0x3FA8] =	sst s0  }
0x9: {  	[smem:$0x3FA9] =	sst s1  }
0xa: {  	[smem:$0x3FAA] =	sst s2  }
0xb: {  	[smem:$0x3FAB] =	sst s3  }
0xc: {  	[smem:$0x3FAC] =	sst s4  }
0xd: {  	[smem:$0x3FAD] =	sst s5  }
0xe: {  	[smem:$0x3FAE] =	sst s6  }
0xf: {  	[smem:$0x3FAF] =	sst s7  }
0x10: {  	[smem:$0x3FB0] =	sst s8  }
0x11: {  	[smem:$0x3FB1] =	sst s9;
	s0 =	simm.s32 @!p0 $0x0  }
0x12: {  	s1 =	sld [smem:$0x3F97];
	s0 =	simm.s32 @p0 $0x1  }
0x13: {  	[smem:$0x3FB2] =	sst s0;
	s0 =	simm.s32 @!p1 $0x0  }
0x14: {  	s2 =	sld [smem:$0x3F96];
	s0 =	simm.s32 @p1 $0x1  }
0x15: {  	[smem:$0x3FB3] =	sst s0;
	s0 =	simm.s32 @!p2 $0x0  }
0x16: {  	s3 =	sld [smem:$0x3FDB];
	s0 =	simm.s32 @p2 $0x1  }
0x17: {  	s4 =	simm.s32 $0x1BF5;
	[smem:$0x3FB5] =	sst s0  }
0x18: {  	s0 =	sld [smem:$0x3F98];
	_ =	swait.ge [sflag:s4], $0x0  }
0x19: {  	s7 =	sld [smem:$0x3F99]  }
0x1a: {  	s8 =	sadd.s32 $0xFFFFE003, lr  }
0x1b: {  	s9 =	sadd.s32 $0xFFFFFEF7, lr;
	s5 =	simm.s32 $0xFFFFFFFF;
	p2 =	slt.u32 s8, $0xFFFFF086  }
0x1c: {  	p1 =	slt.u32 s9, $0xF7A;
	s5 =	simm.s32 @!p2 $0x0  }
0x1d: {  	s5 =	simm.s32 @p1 $0x1;
	p0 =	seq.s32 s7, s2  }
0x1e: {  	s7 =	smul.u32 @!p0 $0xF7A, s2;
	p2 =	seq.s32 @!p0 s5, $0x0  }
0x1f: {  	s9 =	smul.u32 $0xF7A, s1;
	s8 =	simm.s32 @!p0 $0x1BF5;
	p2 =	por !p2, p0  }
0x20: {  	[sflag:s8] =	ssyncset.s32 @!p0 $0xFFFFF086;
	s6 =	sadd.s32 @!p0 s3, s7;
	s7 =	simm.s32 @!p0 $0x108  }
0x21: {  	s3 =	sadd.s32 s3, s9;
	s6 =	sadd.s32 @!p0 $0x88, s6;
	s7 =	simm.s32 @p2 $0x1082  }
0x22: {  	[simem:s7], [sflag:s8] =	dma.local @!p0 [hbm:s6], $0xF7A  }
0x23: {  	s9 =	sor.u32 $0xD0000000, s2;
	s6 =	simm.s32 $0x108;
	_ =	swait.ge @!p0 [sflag:s8], $0x0  }
0x24: {  	s3 =	sadd.s32 $0x88, s3;
	s6 =	simm.s32 @!p1 $0x1082;
	[sflag:s4] =	ssyncset.s32 $0xFFFFF086  }
0x25: {  	[simem:s6], [sflag:s4] =	dma.local [hbm:s3], $0xF7A  }
0x26: {  	[smem:$0x3F99] =	sst s1;
	(tag) =	ssettag s2;
	_ =	strace s9  }
0x27: {  	s1 =	sld [smem:$0x3FA9]  }
0x28: {  	s2 =	sld [smem:$0x3FAA]  }
0x29: {  	s4 =	sld [smem:$0x3FAC]  }
0x2a: {  	p0 =	seq.s32 s5, $0x0;
	s5 =	sld [smem:$0x3FAD]  }
0x2b: {  	s6 =	sld [smem:$0x3FAE]  }
0x2c: {  	s7 =	sld [smem:$0x3FAF]  }
0x2d: {  	s3 =	simm.s32 $0x108;
	s8 =	sld [smem:$0x3FB0]  }
0x2e: {  	s3 =	simm.s32 @!p0 $0x1082;
	s9 =	sld [smem:$0x3FB1]  }
0x2f: {  	lr =	sadd.s32 s0, s3;
	s0 =	sld [smem:$0x3FA8]  }
0x30: {  	s3 =	sld [smem:$0x3FAB]  }
0x31: {  	[smem:$0x3FB4] =	sst s10  }
0x32: {  	s10 =	sld [smem:$0x3FB2];
	_ =	sdelay $0x3  }
0x33: {  	p0 =	seq.s32 s10, $0x1;
	s10 =	sld [smem:$0x3FB4];
	_ =	sdelay $0x3  }
0x34: {  	[smem:$0x3FB4] =	sst s10  }
0x35: {  	s10 =	sld [smem:$0x3FB3];
	_ =	sdelay $0x3  }
0x36: {  	p1 =	seq.s32 s10, $0x1;
	s10 =	sld [smem:$0x3FB4];
	_ =	sdelay $0x3  }
0x37: {  	[smem:$0x3FB4] =	sst s10  }
0x38: {  	s10 =	sld [smem:$0x3FB5]  }
0x39: {  	_ = 	snop;
	(pc) =	sbr.ind lr, $3  }
0x3a: {  	_ = 	snop  }
0x3b: {  	_ = 	snop  }
0x3c: {  	p2 =	seq.s32 s10, $0x1;
	s10 =	sld [smem:$0x3FB4]  }
0x3d: {  	_ =	shalt  }
0x3e: {  	_ =	shalt  }
0x3f: {  	_ =	shalt  }
0x40: {  	_ =	shalt  }
0x41: {  	_ =	shalt  }
0x42: {  	_ =	shalt  }
0x43: {  	_ =	shalt  }
0x44: {  	_ =	shalt  }
0x45: {  	_ =	shalt  }
0x46: {  	_ =	shalt  }
0x47: {  	_ =	shalt  }
0x48: {  	_ =	shalt  }
0x49: {  	_ =	shalt  }
0x4a: {  	_ =	shalt  }
0x4b: {  	_ =	shalt  }
0x4c: {  	_ =	shalt  }
0x4d: {  	_ =	shalt  }
0x4e: {  	_ =	shalt  }
0x4f: {  	_ =	shalt  }
0x50: {  	_ =	shalt  }
0x51: {  	_ =	shalt  }
0x52: {  	_ =	shalt  }
0x53: {  	_ =	shalt  }
0x54: {  	_ =	shalt  }
0x55: {  	_ =	shalt  }
0x56: {  	_ =	shalt  }
0x57: {  	_ =	shalt  }
0x58: {  	_ =	shalt  }
0x59: {  	_ =	shalt  }
0x5a: {  	_ =	shalt  }
0x5b: {  	_ =	shalt  }
0x5c: {  	_ =	shalt  }
0x5d: {  	_ =	shalt  }
0x5e: {  	_ =	shalt  }
0x5f: {  	_ =	shalt  }
0x60: {  	_ =	shalt  }
0x61: {  	_ =	shalt  }
0x62: {  	_ =	shalt  }
0x63: {  	_ =	shalt  }
0x64: {  	_ =	shalt  }
0x65: {  	_ =	shalt  }
0x66: {  	_ =	shalt  }
0x67: {  	_ =	shalt  }
0x68: {  	_ =	shalt  }
0x69: {  	_ =	shalt  }
0x6a: {  	_ =	shalt  }
0x6b: {  	_ =	shalt  }
0x6c: {  	_ =	shalt  }
0x6d: {  	_ =	shalt  }
0x6e: {  	_ =	shalt  }
0x6f: {  	_ =	shalt  }
0x70: {  	_ =	shalt  }
0x71: {  	_ =	shalt  }
0x72: {  	_ =	shalt  }
0x73: {  	_ =	shalt  }
0x74: {  	_ =	shalt  }
0x75: {  	_ =	shalt  }
0x76: {  	_ =	shalt  }
0x77: {  	_ =	shalt  }
0x78: {  	_ =	shalt  }
0x79: {  	_ =	shalt  }
0x7a: {  	_ =	shalt  }
0x7b: {  	_ =	shalt  }
0x7c: {  	_ =	shalt  }
0x7d: {  	_ =	shalt  }
0x7e: {  	_ =	shalt  }
0x7f: {  	_ =	shalt  }
0x80: {  	_ =	shalt  }
0x81: {  	_ =	shalt  }
0x82: {  	_ =	shalt  }
0x83: {  	_ =	shalt  }
0x84: {  	_ =	shalt  }
0x85: {  	_ =	shalt  }
0x86: {  	_ =	shalt  }
0x87: {  	_ =	shalt  }
.Lfunc_end0:
.L_simem_size_0:
called_computation.2_lowered:
.L_overlay_start_0:
0x88: {  	s2 =	sld [smem:$0x3FD9]  }
0x89: {  	s3 =	sld [smem:$0x3FFE];
	_ =	sdelay $0x1  }
0x8a: {  	s1 =	srdreg.scid  }
0x8b: {  	s0 =	sand.u32 $0x1, s1  }
0x8c: {  	s17 =	sshll.u32 s0, $0xA;
	s2 =	sadd.s32 s3, s2  }
0x8d: {  	s2 =	sadd.s32 s2, s17  }
0x8e: {  	[smem:$0x3FC0] =	sst s2  }
0x8f: {  	_ = 	snop  }
0x90: {  	s2 =	sld [smem:$0x3FD0];
	(tm) =	ssettm $0x1  }
0x91: {  	s18 =	sld [smem:$0x3FFB];
	_ =	sdelay $0x3  }
0x92: {  	_ =	strace s18  }
0x93: {  	s3 =	sld [smem:$0x3FFC];
	_ =	sdelay $0x3  }
0x94: {  	_ =	strace s3  }
0x95: {  	s3 =	sld [smem:$0x3FFD];
	_ =	sdelay $0x3  }
0x96: {  	_ =	strace s3  }
0x97: {  	_ =	strace $0x8FFFFFFF  }
0x98: {  	s19 =	sld [smem:$0x3FDB];
	_ =	sdelay $0x1  }
0x99: {  	s4 =	simm.s32 $_scs_section_size  }
0x9a: {  	s5 =	simm.s32 $_size__tile_overlayer_lowered;
	s6 =	simm.s32 $_tile_overlayer_lowered  }
0x9b: {  	s22 =	simm.s32 $0x1BFF;
	s21 =	sshll.u32 s6, $0x1;
	s3 =	sadd.s32 s4, s19  }
0x9c: {  	s7 =	simm.s32 $0x0;
	s20 =	sshll.u32 s5, $0x1;
	s5 =	sadd.s32 s21, s3  }
0x9d: {  	[timem:s7], [sflag:s22] =	dma.local [hbm:s5], s20  }
0x9e: {  	_ =	swait.ge [sflag:s22], s20  }
0x9f: {  	s4 =	ssub.s32 $0x0, s20;
	[sflag:s22] =	ssyncset.done $0x0  }
0xa0: {  	[sflag:s22] =	ssyncadd.s32 s4;
	_ =	sdelay $0x1  }
0xa1: {  	s23 =	simm.s32 $0x1B8B  }
0xa2: {  	_ =	swait.ge [sflag:s23], $0x1  }
0xa3: {  	[sflag:s23] =	ssyncset.done $0x0  }
0xa4: {  	s25 =	simm.s32 $0x1B8E;
	s24 =	sld [smem:$0x3FFE];
	[sflag:s23] =	ssyncadd.s32 $0xFFFFFFFF  }
0xa5: {  	s26 =	simm.s32 $execute0_lowered;
	[smem:$0x3FD2] =	sst s25  }
0xa6: {  	s5 =	sshll.u32 s26, $0x1;
	_ =	strace $0x8000004C;
	[dreg:$0x1] =	wrdreg $0xFFFFFFFF  }
0xa7: {  	s28 =	simm.s32 $_size_execute0_lowered;
	s3 =	sadd.s32 s3, s5;
	[dreg:$0x0] =	wrdreg $0x0  }
0xa8: {  	s5 =	sshll.u32 s28, $0x1;
	[dreg:$0x2] =	wrdreg s3  }
0xa9: {  	[dreg:$0x3] =	wrdreg s5  }
0xaa: {  	[dreg:$0x4] =	wrdreg $0xC0  }
0xab: {  	_ =	task [dreg:s7], $0x5FFFF  }
0xac: {  	[dreg:$0x1] =	wrdreg $0xFFFFFFFF  }
0xad: {  	[dreg:$0x0] =	wrdreg $0x60  }
0xae: {  	[dreg:$0x2] =	wrdreg s2  }
0xaf: {  	[dreg:$0x3] =	wrdreg s24  }
0xb0: {  	[dreg:$0x4] =	wrdreg $0xA0000  }
0xb1: {  	[dreg:$0x5] =	wrdreg $0x9  }
0xb2: {  	_ =	task.clear_ibuf [dreg:s7], $0x6FFFF;
	_ =	strace $0x9000004C  }
0xb3: {  	s29 =	simm.s32 $0x9;
	_ =	strace $0x8000004E  }
0xb4: {  	_ =	swait.ge [sflag:s29], $0x1  }
0xb5: {  	[sflag:s29] =	ssyncadd.s32 $0xFFFFFFFF  }
0xb6: {  	_ =	strace $0x9000004E  }
0xb7: {  	_ =	sfence  }
0xb8: {  	s30 =	sld [smem:$0x0];
	_ =	sdelay $0x2  }
0xb9: {  	s31 =	sshll.u32 s1, $0xD;
	s1 =	sshrl.u32 s1, $0x2  }
0xba: {  	s3 =	sand.u32 $0x4000, s31;
	s1 =	sadd.s32 s1, s30  }
0xbb: {  	s0 =	sor.u32 s3, s0;
	s1 =	sshll.u32 s1, $0x11  }
0xbc: {  	s0 =	sor.u32 s1, s0  }
0xbd: {  	s0 =	sadd.s32 $0x8F2B, s0  }
0xbe: {  	[sflag:s0] =	ssyncadd.remote.s32 $0x1  }
0xbf: {  	_ =	sfence.sel $0xFFFF  }
0xc0: {  	[dreg:$0x0] =	wrdreg $0xFFFFFFFF;
	(pc) =	sbr.abs _section_cstart, $3  }
0xc1: {  	[dreg:$0x1] =	wrdreg $0xFFFFFFFF  }
0xc2: {  	_ =	task.clear_ibuf [dreg:s7], $0x2FFFF;
	_ =	strace $0x9FFFFFFF  }
0xc3: {  	(tm) =	ssettm $0x7FFFFFFF  }
tec
execute0_lowered:
.L_overlay_start_1:
0x0: {  	(tag) =	ssettag $0x1  }
0x1: {  	s1 =	rddreg [dreg:$0x0]  }
0x2: {  	s0 =	rddreg [dreg:$0x1]  }
0x3: {  	s2 =	rddreg [dreg:$0x2];
	s3 =	srdreg.scid;
	s4 =	simm.s32 $0x0  }
0x4: {  	s11 =	stileid.u32;
	s13 =	simm.s32 $0x5;
	s14 =	simm.s32 $0x1000  }
0x5: {  	s15 =	simm.s32 $0x40;
	s16 =	simm.s32 $0x2000;
	s17 =	simm.s32 $0x80  }
0x6: {  	s18 =	simm.s32 $0x4000;
	s19 =	simm.s32 $0x100;
	s20 =	simm.s32 $0x6000  }
0x7: {  	s28 =	simm.s32 $0x1E00;
	s29 =	simm.s32 $0x1E80;
	s30 =	simm.s32 $0x1F00  }
0x8: {  	s31 =	simm.s32 $0x1F80;
	s3 =	sand.u32 $0x1, s3;
	[smem:$0x7FF] =	sst s4  }
0x9: {  	s8 =	smul.u32 $0x13C00, s11;
	s5 =	sadd.s32 $0x68E00, s0;
	s6 =	sadd.s32 $0x54E00, s0  }
0xa: {  	s9 =	sadd.s32 $0x3600, s0;
	s10 =	smul.u32 $0x4F000, s11;
	s25 =	sshll.u32 s11, $0x6  }
0xb: {  	s7 =	smul.u32 $0x13C000, s3;
	_ =	strace $0x8000004D;
	s21 =	ssub.s32 $0x2, s3  }
0xc: {  	[dreg:$0x4] =	wrdreg s9;
	s3 =	sshll.u32 s3, $0x4;
	s22 =	sshrl.u32 s21, $0x1  }
0xd: {  	s3 =	sor.u32 s11, s3;
	s24 =	sshrl.u32 s10, $0x2;
	s7 =	sadd.s32 s8, s7  }
0xe: {  	s23 =	ssub.s32 s21, s22;
	s10 =	sadd.s32 s24, s2;
	s8 =	sor.u32 $0x1C05, s25  }
0xf: {  	s9 =	smul.u32 $0x5000, s3;
	s21 =	simm.s32 $0x8000;
	s22 =	simm.s32 $0x1  }
0x10: {  	s24 =	simm.s32 $0x3;
	s7 =	sshrl.u32 s7, $0x3;
	s26 =	smax.u32 s23, $0x1  }
0x11: {  	s3 =	sshrl.u32 s10, $0x3;
	s0 =	sadd.s32 s7, s0;
	[dreg:$0x6] =	wrdreg s26  }
0x12: {  	s25 =	simm.s32 $0x4;
	[dreg:$0x7] =	wrdreg s3;
	s0 =	sadd.s32 $0x5E00, s0  }
0x13: {  	s23 =	simm.s32 $0x2;
	s26 =	simm.s32 $0xF80;
	[dreg:$0x5] =	wrdreg s0  }
.LBB2_1:
0x14: {  	s0 =	rddreg [dreg:$0x4]  }
0x15: {  	[spmem:s3], [sflag:s8] =	dma.local [hbm:s0], $0x2780  }
0x16: {  	_ =	swait.ge [sflag:s13], $0x2780  }
0x17: {  	[sflag:s13] =	ssyncset.done $0x0  }
0x18: {  	[sflag:s13] =	ssyncadd.s32 $0xFFFFD880  }
0x19: {  	s12 =	smov.u32 s8;
	s0 =	simm.s32 $0x0;
	[bflag:$0x0] =	sbarrier.arrive $0xFFFF  }
.LBB2_2:
0x1a: {  	s3 =	sshll.u32 s0, $0xC  }
0x1b: {  	s3 =	sadd.s32 s9, s3  }
0x1c: {  	s3 =	sshrl.u32 s3, $0x3  }
0x1d: {  	s10 =	simm.s32 $0x0;
	s7 =	sadd.s32 s5, s3  }
0x1e: {  	[tilespmem:s10], [sflag:$0x5] =	stream.linear.gather [hbm4b:s7+s10], $0x1000, $0x38;
	[tilespmem:$0x1DC00] =	vst v63  }
0x1f: {  	_ =	swait.ge [sflag:s13], $0x1000  }
0x20: {  	[sflag:s13] =	ssyncset.done $0x0  }
0x21: {  	s3 =	sadd.s32 s6, s3;
	[sflag:s13] =	ssyncadd.s32 $0xFFFFF000  }
0x22: {  	[tilespmem:s14], [sflag:$0x5] =	stream.linear.gather [hbm4b:s3+s10], $0x1000, $0x38;
	[tilespmem:$0x1DC00] =	vst v63  }
0x23: {  	_ =	swait.ge [sflag:s13], $0x1000  }
0x24: {  	[sflag:s13] =	ssyncset.done $0x0  }
0x25: {  	[sflag:s13] =	ssyncadd.s32 $0xFFFFF000  }
0x26: {  	[tilespmem:s16], [sflag:$0x1] =	stream.indirect.gather [hbm4b:s1+s15], $0x80, s10, s15, $0xb8;
	[tilespmem:$0x1DC00] =	vst v63  }
0x27: {  	_ = 	snop  }
0x28: {  	[tilespmem:s18], [sflag:$0x2] =	stream.indirect.gather [hbm4b:s1+s15], $0x80, s17, s15, $0xb8;
	[tilespmem:$0x1DC00] =	vst v63  }
0x29: {  	_ = 	snop  }
0x2a: {  	[tilespmem:s20], [sflag:$0x3] =	stream.indirect.gather [hbm4b:s1+s15], $0x80, s19, s15, $0xb8;
	[tilespmem:$0x1DC00] =	vst v63  }
0x2b: {  	s7 =	simm.s32 $0x180  }
0x2c: {  	[tilespmem:s21], [sflag:$0x4] =	stream.indirect.gather [hbm4b:s1+s15], $0x80, s7, s15, $0xb8;
	[tilespmem:$0x1DC00] =	vst v63  }
0x2d: {  	_ =	swait.ge [sflag:s22], $0x2000  }
0x2e: {  	[sflag:s22] =	ssyncset.done $0x0  }
0x2f: {  	s8 =	simm.s32 $0x1000;
	[sflag:s22] =	ssyncadd.s32 $0xFFFFE000  }
0x30: {  	[spmem:s2] =	stream.indirect.scatter.add.f32 [tilespmem:s16], [sflag:$0x5], $0x80, s8, s15, $0xb8;
	[tilespmem:$0x1DC00] =	vst v63  }
0x31: {  	_ =	swait.ge [sflag:s13], $0x2000  }
0x32: {  	[sflag:s13] =	ssyncset.done $0x0  }
0x33: {  	s10 =	simm.s32 $0x200;
	[sflag:s13] =	ssyncadd.s32 $0xFFFFE000  }
0x34: {  	[tilespmem:s16], [sflag:$0x1] =	stream.indirect.gather [hbm4b:s1+s15], $0x80, s10, s15, $0xb8;
	[tilespmem:$0x1DC00] =	vst v63  }
0x35: {  	_ =	swait.ge [sflag:s23], $0x2000  }
0x36: {  	[sflag:s23] =	ssyncset.done $0x0  }
0x37: {  	s11 =	simm.s32 $0x1080;
	[sflag:s23] =	ssyncadd.s32 $0xFFFFE000  }
0x38: {  	[spmem:s2] =	stream.indirect.scatter.add.f32 [tilespmem:s18], [sflag:$0x5], $0x80, s11, s15, $0xb8;
	[tilespmem:$0x1DC00] =	vst v63  }
0x39: {  	_ =	swait.ge [sflag:s13], $0x2000  }
0x3a: {  	[sflag:s13] =	ssyncset.done $0x0  }
0x3b: {  	s7 =	simm.s32 $0x280;
	[sflag:s13] =	ssyncadd.s32 $0xFFFFE000  }
0x3c: {  	[tilespmem:s18], [sflag:$0x2] =	stream.indirect.gather [hbm4b:s1+s15], $0x80, s7, s15, $0xb8;
	[tilespmem:$0x1DC00] =	vst v63  }
0x3d: {  	_ =	swait.ge [sflag:s24], $0x2000  }
0x3e: {  	[sflag:s24] =	ssyncset.done $0x0  }
0x3f: {  	s8 =	simm.s32 $0x1100;
	[sflag:s24] =	ssyncadd.s32 $0xFFFFE000  }
0x40: {  	[spmem:s2] =	stream.indirect.scatter.add.f32 [tilespmem:s20], [sflag:$0x5], $0x80, s8, s15, $0xb8;
	[tilespmem:$0x1DC00] =	vst v63  }
0x41: {  	_ =	swait.ge [sflag:s13], $0x2000  }
0x42: {  	[sflag:s13] =	ssyncset.done $0x0  }
0x43: {  	s10 =	simm.s32 $0x300;
	[sflag:s13] =	ssyncadd.s32 $0xFFFFE000  }
0x44: {  	[tilespmem:s20], [sflag:$0x3] =	stream.indirect.gather [hbm4b:s1+s15], $0x80, s10, s15, $0xb8;
	[tilespmem:$0x1DC00] =	vst v63  }
0x45: {  	_ =	swait.ge [sflag:s25], $0x2000  }
0x46: {  	[sflag:s25] =	ssyncset.done $0x0  }
0x47: {  	s11 =	simm.s32 $0x1180;
	[sflag:s25] =	ssyncadd.s32 $0xFFFFE000  }
0x48: {  	[spmem:s2] =	stream.indirect.scatter.add.f32 [tilespmem:s21], [sflag:$0x5], $0x80, s11, s15, $0xb8;
	[tilespmem:$0x1DC00] =	vst v63  }
0x49: {  	_ =	swait.ge [sflag:s13], $0x2000  }
0x4a: {  	s3 =	simm.s32 $0x200;
	s7 =	simm.s32 $0x1000;
	[sflag:s13] =	ssyncset.done $0x0  }
.LBB2_3:
0x4b: {  	s8 =	sadd.s32 $0x180, s3  }
0x4c: {  	[sflag:s13] =	ssyncadd.s32 $0xFFFFE000;
	s10 =	smov.u32 s7;
	s11 =	sadd.s32 $0x800, s7  }
0x4d: {  	[tilespmem:s21], [sflag:$0x4] =	stream.indirect.gather [hbm4b:s1+s15], $0x80, s8, s15, $0xb8;
	[tilespmem:$0x1DC00] =	vst v63  }
0x4e: {  	p0 =	sne.s32 s7, $0x3000;
	_ =	swait.ge [sflag:s22], $0x2000  }
0x4f: {  	[sflag:s22] =	ssyncset.done $0x0  }
0x50: {  	s7 =	sadd.s32 $0x1000, s3;
	[sflag:s22] =	ssyncadd.s32 $0xFFFFE000  }
0x51: {  	[spmem:s2] =	stream.indirect.scatter.add.f32 [tilespmem:s16], [sflag:$0x5], $0x80, s7, s15, $0xb8;
	[tilespmem:$0x1DC00] =	vst v63  }
0x52: {  	_ =	swait.ge [sflag:s13], $0x2000  }
0x53: {  	[sflag:s13] =	ssyncset.done $0x0  }
0x54: {  	s7 =	sadd.s32 $0x200, s3;
	[sflag:s13] =	ssyncadd.s32 $0xFFFFE000  }
0x55: {  	[tilespmem:s16], [sflag:$0x1] =	stream.indirect.gather [hbm4b:s1+s15], $0x80, s7, s15, $0xb8;
	[tilespmem:$0x1DC00] =	vst v63  }
0x56: {  	_ =	swait.ge [sflag:s23], $0x2000  }
0x57: {  	[sflag:s23] =	ssyncset.done $0x0  }
0x58: {  	s7 =	sadd.s32 $0x1080, s3;
	[sflag:s23] =	ssyncadd.s32 $0xFFFFE000  }
0x59: {  	[spmem:s2] =	stream.indirect.scatter.add.f32 [tilespmem:s18], [sflag:$0x5], $0x80, s7, s15, $0xb8;
	[tilespmem:$0x1DC00] =	vst v63  }
0x5a: {  	_ =	swait.ge [sflag:s13], $0x2000  }
0x5b: {  	[sflag:s13] =	ssyncset.done $0x0  }
0x5c: {  	s7 =	sadd.s32 $0x280, s3;
	[sflag:s13] =	ssyncadd.s32 $0xFFFFE000  }
0x5d: {  	[tilespmem:s18], [sflag:$0x2] =	stream.indirect.gather [hbm4b:s1+s15], $0x80, s7, s15, $0xb8;
	[tilespmem:$0x1DC00] =	vst v63  }
0x5e: {  	_ =	swait.ge [sflag:s24], $0x2000  }
0x5f: {  	[sflag:s24] =	ssyncset.done $0x0  }
0x60: {  	s7 =	sadd.s32 $0x1100, s3;
	[sflag:s24] =	ssyncadd.s32 $0xFFFFE000  }
0x61: {  	[spmem:s2] =	stream.indirect.scatter.add.f32 [tilespmem:s20], [sflag:$0x5], $0x80, s7, s15, $0xb8;
	[tilespmem:$0x1DC00] =	vst v63  }
0x62: {  	_ =	swait.ge [sflag:s13], $0x2000  }
0x63: {  	[sflag:s13] =	ssyncset.done $0x0  }
0x64: {  	s7 =	sadd.s32 $0x300, s3;
	[sflag:s13] =	ssyncadd.s32 $0xFFFFE000  }
0x65: {  	[tilespmem:s20], [sflag:$0x3] =	stream.indirect.gather [hbm4b:s1+s15], $0x80, s7, s15, $0xb8;
	[tilespmem:$0x1DC00] =	vst v63  }
0x66: {  	_ =	swait.ge [sflag:s25], $0x2000  }
.Ltmp0:
0x67: {  	[sflag:s25] =	ssyncset.done $0x0;
	(pc) =	sbr.rel @p0 .LBB2_3-.Ltmp0, $4  }
0x68: {  	s3 =	sadd.s32 $0x1180, s3;
	[sflag:s25] =	ssyncadd.s32 $0xFFFFE000  }
0x69: {  	[spmem:s2] =	stream.indirect.scatter.add.f32 [tilespmem:s21], [sflag:$0x5], $0x80, s3, s15, $0xb8;
	[tilespmem:$0x1DC00] =	vst v63  }
0x6a: {  	_ =	swait.ge [sflag:s13], $0x2000  }
0x6b: {  	s7 =	smov.u32 s11;
	s3 =	sshra.s32 s10, $0x2;
	[sflag:s13] =	ssyncset.done $0x0  }
0x6c: {  	s7 =	sadd.s32 $0x180, s3;
	[sflag:s13] =	ssyncadd.s32 $0xFFFFE000  }
0x6d: {  	[tilespmem:s21], [sflag:$0x4] =	stream.indirect.gather [hbm4b:s1+s15], $0x80, s7, s15, $0xb8;
	[tilespmem:$0x1DC00] =	vst v63  }
0x6e: {  	_ =	swait.ge [sflag:s22], $0x2000  }
0x6f: {  	[sflag:s22] =	ssyncset.done $0x0  }
0x70: {  	s11 =	sadd.s32 $0x1000, s3;
	[sflag:s22] =	ssyncadd.s32 $0xFFFFE000  }
0x71: {  	[spmem:s2] =	stream.indirect.scatter.add.f32 [tilespmem:s16], [sflag:$0x5], $0x80, s11, s15, $0xb8;
	[tilespmem:$0x1DC00] =	vst v63  }
0x72: {  	_ =	swait.ge [sflag:s13], $0x2000  }
0x73: {  	[sflag:s13] =	ssyncset.done $0x0  }
0x74: {  	s8 =	sadd.s32 $0x200, s3;
	[sflag:s13] =	ssyncadd.s32 $0xFFFFE000  }
0x75: {  	[tilespmem:s16], [sflag:$0x1] =	stream.indirect.gather [hbm4b:s1+s15], $0x80, s8, s15, $0xb8;
	[tilespmem:$0x1DC00] =	vst v63  }
0x76: {  	_ =	swait.ge [sflag:s23], $0x2000  }
0x77: {  	[sflag:s23] =	ssyncset.done $0x0  }
0x78: {  	s10 =	sadd.s32 $0x1080, s3;
	[sflag:s23] =	ssyncadd.s32 $0xFFFFE000  }
0x79: {  	[spmem:s2] =	stream.indirect.scatter.add.f32 [tilespmem:s18], [sflag:$0x5], $0x80, s10, s15, $0xb8;
	[tilespmem:$0x1DC00] =	vst v63  }
0x7a: {  	_ =	swait.ge [sflag:s13], $0x2000  }
0x7b: {  	[sflag:s13] =	ssyncset.done $0x0  }
0x7c: {  	s11 =	sadd.s32 $0x280, s3;
	[sflag:s13] =	ssyncadd.s32 $0xFFFFE000  }
0x7d: {  	[tilespmem:s18], [sflag:$0x2] =	stream.indirect.gather [hbm4b:s1+s15], $0x80, s11, s15, $0xb8;
	[tilespmem:$0x1DC00] =	vst v63  }
0x7e: {  	_ =	swait.ge [sflag:s24], $0x2000  }
0x7f: {  	[sflag:s24] =	ssyncset.done $0x0  }
0x80: {  	s8 =	sadd.s32 $0x1100, s3;
	[sflag:s24] =	ssyncadd.s32 $0xFFFFE000  }
0x81: {  	[spmem:s2] =	stream.indirect.scatter.add.f32 [tilespmem:s20], [sflag:$0x5], $0x80, s8, s15, $0xb8;
	[tilespmem:$0x1DC00] =	vst v63  }
0x82: {  	_ =	swait.ge [sflag:s13], $0x2000  }
0x83: {  	[sflag:s13] =	ssyncset.done $0x0  }
0x84: {  	s10 =	sadd.s32 $0x300, s3;
	[sflag:s13] =	ssyncadd.s32 $0xFFFFE000  }
0x85: {  	[tilespmem:s20], [sflag:$0x3] =	stream.indirect.gather [hbm4b:s1+s15], $0x80, s10, s15, $0xb8;
	[tilespmem:$0x1DC00] =	vst v63  }
0x86: {  	_ =	swait.ge [sflag:s25], $0x2000  }
0x87: {  	[sflag:s25] =	ssyncset.done $0x0  }
0x88: {  	s11 =	sadd.s32 $0x1180, s3;
	[sflag:s25] =	ssyncadd.s32 $0xFFFFE000  }
0x89: {  	[spmem:s2] =	stream.indirect.scatter.add.f32 [tilespmem:s21], [sflag:$0x5], $0x80, s11, s15, $0xb8;
	[tilespmem:$0x1DC00] =	vst v63  }
0x8a: {  	_ =	swait.ge [sflag:s13], $0x2000  }
0x8b: {  	[sflag:s13] =	ssyncset.done $0x0  }
0x8c: {  	[sflag:s13] =	ssyncadd.s32 $0xFFFFE000  }
0x8d: {  	[tilespmem:s21], [sflag:$0x4] =	stream.indirect.gather [hbm4b:s1+s15], $0x80, s26, s15, $0xb8;
	[tilespmem:$0x1DC00] =	vst v63  }
0x8e: {  	_ =	swait.ge [sflag:s22], $0x2000  }
0x8f: {  	[sflag:s22] =	ssyncset.done $0x0  }
0x90: {  	[sflag:s22] =	ssyncadd.s32 $0xFFFFE000  }
0x91: {  	[spmem:s2] =	stream.indirect.scatter.add.f32 [tilespmem:s16], [sflag:$0x5], $0x80, s28, s15, $0xb8;
	[tilespmem:$0x1DC00] =	vst v63  }
0x92: {  	_ =	swait.ge [sflag:s13], $0x2000  }
0x93: {  	[sflag:s13] =	ssyncset.done $0x0  }
0x94: {  	[sflag:s13] =	ssyncadd.s32 $0xFFFFE000  }
0x95: {  	_ =	swait.ge [sflag:s23], $0x2000  }
0x96: {  	[sflag:s23] =	ssyncset.done $0x0  }
0x97: {  	[sflag:s23] =	ssyncadd.s32 $0xFFFFE000  }
0x98: {  	[spmem:s2] =	stream.indirect.scatter.add.f32 [tilespmem:s18], [sflag:$0x5], $0x80, s29, s15, $0xb8;
	[tilespmem:$0x1DC00] =	vst v63  }
0x99: {  	_ =	swait.ge [sflag:s13], $0x2000  }
0x9a: {  	[sflag:s13] =	ssyncset.done $0x0  }
0x9b: {  	[sflag:s13] =	ssyncadd.s32 $0xFFFFE000  }
0x9c: {  	_ =	swait.ge [sflag:s24], $0x2000  }
0x9d: {  	[sflag:s24] =	ssyncset.done $0x0  }
0x9e: {  	[sflag:s24] =	ssyncadd.s32 $0xFFFFE000  }
0x9f: {  	[spmem:s2] =	stream.indirect.scatter.add.f32 [tilespmem:s20], [sflag:$0x5], $0x80, s30, s15, $0xb8;
	[tilespmem:$0x1DC00] =	vst v63  }
0xa0: {  	_ =	swait.ge [sflag:s13], $0x2000  }
0xa1: {  	[sflag:s13] =	ssyncset.done $0x0  }
0xa2: {  	[sflag:s13] =	ssyncadd.s32 $0xFFFFE000  }
0xa3: {  	s0 =	sadd.s32 $0x1, s0;
	_ =	swait.ge [sflag:s25], $0x2000  }
0xa4: {  	p0 =	sne.s32 s0, $0x5;
	[sflag:s25] =	ssyncset.done $0x0  }
.Ltmp1:
0xa5: {  	[sflag:s25] =	ssyncadd.s32 $0xFFFFE000;
	(pc) =	sbr.rel @p0 .LBB2_2-.Ltmp1, $4  }
0xa6: {  	[spmem:s2] =	stream.indirect.scatter.add.f32 [tilespmem:s21], [sflag:$0x5], $0x80, s31, s15, $0xb8;
	[tilespmem:$0x1DC00] =	vst v63  }
0xa7: {  	_ =	swait.ge [sflag:s13], $0x2000  }
0xa8: {  	[sflag:s13] =	ssyncset.done $0x0  }
0xa9: {  	[sflag:s13] =	ssyncadd.s32 $0xFFFFE000  }
0xaa: {  	[bflag:$0x0] =	sbarrier.arrive $0xFFFF  }
0xab: {  	s0 =	rddreg [dreg:$0x5]  }
0xac: {  	s3 =	rddreg [dreg:$0x7]  }
0xad: {  	[hbm:s0], [sflag:s12] =	dma.local [spmem:s3], $0x2780  }
0xae: {  	_ =	swait.ge [sflag:s13], $0x2780  }
0xaf: {  	s8 =	smov.u32 s12;
	s4 =	sadd.s32 $0x1, s4;
	s12 =	rddreg [dreg:$0x6]  }
0xb0: {  	p0 =	sne.s32 s4, s12  }
.Ltmp2:
0xb1: {  	_ = 	snop;
	(pc) =	sbr.rel @p0 .LBB2_1-.Ltmp2, $3  }
0xb2: {  	_ =	sdelay $0x1  }
0xb3: {  	[sflag:s13] =	ssyncset.done $0x0  }
0xb4: {  	[sflag:s13] =	ssyncadd.s32 $0xFFFFD880  }
0xb5: {  	_ =	sfence.sel $0x180000  }
0xb6: {  	[bflag:$0x0] =	sbarrier.arrive $0xFFFF  }
0xb7: {  	_ =	strace $0x9000004D  }
0xb8: {  	s0 =	stileid.u32;
	[bflag:$0x2] =	sbarrier.arrive $0xFFFF  }
0xb9: {  	p0 =	sne.s32 s0, $0x0;
	s0 =	rddreg [dreg:$0x3]  }
0xba: {  	s0 =	sadd.s32 @!p0 $0x100000, s0  }
0xbb: {  	[sflag:s0] =	ssyncadd.tile.s32 @!p0 $0x1;
	_ =	shalt  }
.Lfunc_end2:
_tile_overlayer_lowered:
.L_overlay_start_2:
0xbc: {  	(tag) =	ssettag $0x2  }
0xbd: {  	s0 =	rddreg [dreg:$0x0];
	s2 =	stileid.u32  }
0xbe: {  	s1 =	rddreg [dreg:$0x1];
	p0 =	sne.s32 s2, $0x0  }
0xbf: {  	s3 =	rddreg [dreg:$0x2];
	[bflag:$0x3] =	sbarrier.arrive $0xFFFF;
	s2 =	simm.s32 @!p0 $0x1C05  }
0xc0: {  	[timem:s3], [sflag:s2] =	dma.local @!p0 [hbm:s0], s1  }
0xc1: {  	s0 =	simm.s32 @!p0 $0x5  }
0xc2: {  	_ =	swait.ge @!p0 [sflag:s0], s1  }
0xc3: {  	s1 =	ssub.s32 @!p0 $0x0, s1;
	[sflag:s0] =	ssyncset.done @!p0 $0x0  }
0xc4: {  	[sflag:s0] =	ssyncadd.s32 @!p0 s1  }
0xc5: {  	[bflag:$0x3] =	sbarrier.arrive $0xFFFF  }
0xc6: {  	_ =	shalt  }

// kernel: kernel.20.cloned.1.call-start
scs
__scs_entry_jumppad:
0x0: {  	(pc) =	sbr.rel $0x88, $3  }
0x1: {  	(tag) =	ssettag $0x0;
	lr =	simm.s32 $0x1  }
0x2: {  	[smem:$0x3F99] =	sst lr;
	_ =	strace $0xD0000000  }
0x3: {  	_ = 	snop  }
0x4: {  	_ = 	snop  }
0x5: {  	_ = 	snop  }
0x6: {  	_ = 	snop  }
0x7: {  	_ = 	snop  }
__scs_overlays_trampoline_lowered:
0x8: {  	[smem:$0x3FA8] =	sst s0  }
0x9: {  	[smem:$0x3FA9] =	sst s1  }
0xa: {  	[smem:$0x3FAA] =	sst s2  }
0xb: {  	[smem:$0x3FAB] =	sst s3  }
0xc: {  	[smem:$0x3FAC] =	sst s4  }
0xd: {  	[smem:$0x3FAD] =	sst s5  }
0xe: {  	[smem:$0x3FAE] =	sst s6  }
0xf: {  	[smem:$0x3FAF] =	sst s7  }
0x10: {  	[smem:$0x3FB0] =	sst s8  }
0x11: {  	[smem:$0x3FB1] =	sst s9;
	s0 =	simm.s32 @!p0 $0x0  }
0x12: {  	s1 =	sld [smem:$0x3F97];
	s0 =	simm.s32 @p0 $0x1  }
0x13: {  	[smem:$0x3FB2] =	sst s0;
	s0 =	simm.s32 @!p1 $0x0  }
0x14: {  	s2 =	sld [smem:$0x3F96];
	s0 =	simm.s32 @p1 $0x1  }
0x15: {  	[smem:$0x3FB3] =	sst s0;
	s0 =	simm.s32 @!p2 $0x0  }
0x16: {  	s3 =	sld [smem:$0x3FDB];
	s0 =	simm.s32 @p2 $0x1  }
0x17: {  	s4 =	simm.s32 $0x1BF5;
	[smem:$0x3FB5] =	sst s0  }
0x18: {  	s0 =	sld [smem:$0x3F98];
	_ =	swait.ge [sflag:s4], $0x0  }
0x19: {  	s7 =	sld [smem:$0x3F99]  }
0x1a: {  	s8 =	sadd.s32 $0xFFFFE003, lr  }
0x1b: {  	s9 =	sadd.s32 $0xFFFFFEF7, lr;
	s5 =	simm.s32 $0xFFFFFFFF;
	p2 =	slt.u32 s8, $0xFFFFF086  }
0x1c: {  	p1 =	slt.u32 s9, $0xF7A;
	s5 =	simm.s32 @!p2 $0x0  }
0x1d: {  	s5 =	simm.s32 @p1 $0x1;
	p0 =	seq.s32 s7, s2  }
0x1e: {  	s7 =	smul.u32 @!p0 $0xF7A, s2;
	p2 =	seq.s32 @!p0 s5, $0x0  }
0x1f: {  	s9 =	smul.u32 $0xF7A, s1;
	s8 =	simm.s32 @!p0 $0x1BF5;
	p2 =	por !p2, p0  }
0x20: {  	[sflag:s8] =	ssyncset.s32 @!p0 $0xFFFFF086;
	s6 =	sadd.s32 @!p0 s3, s7;
	s7 =	simm.s32 @!p0 $0x108  }
0x21: {  	s3 =	sadd.s32 s3, s9;
	s6 =	sadd.s32 @!p0 $0x88, s6;
	s7 =	simm.s32 @p2 $0x1082  }
0x22: {  	[simem:s7], [sflag:s8] =	dma.local @!p0 [hbm:s6], $0xF7A  }
0x23: {  	s9 =	sor.u32 $0xD0000000, s2;
	s6 =	simm.s32 $0x108;
	_ =	swait.ge @!p0 [sflag:s8], $0x0  }
0x24: {  	s3 =	sadd.s32 $0x88, s3;
	s6 =	simm.s32 @!p1 $0x1082;
	[sflag:s4] =	ssyncset.s32 $0xFFFFF086  }
0x25: {  	[simem:s6], [sflag:s4] =	dma.local [hbm:s3], $0xF7A  }
0x26: {  	[smem:$0x3F99] =	sst s1;
	(tag) =	ssettag s2;
	_ =	strace s9  }
0x27: {  	s1 =	sld [smem:$0x3FA9]  }
0x28: {  	s2 =	sld [smem:$0x3FAA]  }
0x29: {  	s4 =	sld [smem:$0x3FAC]  }
0x2a: {  	p0 =	seq.s32 s5, $0x0;
	s5 =	sld [smem:$0x3FAD]  }
0x2b: {  	s6 =	sld [smem:$0x3FAE]  }
0x2c: {  	s7 =	sld [smem:$0x3FAF]  }
0x2d: {  	s3 =	simm.s32 $0x108;
	s8 =	sld [smem:$0x3FB0]  }
0x2e: {  	s3 =	simm.s32 @!p0 $0x1082;
	s9 =	sld [smem:$0x3FB1]  }
0x2f: {  	lr =	sadd.s32 s0, s3;
	s0 =	sld [smem:$0x3FA8]  }
0x30: {  	s3 =	sld [smem:$0x3FAB]  }
0x31: {  	[smem:$0x3FB4] =	sst s10  }
0x32: {  	s10 =	sld [smem:$0x3FB2];
	_ =	sdelay $0x3  }
0x33: {  	p0 =	seq.s32 s10, $0x1;
	s10 =	sld [smem:$0x3FB4];
	_ =	sdelay $0x3  }
0x34: {  	[smem:$0x3FB4] =	sst s10  }
0x35: {  	s10 =	sld [smem:$0x3FB3];
	_ =	sdelay $0x3  }
0x36: {  	p1 =	seq.s32 s10, $0x1;
	s10 =	sld [smem:$0x3FB4];
	_ =	sdelay $0x3  }
0x37: {  	[smem:$0x3FB4] =	sst s10  }
0x38: {  	s10 =	sld [smem:$0x3FB5]  }
0x39: {  	_ = 	snop;
	(pc) =	sbr.ind lr, $3  }
0x3a: {  	_ = 	snop  }
0x3b: {  	_ = 	snop  }
0x3c: {  	p2 =	seq.s32 s10, $0x1;
	s10 =	sld [smem:$0x3FB4]  }
0x3d: {  	_ =	shalt  }
0x3e: {  	_ =	shalt  }
0x3f: {  	_ =	shalt  }
0x40: {  	_ =	shalt  }
0x41: {  	_ =	shalt  }
0x42: {  	_ =	shalt  }
0x43: {  	_ =	shalt  }
0x44: {  	_ =	shalt  }
0x45: {  	_ =	shalt  }
0x46: {  	_ =	shalt  }
0x47: {  	_ =	shalt  }
0x48: {  	_ =	shalt  }
0x49: {  	_ =	shalt  }
0x4a: {  	_ =	shalt  }
0x4b: {  	_ =	shalt  }
0x4c: {  	_ =	shalt  }
0x4d: {  	_ =	shalt  }
0x4e: {  	_ =	shalt  }
0x4f: {  	_ =	shalt  }
0x50: {  	_ =	shalt  }
0x51: {  	_ =	shalt  }
0x52: {  	_ =	shalt  }
0x53: {  	_ =	shalt  }
0x54: {  	_ =	shalt  }
0x55: {  	_ =	shalt  }
0x56: {  	_ =	shalt  }
0x57: {  	_ =	shalt  }
0x58: {  	_ =	shalt  }
0x59: {  	_ =	shalt  }
0x5a: {  	_ =	shalt  }
0x5b: {  	_ =	shalt  }
0x5c: {  	_ =	shalt  }
0x5d: {  	_ =	shalt  }
0x5e: {  	_ =	shalt  }
0x5f: {  	_ =	shalt  }
0x60: {  	_ =	shalt  }
0x61: {  	_ =	shalt  }
0x62: {  	_ =	shalt  }
0x63: {  	_ =	shalt  }
0x64: {  	_ =	shalt  }
0x65: {  	_ =	shalt  }
0x66: {  	_ =	shalt  }
0x67: {  	_ =	shalt  }
0x68: {  	_ =	shalt  }
0x69: {  	_ =	shalt  }
0x6a: {  	_ =	shalt  }
0x6b: {  	_ =	shalt  }
0x6c: {  	_ =	shalt  }
0x6d: {  	_ =	shalt  }
0x6e: {  	_ =	shalt  }
0x6f: {  	_ =	shalt  }
0x70: {  	_ =	shalt  }
0x71: {  	_ =	shalt  }
0x72: {  	_ =	shalt  }
0x73: {  	_ =	shalt  }
0x74: {  	_ =	shalt  }
0x75: {  	_ =	shalt  }
0x76: {  	_ =	shalt  }
0x77: {  	_ =	shalt  }
0x78: {  	_ =	shalt  }
0x79: {  	_ =	shalt  }
0x7a: {  	_ =	shalt  }
0x7b: {  	_ =	shalt  }
0x7c: {  	_ =	shalt  }
0x7d: {  	_ =	shalt  }
0x7e: {  	_ =	shalt  }
0x7f: {  	_ =	shalt  }
0x80: {  	_ =	shalt  }
0x81: {  	_ =	shalt  }
0x82: {  	_ =	shalt  }
0x83: {  	_ =	shalt  }
0x84: {  	_ =	shalt  }
0x85: {  	_ =	shalt  }
0x86: {  	_ =	shalt  }
0x87: {  	_ =	shalt  }
.Lfunc_end0:
.L_simem_size_0:
called_computation.3_lowered:
.L_overlay_start_0:
0x88: {  	s2 =	sld [smem:$0x3FD9]  }
0x89: {  	s3 =	sld [smem:$0x3FFE];
	_ =	sdelay $0x1  }
0x8a: {  	s1 =	srdreg.scid  }
0x8b: {  	s0 =	sand.u32 $0x1, s1  }
0x8c: {  	s16 =	sshll.u32 s0, $0xA;
	s2 =	sadd.s32 s3, s2  }
0x8d: {  	s2 =	sadd.s32 s2, s16  }
0x8e: {  	[smem:$0x3FC0] =	sst s2  }
0x8f: {  	_ = 	snop  }
0x90: {  	(tm) =	ssettm $0x1  }
0x91: {  	s17 =	sld [smem:$0x3FFB];
	_ =	sdelay $0x3  }
0x92: {  	_ =	strace s17  }
0x93: {  	s2 =	sld [smem:$0x3FFC];
	_ =	sdelay $0x3  }
0x94: {  	_ =	strace s2  }
0x95: {  	s2 =	sld [smem:$0x3FFD];
	_ =	sdelay $0x3  }
0x96: {  	_ =	strace s2  }
0x97: {  	_ =	strace $0x8FFFFFFF  }
0x98: {  	s18 =	sld [smem:$0x3FDB];
	_ =	sdelay $0x1  }
0x99: {  	s19 =	simm.s32 $_scs_section_size  }
0x9a: {  	s4 =	simm.s32 $_size__tile_overlayer_lowered;
	s5 =	simm.s32 $_tile_overlayer_lowered  }
0x9b: {  	s22 =	simm.s32 $0x1BFF;
	s21 =	sshll.u32 s5, $0x1;
	s2 =	sadd.s32 s19, s18  }
0x9c: {  	s6 =	simm.s32 $0x0;
	s20 =	sshll.u32 s4, $0x1;
	s4 =	sadd.s32 s21, s2  }
0x9d: {  	[timem:s6], [sflag:s22] =	dma.local [hbm:s4], s20  }
0x9e: {  	_ =	swait.ge [sflag:s22], s20  }
0x9f: {  	s3 =	ssub.s32 $0x0, s20;
	[sflag:s22] =	ssyncset.done $0x0  }
0xa0: {  	[sflag:s22] =	ssyncadd.s32 s3;
	_ =	sdelay $0x1  }
0xa1: {  	s23 =	simm.s32 $0x1B8B  }
0xa2: {  	_ =	swait.ge [sflag:s23], $0x1  }
0xa3: {  	[sflag:s23] =	ssyncset.done $0x0  }
0xa4: {  	s25 =	simm.s32 $0x1B8E;
	s24 =	sld [smem:$0x3FFE];
	[sflag:s23] =	ssyncadd.s32 $0xFFFFFFFF  }
0xa5: {  	s26 =	simm.s32 $execute0_lowered;
	[smem:$0x3FD2] =	sst s25  }
0xa6: {  	s4 =	sshll.u32 s26, $0x1;
	_ =	strace $0x8000004F;
	[dreg:$0x1] =	wrdreg $0xFFFFFFFF  }
0xa7: {  	s28 =	simm.s32 $_size_execute0_lowered;
	s2 =	sadd.s32 s2, s4;
	[dreg:$0x0] =	wrdreg $0x0  }
0xa8: {  	s4 =	sshll.u32 s28, $0x1;
	[dreg:$0x2] =	wrdreg s2  }
0xa9: {  	[dreg:$0x3] =	wrdreg s4  }
0xaa: {  	[dreg:$0x4] =	wrdreg $0xC0  }
0xab: {  	_ =	task [dreg:s6], $0x5FFFF  }
0xac: {  	[dreg:$0x1] =	wrdreg $0xFFFFFFFF  }
0xad: {  	[dreg:$0x0] =	wrdreg $0x60  }
0xae: {  	[dreg:$0x2] =	wrdreg s24  }
0xaf: {  	[dreg:$0x3] =	wrdreg $0xA0000  }
0xb0: {  	[dreg:$0x4] =	wrdreg $0x9  }
0xb1: {  	_ =	task.clear_ibuf [dreg:s6], $0x5FFFF;
	_ =	strace $0x9000004F  }
0xb2: {  	s29 =	simm.s32 $0x9;
	_ =	strace $0x80000051  }
0xb3: {  	_ =	swait.ge [sflag:s29], $0x1  }
0xb4: {  	[sflag:s29] =	ssyncadd.s32 $0xFFFFFFFF  }
0xb5: {  	_ =	strace $0x90000051  }
0xb6: {  	_ =	sfence  }
0xb7: {  	s30 =	sld [smem:$0x0];
	_ =	sdelay $0x2  }
0xb8: {  	s31 =	sshll.u32 s1, $0xD;
	s1 =	sshrl.u32 s1, $0x2  }
0xb9: {  	s3 =	sand.u32 $0x4000, s31;
	s1 =	sadd.s32 s1, s30  }
0xba: {  	s0 =	sor.u32 s3, s0;
	s1 =	sshll.u32 s1, $0x11  }
0xbb: {  	s0 =	sor.u32 s1, s0  }
0xbc: {  	s0 =	sadd.s32 $0x8F2B, s0  }
0xbd: {  	[sflag:s0] =	ssyncadd.remote.s32 $0x1  }
0xbe: {  	_ =	sfence.sel $0xFFFF  }
0xbf: {  	[dreg:$0x0] =	wrdreg $0xFFFFFFFF;
	(pc) =	sbr.abs _section_cstart, $3  }
0xc0: {  	[dreg:$0x1] =	wrdreg $0xFFFFFFFF  }
0xc1: {  	_ =	task.clear_ibuf [dreg:s6], $0x2FFFF;
	_ =	strace $0x9FFFFFFF  }
0xc2: {  	(tm) =	ssettm $0x7FFFFFFF  }
0xc3: {  	_ =	shalt  }
tec
execute0_lowered:
.L_overlay_start_1:
0x0: {  	(tag) =	ssettag $0x1  }
0x1: {  	s0 =	rddreg [dreg:$0x0]  }
0x2: {  	s1 =	rddreg [dreg:$0x1]  }
0x3: {  	s3 =	simm.s32 $0x0;
	s2 =	srdreg.scid;
	s11 =	stileid.u32  }
0x4: {  	s13 =	simm.s32 $0x5;
	s14 =	simm.s32 $0x1000;
	s15 =	simm.s32 $0x40  }
0x5: {  	s16 =	simm.s32 $0x2000;
	s17 =	simm.s32 $0x80;
	s18 =	simm.s32 $0x4000  }
0x6: {  	s19 =	simm.s32 $0x100;
	s20 =	simm.s32 $0x6000;
	s28 =	simm.s32 $0x1E00  }
0x7: {  	s29 =	simm.s32 $0x1E80;
	s30 =	simm.s32 $0x1F00;
	s31 =	simm.s32 $0x1F80  }
0x8: {  	[smem:$0x7FF] =	sst s3;
	s2 =	sand.u32 $0x1, s2;
	s8 =	smul.u32 $0x13C00, s11  }
0x9: {  	s4 =	sadd.s32 $0x5E00, s0;
	s5 =	sadd.s32 $0x68E00, s0;
	s6 =	sadd.s32 $0x54E00, s0  }
0xa: {  	s9 =	sadd.s32 $0x3600, s0;
	s10 =	smul.u32 $0x4F000, s11;
	s25 =	sshll.u32 s11, $0x6  }
0xb: {  	s7 =	smul.u32 $0x13C000, s2;
	_ =	strace $0x80000050;
	s21 =	ssub.s32 $0x2, s2  }
0xc: {  	[dreg:$0x3] =	wrdreg s9;
	s2 =	sshll.u32 s2, $0x4;
	s22 =	sshrl.u32 s21, $0x1  }
0xd: {  	s2 =	sor.u32 s11, s2;
	s24 =	sshrl.u32 s10, $0x2;
	s7 =	sadd.s32 s8, s7  }
0xe: {  	s23 =	ssub.s32 s21, s22;
	s10 =	sadd.s32 s24, s1;
	s8 =	sor.u32 $0x1C05, s25  }
0xf: {  	s9 =	smul.u32 $0x5000, s2;
	s21 =	simm.s32 $0x8000;
	s22 =	simm.s32 $0x1  }
0x10: {  	s24 =	simm.s32 $0x3;
	s7 =	sshrl.u32 s7, $0x3;
	s26 =	smax.u32 s23, $0x1  }
0x11: {  	s2 =	sshrl.u32 s10, $0x3;
	s0 =	sadd.s32 s7, s0;
	[dreg:$0x5] =	wrdreg s26  }
0x12: {  	s25 =	simm.s32 $0x4;
	[dreg:$0x6] =	wrdreg s2;
	s0 =	sadd.s32 $0x7CE00, s0  }
0x13: {  	s23 =	simm.s32 $0x2;
	s26 =	simm.s32 $0xF80;
	[dreg:$0x4] =	wrdreg s0  }
.LBB2_1:
0x14: {  	s0 =	rddreg [dreg:$0x3]  }
0x15: {  	[spmem:s2], [sflag:s8] =	dma.local [hbm:s0], $0x2780  }
0x16: {  	_ =	swait.ge [sflag:s13], $0x2780  }
0x17: {  	[sflag:s13] =	ssyncset.done $0x0  }
0x18: {  	[sflag:s13] =	ssyncadd.s32 $0xFFFFD880  }
0x19: {  	s12 =	smov.u32 s8;
	s0 =	simm.s32 $0x0;
	[bflag:$0x0] =	sbarrier.arrive $0xFFFF  }
.LBB2_2:
0x1a: {  	s2 =	sshll.u32 s0, $0xC  }
0x1b: {  	s2 =	sadd.s32 s9, s2  }
0x1c: {  	s2 =	sshrl.u32 s2, $0x3  }
0x1d: {  	s10 =	simm.s32 $0x0;
	s7 =	sadd.s32 s5, s2  }
0x1e: {  	[tilespmem:s10], [sflag:$0x5] =	stream.linear.gather [hbm4b:s7+s10], $0x1000, $0x38;
	[tilespmem:$0x1DC00] =	vst v63  }
0x1f: {  	_ =	swait.ge [sflag:s13], $0x1000  }
0x20: {  	[sflag:s13] =	ssyncset.done $0x0  }
0x21: {  	s2 =	sadd.s32 s6, s2;
	[sflag:s13] =	ssyncadd.s32 $0xFFFFF000  }
0x22: {  	[tilespmem:s14], [sflag:$0x5] =	stream.linear.gather [hbm4b:s2+s10], $0x1000, $0x38;
	[tilespmem:$0x1DC00] =	vst v63  }
0x23: {  	_ =	swait.ge [sflag:s13], $0x1000  }
0x24: {  	[sflag:s13] =	ssyncset.done $0x0  }
0x25: {  	[sflag:s13] =	ssyncadd.s32 $0xFFFFF000  }
0x26: {  	[tilespmem:s16], [sflag:$0x1] =	stream.indirect.gather [hbm4b:s4+s15], $0x80, s10, s15, $0xb8;
	[tilespmem:$0x1DC00] =	vst v63  }
0x27: {  	_ = 	snop  }
0x28: {  	[tilespmem:s18], [sflag:$0x2] =	stream.indirect.gather [hbm4b:s4+s15], $0x80, s17, s15, $0xb8;
	[tilespmem:$0x1DC00] =	vst v63  }
0x29: {  	_ = 	snop  }
0x2a: {  	[tilespmem:s20], [sflag:$0x3] =	stream.indirect.gather [hbm4b:s4+s15], $0x80, s19, s15, $0xb8;
	[tilespmem:$0x1DC00] =	vst v63  }
0x2b: {  	s7 =	simm.s32 $0x180  }
0x2c: {  	[tilespmem:s21], [sflag:$0x4] =	stream.indirect.gather [hbm4b:s4+s15], $0x80, s7, s15, $0xb8;
	[tilespmem:$0x1DC00] =	vst v63  }
0x2d: {  	_ =	swait.ge [sflag:s22], $0x2000  }
0x2e: {  	[sflag:s22] =	ssyncset.done $0x0  }
0x2f: {  	s8 =	simm.s32 $0x1000;
	[sflag:s22] =	ssyncadd.s32 $0xFFFFE000  }
0x30: {  	[spmem:s1] =	stream.indirect.scatter.add.f32 [tilespmem:s16], [sflag:$0x5], $0x80, s8, s15, $0xb8;
	[tilespmem:$0x1DC00] =	vst v63  }
0x31: {  	_ =	swait.ge [sflag:s13], $0x2000  }
0x32: {  	[sflag:s13] =	ssyncset.done $0x0  }
0x33: {  	s10 =	simm.s32 $0x200;
	[sflag:s13] =	ssyncadd.s32 $0xFFFFE000  }
0x34: {  	[tilespmem:s16], [sflag:$0x1] =	stream.indirect.gather [hbm4b:s4+s15], $0x80, s10, s15, $0xb8;
	[tilespmem:$0x1DC00] =	vst v63  }
0x35: {  	_ =	swait.ge [sflag:s23], $0x2000  }
0x36: {  	[sflag:s23] =	ssyncset.done $0x0  }
0x37: {  	s11 =	simm.s32 $0x1080;
	[sflag:s23] =	ssyncadd.s32 $0xFFFFE000  }
0x38: {  	[spmem:s1] =	stream.indirect.scatter.add.f32 [tilespmem:s18], [sflag:$0x5], $0x80, s11, s15, $0xb8;
	[tilespmem:$0x1DC00] =	vst v63  }
0x39: {  	_ =	swait.ge [sflag:s13], $0x2000  }
0x3a: {  	[sflag:s13] =	ssyncset.done $0x0  }
0x3b: {  	s7 =	simm.s32 $0x280;
	[sflag:s13] =	ssyncadd.s32 $0xFFFFE000  }
0x3c: {  	[tilespmem:s18], [sflag:$0x2] =	stream.indirect.gather [hbm4b:s4+s15], $0x80, s7, s15, $0xb8;
	[tilespmem:$0x1DC00] =	vst v63  }
0x3d: {  	_ =	swait.ge [sflag:s24], $0x2000  }
0x3e: {  	[sflag:s24] =	ssyncset.done $0x0  }
0x3f: {  	s8 =	simm.s32 $0x1100;
	[sflag:s24] =	ssyncadd.s32 $0xFFFFE000  }
0x40: {  	[spmem:s1] =	stream.indirect.scatter.add.f32 [tilespmem:s20], [sflag:$0x5], $0x80, s8, s15, $0xb8;
	[tilespmem:$0x1DC00] =	vst v63  }
0x41: {  	_ =	swait.ge [sflag:s13], $0x2000  }
0x42: {  	[sflag:s13] =	ssyncset.done $0x0  }
0x43: {  	s10 =	simm.s32 $0x300;
	[sflag:s13] =	ssyncadd.s32 $0xFFFFE000  }
0x44: {  	[tilespmem:s20], [sflag:$0x3] =	stream.indirect.gather [hbm4b:s4+s15], $0x80, s10, s15, $0xb8;
	[tilespmem:$0x1DC00] =	vst v63  }
0x45: {  	_ =	swait.ge [sflag:s25], $0x2000  }
0x46: {  	[sflag:s25] =	ssyncset.done $0x0  }
0x47: {  	s11 =	simm.s32 $0x1180;
	[sflag:s25] =	ssyncadd.s32 $0xFFFFE000  }
0x48: {  	[spmem:s1] =	stream.indirect.scatter.add.f32 [tilespmem:s21], [sflag:$0x5], $0x80, s11, s15, $0xb8;
	[tilespmem:$0x1DC00] =	vst v63  }
0x49: {  	_ =	swait.ge [sflag:s13], $0x2000  }
0x4a: {  	s2 =	simm.s32 $0x200;
	s7 =	simm.s32 $0x1000;
	[sflag:s13] =	ssyncset.done $0x0  }
.LBB2_3:
0x4b: {  	s8 =	sadd.s32 $0x180, s2  }
0x4c: {  	[sflag:s13] =	ssyncadd.s32 $0xFFFFE000;
	s10 =	smov.u32 s7;
	s11 =	sadd.s32 $0x800, s7  }
0x4d: {  	[tilespmem:s21], [sflag:$0x4] =	stream.indirect.gather [hbm4b:s4+s15], $0x80, s8, s15, $0xb8;
	[tilespmem:$0x1DC00] =	vst v63  }
0x4e: {  	p0 =	sne.s32 s7, $0x3000;
	_ =	swait.ge [sflag:s22], $0x2000  }
0x4f: {  	[sflag:s22] =	ssyncset.done $0x0  }
0x50: {  	s7 =	sadd.s32 $0x1000, s2;
	[sflag:s22] =	ssyncadd.s32 $0xFFFFE000  }
0x51: {  	[spmem:s1] =	stream.indirect.scatter.add.f32 [tilespmem:s16], [sflag:$0x5], $0x80, s7, s15, $0xb8;
	[tilespmem:$0x1DC00] =	vst v63  }
0x52: {  	_ =	swait.ge [sflag:s13], $0x2000  }
0x53: {  	[sflag:s13] =	ssyncset.done $0x0  }
0x54: {  	s7 =	sadd.s32 $0x200, s2;
	[sflag:s13] =	ssyncadd.s32 $0xFFFFE000  }
0x55: {  	[tilespmem:s16], [sflag:$0x1] =	stream.indirect.gather [hbm4b:s4+s15], $0x80, s7, s15, $0xb8;
	[tilespmem:$0x1DC00] =	vst v63  }
0x56: {  	_ =	swait.ge [sflag:s23], $0x2000  }
0x57: {  	[sflag:s23] =	ssyncset.done $0x0  }
0x58: {  	s7 =	sadd.s32 $0x1080, s2;
	[sflag:s23] =	ssyncadd.s32 $0xFFFFE000  }
0x59: {  	[spmem:s1] =	stream.indirect.scatter.add.f32 [tilespmem:s18], [sflag:$0x5], $0x80, s7, s15, $0xb8;
	[tilespmem:$0x1DC00] =	vst v63  }
0x5a: {  	_ =	swait.ge [sflag:s13], $0x2000  }
0x5b: {  	[sflag:s13] =	ssyncset.done $0x0  }
0x5c: {  	s7 =	sadd.s32 $0x280, s2;
	[sflag:s13] =	ssyncadd.s32 $0xFFFFE000  }
0x5d: {  	[tilespmem:s18], [sflag:$0x2] =	stream.indirect.gather [hbm4b:s4+s15], $0x80, s7, s15, $0xb8;
	[tilespmem:$0x1DC00] =	vst v63  }
0x5e: {  	_ =	swait.ge [sflag:s24], $0x2000  }
0x5f: {  	[sflag:s24] =	ssyncset.done $0x0  }
0x60: {  	s7 =	sadd.s32 $0x1100, s2;
	[sflag:s24] =	ssyncadd.s32 $0xFFFFE000  }
0x61: {  	[spmem:s1] =	stream.indirect.scatter.add.f32 [tilespmem:s20], [sflag:$0x5], $0x80, s7, s15, $0xb8;
	[tilespmem:$0x1DC00] =	vst v63  }
0x62: {  	_ =	swait.ge [sflag:s13], $0x2000  }
0x63: {  	[sflag:s13] =	ssyncset.done $0x0  }
0x64: {  	s7 =	sadd.s32 $0x300, s2;
	[sflag:s13] =	ssyncadd.s32 $0xFFFFE000  }
0x65: {  	[tilespmem:s20], [sflag:$0x3] =	stream.indirect.gather [hbm4b:s4+s15], $0x80, s7, s15, $0xb8;
	[tilespmem:$0x1DC00] =	vst v63  }
0x66: {  	_ =	swait.ge [sflag:s25], $0x2000  }
.Ltmp0:
0x67: {  	[sflag:s25] =	ssyncset.done $0x0;
	(pc) =	sbr.rel @p0 .LBB2_3-.Ltmp0, $4  }
0x68: {  	s2 =	sadd.s32 $0x1180, s2;
	[sflag:s25] =	ssyncadd.s32 $0xFFFFE000  }
0x69: {  	[spmem:s1] =	stream.indirect.scatter.add.f32 [tilespmem:s21], [sflag:$0x5], $0x80, s2, s15, $0xb8;
	[tilespmem:$0x1DC00] =	vst v63  }
0x6a: {  	_ =	swait.ge [sflag:s13], $0x2000  }
0x6b: {  	s7 =	smov.u32 s11;
	s2 =	sshra.s32 s10, $0x2;
	[sflag:s13] =	ssyncset.done $0x0  }
0x6c: {  	s7 =	sadd.s32 $0x180, s2;
	[sflag:s13] =	ssyncadd.s32 $0xFFFFE000  }
0x6d: {  	[tilespmem:s21], [sflag:$0x4] =	stream.indirect.gather [hbm4b:s4+s15], $0x80, s7, s15, $0xb8;
	[tilespmem:$0x1DC00] =	vst v63  }
0x6e: {  	_ =	swait.ge [sflag:s22], $0x2000  }
0x6f: {  	[sflag:s22] =	ssyncset.done $0x0  }
0x70: {  	s11 =	sadd.s32 $0x1000, s2;
	[sflag:s22] =	ssyncadd.s32 $0xFFFFE000  }
0x71: {  	[spmem:s1] =	stream.indirect.scatter.add.f32 [tilespmem:s16], [sflag:$0x5], $0x80, s11, s15, $0xb8;
	[tilespmem:$0x1DC00] =	vst v63  }
0x72: {  	_ =	swait.ge [sflag:s13], $0x2000  }
0x73: {  	[sflag:s13] =	ssyncset.done $0x0  }
0x74: {  	s8 =	sadd.s32 $0x200, s2;
	[sflag:s13] =	ssyncadd.s32 $0xFFFFE000  }
0x75: {  	[tilespmem:s16], [sflag:$0x1] =	stream.indirect.gather [hbm4b:s4+s15], $0x80, s8, s15, $0xb8;
	[tilespmem:$0x1DC00] =	vst v63  }
0x76: {  	_ =	swait.ge [sflag:s23], $0x2000  }
0x77: {  	[sflag:s23] =	ssyncset.done $0x0  }
0x78: {  	s10 =	sadd.s32 $0x1080, s2;
	[sflag:s23] =	ssyncadd.s32 $0xFFFFE000  }
0x79: {  	[spmem:s1] =	stream.indirect.scatter.add.f32 [tilespmem:s18], [sflag:$0x5], $0x80, s10, s15, $0xb8;
	[tilespmem:$0x1DC00] =	vst v63  }
0x7a: {  	_ =	swait.ge [sflag:s13], $0x2000  }
0x7b: {  	[sflag:s13] =	ssyncset.done $0x0  }
0x7c: {  	s11 =	sadd.s32 $0x280, s2;
	[sflag:s13] =	ssyncadd.s32 $0xFFFFE000  }
0x7d: {  	[tilespmem:s18], [sflag:$0x2] =	stream.indirect.gather [hbm4b:s4+s15], $0x80, s11, s15, $0xb8;
	[tilespmem:$0x1DC00] =	vst v63  }
0x7e: {  	_ =	swait.ge [sflag:s24], $0x2000  }
0x7f: {  	[sflag:s24] =	ssyncset.done $0x0  }
0x80: {  	s8 =	sadd.s32 $0x1100, s2;
	[sflag:s24] =	ssyncadd.s32 $0xFFFFE000  }
0x81: {  	[spmem:s1] =	stream.indirect.scatter.add.f32 [tilespmem:s20], [sflag:$0x5], $0x80, s8, s15, $0xb8;
	[tilespmem:$0x1DC00] =	vst v63  }
0x82: {  	_ =	swait.ge [sflag:s13], $0x2000  }
0x83: {  	[sflag:s13] =	ssyncset.done $0x0  }
0x84: {  	s10 =	sadd.s32 $0x300, s2;
	[sflag:s13] =	ssyncadd.s32 $0xFFFFE000  }
0x85: {  	[tilespmem:s20], [sflag:$0x3] =	stream.indirect.gather [hbm4b:s4+s15], $0x80, s10, s15, $0xb8;
	[tilespmem:$0x1DC00] =	vst v63  }
0x86: {  	_ =	swait.ge [sflag:s25], $0x2000  }
0x87: {  	[sflag:s25] =	ssyncset.done $0x0  }
0x88: {  	s11 =	sadd.s32 $0x1180, s2;
	[sflag:s25] =	ssyncadd.s32 $0xFFFFE000  }
0x89: {  	[spmem:s1] =	stream.indirect.scatter.add.f32 [tilespmem:s21], [sflag:$0x5], $0x80, s11, s15, $0xb8;
	[tilespmem:$0x1DC00] =	vst v63  }
0x8a: {  	_ =	swait.ge [sflag:s13], $0x2000  }
0x8b: {  	[sflag:s13] =	ssyncset.done $0x0  }
0x8c: {  	[sflag:s13] =	ssyncadd.s32 $0xFFFFE000  }
0x8d: {  	[tilespmem:s21], [sflag:$0x4] =	stream.indirect.gather [hbm4b:s4+s15], $0x80, s26, s15, $0xb8;
	[tilespmem:$0x1DC00] =	vst v63  }
0x8e: {  	_ =	swait.ge [sflag:s22], $0x2000  }
0x8f: {  	[sflag:s22] =	ssyncset.done $0x0  }
0x90: {  	[sflag:s22] =	ssyncadd.s32 $0xFFFFE000  }
0x91: {  	[spmem:s1] =	stream.indirect.scatter.add.f32 [tilespmem:s16], [sflag:$0x5], $0x80, s28, s15, $0xb8;
	[tilespmem:$0x1DC00] =	vst v63  }
0x92: {  	_ =	swait.ge [sflag:s13], $0x2000  }
0x93: {  	[sflag:s13] =	ssyncset.done $0x0  }
0x94: {  	[sflag:s13] =	ssyncadd.s32 $0xFFFFE000  }
0x95: {  	_ =	swait.ge [sflag:s23], $0x2000  }
0x96: {  	[sflag:s23] =	ssyncset.done $0x0  }
0x97: {  	[sflag:s23] =	ssyncadd.s32 $0xFFFFE000  }
0x98: {  	[spmem:s1] =	stream.indirect.scatter.add.f32 [tilespmem:s18], [sflag:$0x5], $0x80, s29, s15, $0xb8;
	[tilespmem:$0x1DC00] =	vst v63  }
0x99: {  	_ =	swait.ge [sflag:s13], $0x2000  }
0x9a: {  	[sflag:s13] =	ssyncset.done $0x0  }
0x9b: {  	[sflag:s13] =	ssyncadd.s32 $0xFFFFE000  }
0x9c: {  	_ =	swait.ge [sflag:s24], $0x2000  }
0x9d: {  	[sflag:s24] =	ssyncset.done $0x0  }
0x9e: {  	[sflag:s24] =	ssyncadd.s32 $0xFFFFE000  }
0x9f: {  	[spmem:s1] =	stream.indirect.scatter.add.f32 [tilespmem:s20], [sflag:$0x5], $0x80, s30, s15, $0xb8;
	[tilespmem:$0x1DC00] =	vst v63  }
0xa0: {  	_ =	swait.ge [sflag:s13], $0x2000  }
0xa1: {  	[sflag:s13] =	ssyncset.done $0x0  }
0xa2: {  	[sflag:s13] =	ssyncadd.s32 $0xFFFFE000  }
0xa3: {  	s0 =	sadd.s32 $0x1, s0;
	_ =	swait.ge [sflag:s25], $0x2000  }
0xa4: {  	p0 =	sne.s32 s0, $0x5;
	[sflag:s25] =	ssyncset.done $0x0  }
.Ltmp1:
0xa5: {  	[sflag:s25] =	ssyncadd.s32 $0xFFFFE000;
	(pc) =	sbr.rel @p0 .LBB2_2-.Ltmp1, $4  }
0xa6: {  	[spmem:s1] =	stream.indirect.scatter.add.f32 [tilespmem:s21], [sflag:$0x5], $0x80, s31, s15, $0xb8;
	[tilespmem:$0x1DC00] =	vst v63  }
0xa7: {  	_ =	swait.ge [sflag:s13], $0x2000  }
0xa8: {  	[sflag:s13] =	ssyncset.done $0x0  }
0xa9: {  	[sflag:s13] =	ssyncadd.s32 $0xFFFFE000  }
0xaa: {  	[bflag:$0x0] =	sbarrier.arrive $0xFFFF  }
0xab: {  	s0 =	rddreg [dreg:$0x4]  }
0xac: {  	s2 =	rddreg [dreg:$0x6]  }
0xad: {  	[hbm:s0], [sflag:s12] =	dma.local [spmem:s2], $0x2780  }
0xae: {  	_ =	swait.ge [sflag:s13], $0x2780  }
0xaf: {  	s8 =	smov.u32 s12;
	s3 =	sadd.s32 $0x1, s3;
	s12 =	rddreg [dreg:$0x5]  }
0xb0: {  	p0 =	sne.s32 s3, s12  }
.Ltmp2:
0xb1: {  	_ = 	snop;
	(pc) =	sbr.rel @p0 .LBB2_1-.Ltmp2, $3  }
0xb2: {  	_ =	sdelay $0x1  }
0xb3: {  	[sflag:s13] =	ssyncset.done $0x0  }
0xb4: {  	[sflag:s13] =	ssyncadd.s32 $0xFFFFD880  }
0xb5: {  	_ =	sfence.sel $0x180000  }
0xb6: {  	[bflag:$0x0] =	sbarrier.arrive $0xFFFF  }
0xb7: {  	_ =	strace $0x90000050  }
0xb8: {  	s0 =	stileid.u32;
	[bflag:$0x2] =	sbarrier.arrive $0xFFFF  }
0xb9: {  	p0 =	sne.s32 s0, $0x0;
	s0 =	rddreg [dreg:$0x2]  }
0xba: {  	s0 =	sadd.s32 @!p0 $0x100000, s0  }
0xbb: {  	[sflag:s0] =	ssyncadd.tile.s32 @!p0 $0x1;
	_ =	shalt  }
.Lfunc_end2:
_tile_overlayer_lowered:
.L_overlay_start_2:
0xbc: {  	(tag) =	ssettag $0x2  }
0xbd: {  	s0 =	rddreg [dreg:$0x0];
	s2 =	stileid.u32  }
0xbe: {  	s1 =	rddreg [dreg:$0x1];
	p0 =	sne.s32 s2, $0x0  }
0xbf: {  	s3 =	rddreg [dreg:$0x2];
	[bflag:$0x3] =	sbarrier.arrive $0xFFFF;
	s2 =	simm.s32 @!p0 $0x1C05  }
0xc0: {  	[timem:s3], [sflag:s2] =	dma.local @!p0 [hbm:s0], s1  }
0xc1: {  	s0 =	simm.s32 @!p0 $0x5  }
0xc2: {  	_ =	swait.ge @!p0 [sflag:s0], s1  }
0xc3: {  	s1 =	ssub.s32 @!p0 $0x0, s1;
	[sflag:s0] =	ssyncset.done @!p0 $0x0  }
0xc4: {  	[sflag:s0] =	ssyncadd.s32 @!p0 s1  }
0xc5: {  	[bflag:$0x3] =	sbarrier.arrive $0xFFFF  }
0xc6: {  	_ =	shalt  }

</sc_bundles>
